<compile_context>
chip_gen: v7x
topology: tpu7x:2x2x1
jax: 0.10.2.dev20260603
libtpu: 0.0.44.dev20260713+nightly
codegen_flags: <defaults>
</compile_context>

<pallas_src>
import functools

import jax
import jax.numpy as jnp
from jax import lax
from jax.experimental import pallas as pl
from jax.experimental.pallas import tpu as pltpu
from jax.experimental.pallas import tpu_sc as plsc

N = 10000
D = 128
E = 320000
C = 2

NC = 2
NS = 16
NW = NC * NS
EPW = E // NW
CH = 128
NCHUNK = 80
CHG = 64
NCHUNKG = 160
SRCPAD = NCHUNK * CH
NPAD = 10240
RPS = NPAD // NS


def _sc_agg(d, compute_deg):
    scratch = [
        pltpu.VMEM((SRCPAD,), jnp.int32),
        pltpu.VMEM((NCHUNKG, CHG), jnp.int32),
        pltpu.VMEM((CHG, d), jnp.float32),
        pltpu.VMEM((CHG, d), jnp.float32),
        pltpu.VMEM_SHARED((NPAD, d), jnp.float32),
        pltpu.SemaphoreType.DMA,
        pltpu.SemaphoreType.DMA,
    ]
    out_type = [jax.ShapeDtypeStruct((NC, NPAD, d), jnp.float32)]
    if compute_deg:
        scratch += [
            pltpu.VMEM((CHG,), jnp.float32),
            pltpu.VMEM((RPS,), jnp.float32),
            pltpu.VMEM_SHARED((NPAD,), jnp.float32),
        ]
        out_type.append(jax.ShapeDtypeStruct((NC, NPAD), jnp.float32))

    mesh = plsc.VectorSubcoreMesh(core_axis_name="c", subcore_axis_name="s")

    @functools.partial(pl.kernel, mesh=mesh, out_type=out_type,
                       scratch_types=scratch)
    def k(y_hbm, src_hbm, dst_hbm, agg_out, *rest):
        if compute_deg:
            (deg_out, srcidx, dstidx, rowsA, rowsB, acc, semA, semB,
             ones, zrow, dacc) = rest
        else:
            srcidx, dstidx, rowsA, rowsB, acc, semA, semB = rest
        c = lax.axis_index("c")
        s = lax.axis_index("s")
        wid = s * NC + c

        pltpu.sync_copy(src_hbm.at[wid], srcidx)
        pltpu.sync_copy(dst_hbm.at[wid], dstidx)

        def start(j, buf, sem):
            pltpu.async_copy(y_hbm.at[srcidx.at[pl.ds(j * CHG, CHG)]],
                             buf, sem)

        def drain(buf, sem):
            pltpu.make_async_copy(y_hbm.at[pl.ds(0, CHG)], buf, sem).wait()

        def zbody(kk, _):
            r = kk // (d // 16)
            i = kk % (d // 16)
            rowsA[r, pl.ds(i * 16, 16)] = jnp.zeros((16,), jnp.float32)
            return _
        lax.fori_loop(0, CHG * (d // 16), zbody, None)
        for t in range(RPS // CHG):
            pltpu.sync_copy(rowsA, acc.at[pl.ds(s * RPS + t * CHG, CHG)])
        if compute_deg:
            for i in range(CHG // 16):
                ones[pl.ds(i * 16, 16)] = jnp.ones((16,), jnp.float32)
            for i in range(RPS // 16):
                zrow[pl.ds(i * 16, 16)] = jnp.zeros((16,), jnp.float32)
            pltpu.sync_copy(zrow, dacc.at[pl.ds(s * RPS, RPS)])

        start(0, rowsA, semA)
        start(1, rowsB, semB)

        plsc.subcore_barrier()

        def pair(g, _):
            j0 = g * 2
            drain(rowsA, semA)
            pltpu.sync_copy(rowsA, acc.at[dstidx.at[j0]], add=True)
            if compute_deg:
                pltpu.sync_copy(ones, dacc.at[dstidx.at[j0]], add=True)

            @pl.when(j0 + 2 < NCHUNKG)
            def _nextA():
                start(j0 + 2, rowsA, semA)

            drain(rowsB, semB)
            pltpu.sync_copy(rowsB, acc.at[dstidx.at[j0 + 1]], add=True)
            if compute_deg:
                pltpu.sync_copy(ones, dacc.at[dstidx.at[j0 + 1]], add=True)

            @pl.when(j0 + 3 < NCHUNKG)
            def _nextB():
                start(j0 + 3, rowsB, semB)
            return _
        lax.fori_loop(0, NCHUNKG // 2, pair, None)

        plsc.subcore_barrier()

        pltpu.sync_copy(acc.at[pl.ds(s * RPS, RPS)],
                        agg_out.at[c, pl.ds(s * RPS, RPS)])
        if compute_deg:
            pltpu.sync_copy(dacc.at[pl.ds(s * RPS, RPS)],
                            deg_out.at[c, pl.ds(s * RPS, RPS)])

    return k


def _sc_agg2():
    scratch = [
        pltpu.VMEM((SRCPAD,), jnp.int32),
        pltpu.VMEM((NCHUNK, CH), jnp.int32),
        pltpu.VMEM((CH,), jnp.float32),
        pltpu.VMEM((CH,), jnp.float32),
        pltpu.VMEM((CH,), jnp.float32),
        pltpu.VMEM((CH,), jnp.float32),
        pltpu.VMEM((RPS,), jnp.float32),
        pltpu.VMEM_SHARED((NPAD,), jnp.float32),
        pltpu.VMEM_SHARED((NPAD,), jnp.float32),
        pltpu.SemaphoreType.DMA,
        pltpu.SemaphoreType.DMA,
        pltpu.SemaphoreType.DMA,
        pltpu.SemaphoreType.DMA,
    ]
    out_type = [jax.ShapeDtypeStruct((NC, NPAD), jnp.float32),
                jax.ShapeDtypeStruct((NC, NPAD), jnp.float32)]
    mesh = plsc.VectorSubcoreMesh(core_axis_name="c", subcore_axis_name="s")

    @functools.partial(pl.kernel, mesh=mesh, out_type=out_type,
                       scratch_types=scratch)
    def k(p0_hbm, p1_hbm, src_hbm, dst_hbm, out0, out1,
          srcidx, dstidx, v0a, v0b, v1a, v1b, zrow, acc0, acc1,
          s0a, s0b, s1a, s1b):
        c = lax.axis_index("c")
        s = lax.axis_index("s")
        wid = s * NC + c

        pltpu.sync_copy(src_hbm.at[wid], srcidx)
        pltpu.sync_copy(dst_hbm.at[wid], dstidx)

        def start(j, b0, b1, q0, q1):
            idx = srcidx.at[pl.ds(j * CH, CH)]
            pltpu.async_copy(p0_hbm.at[idx], b0, q0)
            pltpu.async_copy(p1_hbm.at[idx], b1, q1)

        def drain(b0, b1, q0, q1):
            pltpu.make_async_copy(p0_hbm.at[pl.ds(0, CH)], b0, q0).wait()
            pltpu.make_async_copy(p1_hbm.at[pl.ds(0, CH)], b1, q1).wait()

        start(0, v0a, v1a, s0a, s1a)
        start(1, v0b, v1b, s0b, s1b)

        for i in range(RPS // 16):
            zrow[pl.ds(i * 16, 16)] = jnp.zeros((16,), jnp.float32)
        pltpu.sync_copy(zrow, acc0.at[pl.ds(s * RPS, RPS)])
        pltpu.sync_copy(zrow, acc1.at[pl.ds(s * RPS, RPS)])

        plsc.subcore_barrier()

        def pair(g, _):
            j0 = g * 2
            drain(v0a, v1a, s0a, s1a)
            pltpu.sync_copy(v0a, acc0.at[dstidx.at[j0]], add=True)
            pltpu.sync_copy(v1a, acc1.at[dstidx.at[j0]], add=True)

            @pl.when(j0 + 2 < NCHUNK)
            def _nextA():
                start(j0 + 2, v0a, v1a, s0a, s1a)

            drain(v0b, v1b, s0b, s1b)
            pltpu.sync_copy(v0b, acc0.at[dstidx.at[j0 + 1]], add=True)
            pltpu.sync_copy(v1b, acc1.at[dstidx.at[j0 + 1]], add=True)

            @pl.when(j0 + 3 < NCHUNK)
            def _nextB():
                start(j0 + 3, v0b, v1b, s0b, s1b)
            return _
        lax.fori_loop(0, NCHUNK // 2, pair, None)

        plsc.subcore_barrier()

        pltpu.sync_copy(acc0.at[pl.ds(s * RPS, RPS)],
                        out0.at[c, pl.ds(s * RPS, RPS)])
        pltpu.sync_copy(acc1.at[pl.ds(s * RPS, RPS)],
                        out1.at[c, pl.ds(s * RPS, RPS)])

    return k


_agg_deg128 = _sc_agg(D, True)
_agg128 = _sc_agg(D, False)
_agg2 = _sc_agg2()

_R = 1000


def _row_spec(w):
    return pl.BlockSpec((_R, w), lambda i: (i, 0))


def _const_spec(h, w):
    return pl.BlockSpec((h, w), lambda i: (0, 0))


def _tc_layer_body(relu, aggA, aggB, degA, degB, x, Wl, Wr, bl, br, o_ref):
    deg = jnp.maximum(degA[...] + degB[...], 1.0)
    mean = (aggA[...] + aggB[...]) / deg
    o = (jnp.dot(mean, Wl[...], preferred_element_type=jnp.float32)
         + jnp.dot(x[...], Wr[...], preferred_element_type=jnp.float32)
         + bl[...] + br[...])
    ss = jnp.sum(o * o, axis=-1, keepdims=True)
    o = o * lax.rsqrt(jnp.maximum(ss, 1e-24))
    if relu:
        o = jnp.maximum(o, 0.0)
    o_ref[...] = o


def _tc0(aggA, aggB, degA, degB, x, Wl, Wr, bl, br):
    return pl.pallas_call(
        functools.partial(_tc_layer_body, True),
        grid=(N // _R,),
        in_specs=[_row_spec(D), _row_spec(D), _row_spec(1), _row_spec(1),
                  _row_spec(D), _const_spec(D, D), _const_spec(D, D),
                  _const_spec(1, D), _const_spec(1, D)],
        out_specs=_row_spec(D),
        out_shape=jax.ShapeDtypeStruct((N, D), jnp.float32),
    )(aggA, aggB, degA, degB, x, Wl, Wr, bl, br)


def _tc1_body(aggA, aggB, degA, degB, x, Wl, Wr, bl, br, Wlo16,
              h_ref, p_ref):
    deg = jnp.maximum(degA[...] + degB[...], 1.0)
    mean = (aggA[...] + aggB[...]) / deg
    o = (jnp.dot(mean, Wl[...], preferred_element_type=jnp.float32)
         + jnp.dot(x[...], Wr[...], preferred_element_type=jnp.float32)
         + bl[...] + br[...])
    ss = jnp.sum(o * o, axis=-1, keepdims=True)
    o = o * lax.rsqrt(jnp.maximum(ss, 1e-24))
    o = jnp.maximum(o, 0.0)
    h_ref[...] = o
    p_ref[...] = jnp.dot(o, Wlo16[...], preferred_element_type=jnp.float32)


def _tc1(aggA, aggB, degA, degB, x, Wl, Wr, bl, br, Wlo16):
    return pl.pallas_call(
        _tc1_body,
        grid=(N // _R,),
        in_specs=[_row_spec(D), _row_spec(D), _row_spec(1), _row_spec(1),
                  _row_spec(D), _const_spec(D, D), _const_spec(D, D),
                  _const_spec(1, D), _const_spec(1, D), _const_spec(D, 16)],
        out_specs=[_row_spec(D), _row_spec(16)],
        out_shape=[jax.ShapeDtypeStruct((N, D), jnp.float32),
                   jax.ShapeDtypeStruct((N, 16), jnp.float32)],
    )(aggA, aggB, degA, degB, x, Wl, Wr, bl, br, Wlo16)


def _tcf_body(a0A, a0B, a1A, a1B, degA, degB, h, Wro16, blo16, bro16,
              out_ref):
    deg = jnp.maximum(degA[...] + degB[...], 1.0)
    mean = jnp.concatenate(
        [(a0A[...] + a0B[...]) / deg, (a1A[...] + a1B[...]) / deg], axis=1)
    o16 = (jnp.dot(h[...], Wro16[...], preferred_element_type=jnp.float32)
           + blo16[...] + bro16[...])
    o = o16[:, :C] + mean
    ss = jnp.sum(o * o, axis=-1, keepdims=True)
    o = o * lax.rsqrt(jnp.maximum(ss, 1e-24))
    m = jnp.max(o, axis=-1, keepdims=True)
    lse = m + jnp.log(jnp.sum(jnp.exp(o - m), axis=-1, keepdims=True))
    out_ref[...] = o - lse


def _tcf(a0A, a0B, a1A, a1B, degA, degB, h, Wro16, blo16, bro16):
    return pl.pallas_call(
        _tcf_body,
        grid=(N // _R,),
        in_specs=[_row_spec(1), _row_spec(1), _row_spec(1), _row_spec(1),
                  _row_spec(1), _row_spec(1),
                  _row_spec(D), _const_spec(D, 16),
                  _const_spec(1, 16), _const_spec(1, 16)],
        out_specs=_row_spec(C),
        out_shape=jax.ShapeDtypeStruct((N, C), jnp.float32),
    )(a0A, a0B, a1A, a1B, degA, degB, h, Wro16, blo16, bro16)


def kernel(x, edge_index, Wl0, bl0, Wr0, br0, Wl1, bl1, Wr1, br1,
           Wlo, blo, Wro, bro):
    src = edge_index[0]
    dst = edge_index[1]

    src_p = jnp.pad(src.reshape(NW, EPW), ((0, 0), (0, SRCPAD - EPW)))
    dst_pad = jnp.pad(dst.reshape(NW, EPW), ((0, 0), (0, SRCPAD - EPW)),
                      constant_values=N)
    dst_pg = dst_pad.reshape(NW, NCHUNKG, CHG)
    dst_p = dst_pad.reshape(NW, NCHUNK, CH)

    agg0, deg = _agg_deg128(x, src_p, dst_pg)
    degA = deg[0, :N].reshape(N, 1)
    degB = deg[1, :N].reshape(N, 1)

    h1 = _tc0(agg0[0, :N], agg0[1, :N], degA, degB, x,
              Wl0, Wr0, bl0.reshape(1, D), br0.reshape(1, D))

    (agg1,) = _agg128(h1, src_p, dst_pg)

    Wlo16 = jnp.pad(Wlo, ((0, 0), (0, 16 - C)))
    h2, p16 = _tc1(agg1[0, :N], agg1[1, :N], degA, degB, h1,
                   Wl1, Wr1, bl1.reshape(1, D), br1.reshape(1, D), Wlo16)

    agg2c0, agg2c1 = _agg2(p16[:, 0], p16[:, 1], src_p, dst_p)

    Wro16 = jnp.pad(Wro, ((0, 0), (0, 16 - C)))
    blo16 = jnp.pad(blo, (0, 16 - C)).reshape(1, 16)
    bro16 = jnp.pad(bro, (0, 16 - C)).reshape(1, 16)
    return _tcf(agg2c0[0, :N].reshape(N, 1), agg2c0[1, :N].reshape(N, 1),
                agg2c1[0, :N].reshape(N, 1), agg2c1[1, :N].reshape(N, 1),
                degA, degB, h2, Wro16, blo16, bro16)

# --- scband reference (transcript-rebuilt; emitter-appended) ---
"""Pipeline reference for scband-sage-16381005267243 (READ-ONLY COPY).

The authoritative reference and input builder live on the scoring server;
editing this copy changes nothing except your own understanding.
"""

import jax, jax.numpy as jnp
import numpy as np

N = 10000
E = 320000
D = 128
H = 128
C = 2


def _glorot(key, shape):
    fan_in = shape[0]
    return jax.random.normal(key, shape, dtype=jnp.float32) * (1.0 / np.sqrt(fan_in))


def setup_inputs(seed: int = 0) -> dict:
    key = jax.random.key(seed)
    ks = jax.random.split(key, 16)
    x = jax.random.normal(ks[0], (N, D), dtype=jnp.float32)
    edge_index = jax.random.randint(ks[1], (2, E), 0, N, dtype=jnp.int32)
    inp = {
        'x': x,
        'edge_index': edge_index,
        'Wl0': _glorot(ks[2], (D, H)),
        'bl0': jnp.zeros((H,), jnp.float32),
        'Wr0': _glorot(ks[3], (D, H)),
        'br0': jnp.zeros((H,), jnp.float32),
        'Wl1': _glorot(ks[4], (H, H)),
        'bl1': jnp.zeros((H,), jnp.float32),
        'Wr1': _glorot(ks[5], (H, H)),
        'br1': jnp.zeros((H,), jnp.float32),
        'Wlo': _glorot(ks[6], (H, C)),
        'blo': jnp.zeros((C,), jnp.float32),
        'Wro': _glorot(ks[7], (H, C)),
        'bro': jnp.zeros((C,), jnp.float32),
    }
    return inp


def _sage_conv(x, edge_index, Wl, bl, Wr, br):
    # PyG SAGEConv(aggr='mean', normalize=True):
    #   out = lin_l(mean_{j in N(i)} x_j) + lin_r(x_i); out = l2_normalize(out)
    src = edge_index[0]
    dst = edge_index[1]
    n = x.shape[0]
    msg = jnp.take(x, src, axis=0)
    agg = jax.ops.segment_sum(msg, dst, num_segments=n)
    deg = jax.ops.segment_sum(jnp.ones((edge_index.shape[1],), x.dtype), dst, num_segments=n)
    mean = agg / jnp.clip(deg, 1.0, None)[:, None]
    out = mean @ Wl + bl + x @ Wr + br
    norm = jnp.linalg.norm(out, ord=2, axis=-1, keepdims=True)
    return out / jnp.maximum(norm, 1e-12)


def reference(x, edge_index, Wl0, bl0, Wr0, br0, Wl1, bl1, Wr1, br1, Wlo, blo, Wro, bro):
    h = jax.nn.relu(_sage_conv(x, edge_index, Wl0, bl0, Wr0, br0))
    h = jax.nn.relu(_sage_conv(h, edge_index, Wl1, bl1, Wr1, br1))
    out = _sage_conv(h, edge_index, Wlo, blo, Wro, bro)
    return jax.nn.log_softmax(out, axis=-1)

if __name__ == "__main__":
    import jax
    _d = setup_inputs()
    print(jax.jit(kernel)(*tuple(_d.values())))

</pallas_src>

<mosaic_0001>
#map = affine_map<(d0, d1) -> (0, 0)>
#map1 = affine_map<(d0, d1) -> (0, 0, 0)>
module attributes {stable_mosaic.version = 14 : i64} {
  func.func @k(%arg0: i32, %arg1: i32, %arg2: memref<10000x128xf32, #tpu.memory_space<hbm>>, %arg3: memref<32x10240xi32, #tpu.memory_space<hbm>>, %arg4: memref<32x160x64xi32, #tpu.memory_space<hbm>>, %arg5: memref<2x10240x128xf32, #tpu.memory_space<hbm>>, %arg6: memref<2x10240xf32, #tpu.memory_space<hbm>>, %arg7: memref<10240xi32, #tpu.memory_space<vmem>>, %arg8: memref<160x64xi32, #tpu.memory_space<vmem>>, %arg9: memref<64x128xf32, #tpu.memory_space<vmem>>, %arg10: memref<64x128xf32, #tpu.memory_space<vmem>>, %arg11: memref<10240x128xf32, #tpu.memory_space<vmem_shared>>, %arg12: memref<!tpu.dma_semaphore, #tpu.memory_space<semaphore_mem>>, %arg13: memref<!tpu.dma_semaphore, #tpu.memory_space<semaphore_mem>>, %arg14: memref<64xf32, #tpu.memory_space<vmem>>, %arg15: memref<640xf32, #tpu.memory_space<vmem>>, %arg16: memref<10240xf32, #tpu.memory_space<vmem_shared>>) attributes {dimension_semantics = [#tpu.dimension_semantics<core_parallel>, #tpu.dimension_semantics<subcore_parallel>], iteration_bounds = array<i64: 2, 16>, scalar_prefetch = 0 : i64, scratch_operands = 10 : i64, tpu.core_type = #tpu.core_type<sc_vector_subcore>, window_params = [{transform_indices = #map}, {transform_indices = #map}, {transform_indices = #map1}, {transform_indices = #map1}, {transform_indices = #map}]} {
    %mul3A = arith.constant 2 : i32
    %mul3A_0 = arith.muli %arg1, %mul3A : i32
    %add3A = arith.addi %mul3A_0, %arg0 : i32
    "tpu.region"() ({
      %run_scoped3A = tpu.sem_alloc : memref<!tpu.dma_semaphore, #tpu.memory_space<semaphore_mem>>
      %dma_start3A_332 = arith.constant 0 : i32
      %dma_start3A_333 = tpu.memref_slice %arg3[%add3A, %dma_start3A_332] : memref<32x10240xi32, #tpu.memory_space<hbm>> -> memref<1x10240xi32, #tpu.memory_space<hbm>>
      %dma_start3A_334 = tpu.memref_squeeze %dma_start3A_333 : memref<1x10240xi32, #tpu.memory_space<hbm>> -> memref<10240xi32, #tpu.memory_space<hbm>>
      %dma_start3A_335 = arith.constant 0 : i32
      %dma_start3A_336 = tpu.memref_slice %arg3[%add3A, %dma_start3A_335] : memref<32x10240xi32, #tpu.memory_space<hbm>> -> memref<1x10240xi32, #tpu.memory_space<hbm>>
      %dma_start3A_337 = tpu.memref_squeeze %dma_start3A_336 : memref<1x10240xi32, #tpu.memory_space<hbm>> -> memref<10240xi32, #tpu.memory_space<hbm>>
      tpu.enqueue_dma source(%dma_start3A_337 : memref<10240xi32, #tpu.memory_space<hbm>>) target(%arg7 : memref<10240xi32, #tpu.memory_space<vmem>>) target_semaphore(%run_scoped3A : memref<!tpu.dma_semaphore, #tpu.memory_space<semaphore_mem>>)
      %dma_wait3A = arith.constant 0 : i32
      %dma_wait3A_338 = tpu.memref_slice %arg3[%add3A, %dma_wait3A] : memref<32x10240xi32, #tpu.memory_space<hbm>> -> memref<1x10240xi32, #tpu.memory_space<hbm>>
      %dma_wait3A_339 = tpu.memref_squeeze %dma_wait3A_338 : memref<1x10240xi32, #tpu.memory_space<hbm>> -> memref<10240xi32, #tpu.memory_space<hbm>>
      %dma_wait3A_340 = arith.constant 0 : i32
      %dma_wait3A_341 = tpu.memref_slice %arg3[%add3A, %dma_wait3A_340] : memref<32x10240xi32, #tpu.memory_space<hbm>> -> memref<1x10240xi32, #tpu.memory_space<hbm>>
      %dma_wait3A_342 = tpu.memref_squeeze %dma_wait3A_341 : memref<1x10240xi32, #tpu.memory_space<hbm>> -> memref<10240xi32, #tpu.memory_space<hbm>>
      tpu.wait_dma2 semaphore(%run_scoped3A : memref<!tpu.dma_semaphore, #tpu.memory_space<semaphore_mem>>) src(%dma_wait3A_342 : memref<10240xi32, #tpu.memory_space<hbm>>) dst(%arg7 : memref<10240xi32, #tpu.memory_space<vmem>>)
      tpu.yield
    }) : () -> ()
    "tpu.region"() ({
      %run_scoped3A = tpu.sem_alloc : memref<!tpu.dma_semaphore, #tpu.memory_space<semaphore_mem>>
      %dma_start3A_332 = arith.constant 0 : i32
      %dma_start3A_333 = arith.constant 0 : i32
      %dma_start3A_334 = tpu.memref_slice %arg4[%add3A, %dma_start3A_332, %dma_start3A_333] : memref<32x160x64xi32, #tpu.memory_space<hbm>> -> memref<1x160x64xi32, #tpu.memory_space<hbm>>
      %dma_start3A_335 = tpu.memref_squeeze %dma_start3A_334 : memref<1x160x64xi32, #tpu.memory_space<hbm>> -> memref<160x64xi32, #tpu.memory_space<hbm>>
      %dma_start3A_336 = arith.constant 0 : i32
      %dma_start3A_337 = arith.constant 0 : i32
      %dma_start3A_338 = tpu.memref_slice %arg4[%add3A, %dma_start3A_336, %dma_start3A_337] : memref<32x160x64xi32, #tpu.memory_space<hbm>> -> memref<1x160x64xi32, #tpu.memory_space<hbm>>
      %dma_start3A_339 = tpu.memref_squeeze %dma_start3A_338 : memref<1x160x64xi32, #tpu.memory_space<hbm>> -> memref<160x64xi32, #tpu.memory_space<hbm>>
      tpu.enqueue_dma source(%dma_start3A_339 : memref<160x64xi32, #tpu.memory_space<hbm>>) target(%arg8 : memref<160x64xi32, #tpu.memory_space<vmem>>) target_semaphore(%run_scoped3A : memref<!tpu.dma_semaphore, #tpu.memory_space<semaphore_mem>>)
      %dma_wait3A = arith.constant 0 : i32
      %dma_wait3A_340 = arith.constant 0 : i32
      %dma_wait3A_341 = tpu.memref_slice %arg4[%add3A, %dma_wait3A, %dma_wait3A_340] : memref<32x160x64xi32, #tpu.memory_space<hbm>> -> memref<1x160x64xi32, #tpu.memory_space<hbm>>
      %dma_wait3A_342 = tpu.memref_squeeze %dma_wait3A_341 : memref<1x160x64xi32, #tpu.memory_space<hbm>> -> memref<160x64xi32, #tpu.memory_space<hbm>>
      %dma_wait3A_343 = arith.constant 0 : i32
      %dma_wait3A_344 = arith.constant 0 : i32
      %dma_wait3A_345 = tpu.memref_slice %arg4[%add3A, %dma_wait3A_343, %dma_wait3A_344] : memref<32x160x64xi32, #tpu.memory_space<hbm>> -> memref<1x160x64xi32, #tpu.memory_space<hbm>>
      %dma_wait3A_346 = tpu.memref_squeeze %dma_wait3A_345 : memref<1x160x64xi32, #tpu.memory_space<hbm>> -> memref<160x64xi32, #tpu.memory_space<hbm>>
      tpu.wait_dma2 semaphore(%run_scoped3A : memref<!tpu.dma_semaphore, #tpu.memory_space<semaphore_mem>>) src(%dma_wait3A_346 : memref<160x64xi32, #tpu.memory_space<hbm>>) dst(%arg8 : memref<160x64xi32, #tpu.memory_space<vmem>>)
      tpu.yield
    }) : () -> ()
    %scan3A = arith.constant 0 : i32
    %scan3A_1 = arith.constant 512 : i32
    %scan3A_2 = arith.addi %scan3A, %scan3A_1 : i32
    %scan3A_3 = arith.constant 1 : i32
    scf.for %scan3A_332 = %scan3A to %scan3A_2 step %scan3A_3  : i32 {
      %jit3A = arith.constant 8 : i32
      %div3A = arith.divsi %scan3A_332, %jit3A : i32
      %sign3A = arith.constant 0 : i32
      %sign3A_333 = arith.cmpi sgt, %scan3A_332, %sign3A : i32
      %sign3A_334 = arith.extui %sign3A_333 : i1 to i32
      %sign3A_335 = arith.constant 0 : i32
      %sign3A_336 = arith.cmpi slt, %scan3A_332, %sign3A_335 : i32
      %sign3A_337 = arith.extui %sign3A_336 : i1 to i32
      %sign3A_338 = arith.subi %sign3A_334, %sign3A_337 : i32
      %sign3A_339 = arith.constant 0 : i32
      %sign3A_340 = arith.cmpi sgt, %jit3A, %sign3A_339 : i32
      %sign3A_341 = arith.extui %sign3A_340 : i1 to i32
      %sign3A_342 = arith.constant 0 : i32
      %sign3A_343 = arith.cmpi slt, %jit3A, %sign3A_342 : i32
      %sign3A_344 = arith.extui %sign3A_343 : i1 to i32
      %sign3A_345 = arith.subi %sign3A_341, %sign3A_344 : i32
      %ne3A = arith.cmpi ne, %sign3A_338, %sign3A_345 : i32
      %rem3A = arith.remsi %scan3A_332, %jit3A : i32
      %ne3A_346 = arith.constant 0 : i32
      %ne3A_347 = arith.cmpi ne, %rem3A, %ne3A_346 : i32
      %and3A = arith.andi %ne3A, %ne3A_347 : i1
      %sub3A = arith.constant 1 : i32
      %sub3A_348 = arith.subi %div3A, %sub3A : i32
      %select_n3A = arith.select %and3A, %sub3A_348, %div3A : i32
      %jit3A_349 = arith.constant 8 : i32
      %eq3A = arith.constant 0 : i32
      %eq3A_350 = arith.cmpi eq, %jit3A_349, %eq3A : i32
      %jit3A_351 = arith.constant 1 : i32
      %select_n3A_352 = arith.select %eq3A_350, %jit3A_351, %jit3A_349 : i32
      %rem3A_353 = arith.remsi %scan3A_332, %select_n3A_352 : i32
      %ne3A_354 = arith.constant 0 : i32
      %ne3A_355 = arith.cmpi ne, %rem3A_353, %ne3A_354 : i32
      %lt3A = arith.constant 0 : i32
      %lt3A_356 = arith.cmpi slt, %rem3A_353, %lt3A : i32
      %lt3A_357 = arith.constant 0 : i32
      %lt3A_358 = arith.cmpi slt, %select_n3A_352, %lt3A_357 : i32
      %ne3A_359 = arith.xori %lt3A_356, %lt3A_358 : i1
      %and3A_360 = arith.andi %ne3A_359, %ne3A_355 : i1
      %add3A_361 = arith.addi %rem3A_353, %select_n3A_352 : i32
      %select_n3A_362 = arith.select %and3A_360, %add3A_361, %rem3A_353 : i32
      %broadcast_in_dim3A_363 = arith.constant 0.000000e+00 : f32
      %broadcast_in_dim3A_364 = vector.broadcast %broadcast_in_dim3A_363 : f32 to vector<16xf32>
      %mul3A_365 = arith.constant 16 : i32
      %mul3A_366 = arith.muli %select_n3A_362, %mul3A_365 : i32
      %swap3A_367 = arith.index_cast %select_n3A : i32 to index
      %swap3A_368 = arith.index_cast %mul3A_366 : i32 to index
      %swap3A_369 = tpu.vector_load %arg9[%swap3A_367, %swap3A_368] {strides = array<i32>} : memref<64x128xf32, #tpu.memory_space<vmem>>, vector<1x16xf32>,
      %swap3A_370 = vector.shape_cast %swap3A_369 : vector<1x16xf32> to vector<16xf32>
      %swap3A_371 = vector.shape_cast %broadcast_in_dim3A_364 : vector<16xf32> to vector<1x16xf32>
      tpu.vector_store %arg9[%swap3A_367, %swap3A_368], %swap3A_371 {strides = array<i32>} : memref<64x128xf32, #tpu.memory_space<vmem>>, vector<1x16xf32>,
    }
    %scan3A_4 = arith.constant 512 : i32
    %mul3A_5 = arith.constant 640 : i32
    %mul3A_6 = arith.muli %arg1, %mul3A_5 : i32
    %add3A_7 = arith.constant 0 : i32
    %add3A_8 = arith.addi %mul3A_6, %add3A_7 : i32
    "tpu.region"() ({
      %run_scoped3A = tpu.sem_alloc : memref<!tpu.dma_semaphore, #tpu.memory_space<semaphore_mem>>
      %dma_start3A_332 = arith.constant 0 : i32
      %dma_start3A_333 = tpu.memref_slice %arg11[%add3A_8, %dma_start3A_332] : memref<10240x128xf32, #tpu.memory_space<vmem_shared>> -> memref<64x128xf32, #tpu.memory_space<vmem_shared>>
      %dma_start3A_334 = arith.constant 0 : i32
      %dma_start3A_335 = tpu.memref_slice %arg11[%add3A_8, %dma_start3A_334] : memref<10240x128xf32, #tpu.memory_space<vmem_shared>> -> memref<64x128xf32, #tpu.memory_space<vmem_shared>>
      tpu.enqueue_dma source(%arg9 : memref<64x128xf32, #tpu.memory_space<vmem>>) target(%dma_start3A_335 : memref<64x128xf32, #tpu.memory_space<vmem_shared>>) target_semaphore(%run_scoped3A : memref<!tpu.dma_semaphore, #tpu.memory_space<semaphore_mem>>)
      %dma_wait3A = arith.constant 0 : i32
      %dma_wait3A_336 = tpu.memref_slice %arg11[%add3A_8, %dma_wait3A] : memref<10240x128xf32, #tpu.memory_space<vmem_shared>> -> memref<64x128xf32, #tpu.memory_space<vmem_shared>>
      %dma_wait3A_337 = arith.constant 0 : i32
      %dma_wait3A_338 = tpu.memref_slice %arg11[%add3A_8, %dma_wait3A_337] : memref<10240x128xf32, #tpu.memory_space<vmem_shared>> -> memref<64x128xf32, #tpu.memory_space<vmem_shared>>
      tpu.wait_dma2 semaphore(%run_scoped3A : memref<!tpu.dma_semaphore, #tpu.memory_space<semaphore_mem>>) src(%arg9 : memref<64x128xf32, #tpu.memory_space<vmem>>) dst(%dma_wait3A_338 : memref<64x128xf32, #tpu.memory_space<vmem_shared>>)
      tpu.yield
    }) : () -> ()
    %mul3A_9 = arith.constant 640 : i32
    %mul3A_10 = arith.muli %arg1, %mul3A_9 : i32
    %add3A_11 = arith.constant 64 : i32
    %add3A_12 = arith.addi %mul3A_10, %add3A_11 : i32
    "tpu.region"() ({
      %run_scoped3A = tpu.sem_alloc : memref<!tpu.dma_semaphore, #tpu.memory_space<semaphore_mem>>
      %dma_start3A_332 = arith.constant 0 : i32
      %dma_start3A_333 = tpu.memref_slice %arg11[%add3A_12, %dma_start3A_332] : memref<10240x128xf32, #tpu.memory_space<vmem_shared>> -> memref<64x128xf32, #tpu.memory_space<vmem_shared>>
      %dma_start3A_334 = arith.constant 0 : i32
      %dma_start3A_335 = tpu.memref_slice %arg11[%add3A_12, %dma_start3A_334] : memref<10240x128xf32, #tpu.memory_space<vmem_shared>> -> memref<64x128xf32, #tpu.memory_space<vmem_shared>>
      tpu.enqueue_dma source(%arg9 : memref<64x128xf32, #tpu.memory_space<vmem>>) target(%dma_start3A_335 : memref<64x128xf32, #tpu.memory_space<vmem_shared>>) target_semaphore(%run_scoped3A : memref<!tpu.dma_semaphore, #tpu.memory_space<semaphore_mem>>)
      %dma_wait3A = arith.constant 0 : i32
      %dma_wait3A_336 = tpu.memref_slice %arg11[%add3A_12, %dma_wait3A] : memref<10240x128xf32, #tpu.memory_space<vmem_shared>> -> memref<64x128xf32, #tpu.memory_space<vmem_shared>>
      %dma_wait3A_337 = arith.constant 0 : i32
      %dma_wait3A_338 = tpu.memref_slice %arg11[%add3A_12, %dma_wait3A_337] : memref<10240x128xf32, #tpu.memory_space<vmem_shared>> -> memref<64x128xf32, #tpu.memory_space<vmem_shared>>
      tpu.wait_dma2 semaphore(%run_scoped3A : memref<!tpu.dma_semaphore, #tpu.memory_space<semaphore_mem>>) src(%arg9 : memref<64x128xf32, #tpu.memory_space<vmem>>) dst(%dma_wait3A_338 : memref<64x128xf32, #tpu.memory_space<vmem_shared>>)
      tpu.yield
    }) : () -> ()
    %mul3A_13 = arith.constant 640 : i32
    %mul3A_14 = arith.muli %arg1, %mul3A_13 : i32
    %add3A_15 = arith.constant 128 : i32
    %add3A_16 = arith.addi %mul3A_14, %add3A_15 : i32
    "tpu.region"() ({
      %run_scoped3A = tpu.sem_alloc : memref<!tpu.dma_semaphore, #tpu.memory_space<semaphore_mem>>
      %dma_start3A_332 = arith.constant 0 : i32
      %dma_start3A_333 = tpu.memref_slice %arg11[%add3A_16, %dma_start3A_332] : memref<10240x128xf32, #tpu.memory_space<vmem_shared>> -> memref<64x128xf32, #tpu.memory_space<vmem_shared>>
      %dma_start3A_334 = arith.constant 0 : i32
      %dma_start3A_335 = tpu.memref_slice %arg11[%add3A_16, %dma_start3A_334] : memref<10240x128xf32, #tpu.memory_space<vmem_shared>> -> memref<64x128xf32, #tpu.memory_space<vmem_shared>>
      tpu.enqueue_dma source(%arg9 : memref<64x128xf32, #tpu.memory_space<vmem>>) target(%dma_start3A_335 : memref<64x128xf32, #tpu.memory_space<vmem_shared>>) target_semaphore(%run_scoped3A : memref<!tpu.dma_semaphore, #tpu.memory_space<semaphore_mem>>)
      %dma_wait3A = arith.constant 0 : i32
      %dma_wait3A_336 = tpu.memref_slice %arg11[%add3A_16, %dma_wait3A] : memref<10240x128xf32, #tpu.memory_space<vmem_shared>> -> memref<64x128xf32, #tpu.memory_space<vmem_shared>>
      %dma_wait3A_337 = arith.constant 0 : i32
      %dma_wait3A_338 = tpu.memref_slice %arg11[%add3A_16, %dma_wait3A_337] : memref<10240x128xf32, #tpu.memory_space<vmem_shared>> -> memref<64x128xf32, #tpu.memory_space<vmem_shared>>
      tpu.wait_dma2 semaphore(%run_scoped3A : memref<!tpu.dma_semaphore, #tpu.memory_space<semaphore_mem>>) src(%arg9 : memref<64x128xf32, #tpu.memory_space<vmem>>) dst(%dma_wait3A_338 : memref<64x128xf32, #tpu.memory_space<vmem_shared>>)
      tpu.yield
    }) : () -> ()
    %mul3A_17 = arith.constant 640 : i32
    %mul3A_18 = arith.muli %arg1, %mul3A_17 : i32
    %add3A_19 = arith.constant 192 : i32
    %add3A_20 = arith.addi %mul3A_18, %add3A_19 : i32
    "tpu.region"() ({
      %run_scoped3A = tpu.sem_alloc : memref<!tpu.dma_semaphore, #tpu.memory_space<semaphore_mem>>
      %dma_start3A_332 = arith.constant 0 : i32
      %dma_start3A_333 = tpu.memref_slice %arg11[%add3A_20, %dma_start3A_332] : memref<10240x128xf32, #tpu.memory_space<vmem_shared>> -> memref<64x128xf32, #tpu.memory_space<vmem_shared>>
      %dma_start3A_334 = arith.constant 0 : i32
      %dma_start3A_335 = tpu.memref_slice %arg11[%add3A_20, %dma_start3A_334] : memref<10240x128xf32, #tpu.memory_space<vmem_shared>> -> memref<64x128xf32, #tpu.memory_space<vmem_shared>>
      tpu.enqueue_dma source(%arg9 : memref<64x128xf32, #tpu.memory_space<vmem>>) target(%dma_start3A_335 : memref<64x128xf32, #tpu.memory_space<vmem_shared>>) target_semaphore(%run_scoped3A : memref<!tpu.dma_semaphore, #tpu.memory_space<semaphore_mem>>)
      %dma_wait3A = arith.constant 0 : i32
      %dma_wait3A_336 = tpu.memref_slice %arg11[%add3A_20, %dma_wait3A] : memref<10240x128xf32, #tpu.memory_space<vmem_shared>> -> memref<64x128xf32, #tpu.memory_space<vmem_shared>>
      %dma_wait3A_337 = arith.constant 0 : i32
      %dma_wait3A_338 = tpu.memref_slice %arg11[%add3A_20, %dma_wait3A_337] : memref<10240x128xf32, #tpu.memory_space<vmem_shared>> -> memref<64x128xf32, #tpu.memory_space<vmem_shared>>
      tpu.wait_dma2 semaphore(%run_scoped3A : memref<!tpu.dma_semaphore, #tpu.memory_space<semaphore_mem>>) src(%arg9 : memref<64x128xf32, #tpu.memory_space<vmem>>) dst(%dma_wait3A_338 : memref<64x128xf32, #tpu.memory_space<vmem_shared>>)
      tpu.yield
    }) : () -> ()
    %mul3A_21 = arith.constant 640 : i32
    %mul3A_22 = arith.muli %arg1, %mul3A_21 : i32
    %add3A_23 = arith.constant 256 : i32
    %add3A_24 = arith.addi %mul3A_22, %add3A_23 : i32
    "tpu.region"() ({
      %run_scoped3A = tpu.sem_alloc : memref<!tpu.dma_semaphore, #tpu.memory_space<semaphore_mem>>
      %dma_start3A_332 = arith.constant 0 : i32
      %dma_start3A_333 = tpu.memref_slice %arg11[%add3A_24, %dma_start3A_332] : memref<10240x128xf32, #tpu.memory_space<vmem_shared>> -> memref<64x128xf32, #tpu.memory_space<vmem_shared>>
      %dma_start3A_334 = arith.constant 0 : i32
      %dma_start3A_335 = tpu.memref_slice %arg11[%add3A_24, %dma_start3A_334] : memref<10240x128xf32, #tpu.memory_space<vmem_shared>> -> memref<64x128xf32, #tpu.memory_space<vmem_shared>>
      tpu.enqueue_dma source(%arg9 : memref<64x128xf32, #tpu.memory_space<vmem>>) target(%dma_start3A_335 : memref<64x128xf32, #tpu.memory_space<vmem_shared>>) target_semaphore(%run_scoped3A : memref<!tpu.dma_semaphore, #tpu.memory_space<semaphore_mem>>)
      %dma_wait3A = arith.constant 0 : i32
      %dma_wait3A_336 = tpu.memref_slice %arg11[%add3A_24, %dma_wait3A] : memref<10240x128xf32, #tpu.memory_space<vmem_shared>> -> memref<64x128xf32, #tpu.memory_space<vmem_shared>>
      %dma_wait3A_337 = arith.constant 0 : i32
      %dma_wait3A_338 = tpu.memref_slice %arg11[%add3A_24, %dma_wait3A_337] : memref<10240x128xf32, #tpu.memory_space<vmem_shared>> -> memref<64x128xf32, #tpu.memory_space<vmem_shared>>
      tpu.wait_dma2 semaphore(%run_scoped3A : memref<!tpu.dma_semaphore, #tpu.memory_space<semaphore_mem>>) src(%arg9 : memref<64x128xf32, #tpu.memory_space<vmem>>) dst(%dma_wait3A_338 : memref<64x128xf32, #tpu.memory_space<vmem_shared>>)
      tpu.yield
    }) : () -> ()
    %mul3A_25 = arith.constant 640 : i32
    %mul3A_26 = arith.muli %arg1, %mul3A_25 : i32
    %add3A_27 = arith.constant 320 : i32
    %add3A_28 = arith.addi %mul3A_26, %add3A_27 : i32
    "tpu.region"() ({
      %run_scoped3A = tpu.sem_alloc : memref<!tpu.dma_semaphore, #tpu.memory_space<semaphore_mem>>
      %dma_start3A_332 = arith.constant 0 : i32
      %dma_start3A_333 = tpu.memref_slice %arg11[%add3A_28, %dma_start3A_332] : memref<10240x128xf32, #tpu.memory_space<vmem_shared>> -> memref<64x128xf32, #tpu.memory_space<vmem_shared>>
      %dma_start3A_334 = arith.constant 0 : i32
      %dma_start3A_335 = tpu.memref_slice %arg11[%add3A_28, %dma_start3A_334] : memref<10240x128xf32, #tpu.memory_space<vmem_shared>> -> memref<64x128xf32, #tpu.memory_space<vmem_shared>>
      tpu.enqueue_dma source(%arg9 : memref<64x128xf32, #tpu.memory_space<vmem>>) target(%dma_start3A_335 : memref<64x128xf32, #tpu.memory_space<vmem_shared>>) target_semaphore(%run_scoped3A : memref<!tpu.dma_semaphore, #tpu.memory_space<semaphore_mem>>)
      %dma_wait3A = arith.constant 0 : i32
      %dma_wait3A_336 = tpu.memref_slice %arg11[%add3A_28, %dma_wait3A] : memref<10240x128xf32, #tpu.memory_space<vmem_shared>> -> memref<64x128xf32, #tpu.memory_space<vmem_shared>>
      %dma_wait3A_337 = arith.constant 0 : i32
      %dma_wait3A_338 = tpu.memref_slice %arg11[%add3A_28, %dma_wait3A_337] : memref<10240x128xf32, #tpu.memory_space<vmem_shared>> -> memref<64x128xf32, #tpu.memory_space<vmem_shared>>
      tpu.wait_dma2 semaphore(%run_scoped3A : memref<!tpu.dma_semaphore, #tpu.memory_space<semaphore_mem>>) src(%arg9 : memref<64x128xf32, #tpu.memory_space<vmem>>) dst(%dma_wait3A_338 : memref<64x128xf32, #tpu.memory_space<vmem_shared>>)
      tpu.yield
    }) : () -> ()
    %mul3A_29 = arith.constant 640 : i32
    %mul3A_30 = arith.muli %arg1, %mul3A_29 : i32
    %add3A_31 = arith.constant 384 : i32
    %add3A_32 = arith.addi %mul3A_30, %add3A_31 : i32
    "tpu.region"() ({
      %run_scoped3A = tpu.sem_alloc : memref<!tpu.dma_semaphore, #tpu.memory_space<semaphore_mem>>
      %dma_start3A_332 = arith.constant 0 : i32
      %dma_start3A_333 = tpu.memref_slice %arg11[%add3A_32, %dma_start3A_332] : memref<10240x128xf32, #tpu.memory_space<vmem_shared>> -> memref<64x128xf32, #tpu.memory_space<vmem_shared>>
      %dma_start3A_334 = arith.constant 0 : i32
      %dma_start3A_335 = tpu.memref_slice %arg11[%add3A_32, %dma_start3A_334] : memref<10240x128xf32, #tpu.memory_space<vmem_shared>> -> memref<64x128xf32, #tpu.memory_space<vmem_shared>>
      tpu.enqueue_dma source(%arg9 : memref<64x128xf32, #tpu.memory_space<vmem>>) target(%dma_start3A_335 : memref<64x128xf32, #tpu.memory_space<vmem_shared>>) target_semaphore(%run_scoped3A : memref<!tpu.dma_semaphore, #tpu.memory_space<semaphore_mem>>)
      %dma_wait3A = arith.constant 0 : i32
      %dma_wait3A_336 = tpu.memref_slice %arg11[%add3A_32, %dma_wait3A] : memref<10240x128xf32, #tpu.memory_space<vmem_shared>> -> memref<64x128xf32, #tpu.memory_space<vmem_shared>>
      %dma_wait3A_337 = arith.constant 0 : i32
      %dma_wait3A_338 = tpu.memref_slice %arg11[%add3A_32, %dma_wait3A_337] : memref<10240x128xf32, #tpu.memory_space<vmem_shared>> -> memref<64x128xf32, #tpu.memory_space<vmem_shared>>
      tpu.wait_dma2 semaphore(%run_scoped3A : memref<!tpu.dma_semaphore, #tpu.memory_space<semaphore_mem>>) src(%arg9 : memref<64x128xf32, #tpu.memory_space<vmem>>) dst(%dma_wait3A_338 : memref<64x128xf32, #tpu.memory_space<vmem_shared>>)
      tpu.yield
    }) : () -> ()
    %mul3A_33 = arith.constant 640 : i32
    %mul3A_34 = arith.muli %arg1, %mul3A_33 : i32
    %add3A_35 = arith.constant 448 : i32
    %add3A_36 = arith.addi %mul3A_34, %add3A_35 : i32
    "tpu.region"() ({
      %run_scoped3A = tpu.sem_alloc : memref<!tpu.dma_semaphore, #tpu.memory_space<semaphore_mem>>
      %dma_start3A_332 = arith.constant 0 : i32
      %dma_start3A_333 = tpu.memref_slice %arg11[%add3A_36, %dma_start3A_332] : memref<10240x128xf32, #tpu.memory_space<vmem_shared>> -> memref<64x128xf32, #tpu.memory_space<vmem_shared>>
      %dma_start3A_334 = arith.constant 0 : i32
      %dma_start3A_335 = tpu.memref_slice %arg11[%add3A_36, %dma_start3A_334] : memref<10240x128xf32, #tpu.memory_space<vmem_shared>> -> memref<64x128xf32, #tpu.memory_space<vmem_shared>>
      tpu.enqueue_dma source(%arg9 : memref<64x128xf32, #tpu.memory_space<vmem>>) target(%dma_start3A_335 : memref<64x128xf32, #tpu.memory_space<vmem_shared>>) target_semaphore(%run_scoped3A : memref<!tpu.dma_semaphore, #tpu.memory_space<semaphore_mem>>)
      %dma_wait3A = arith.constant 0 : i32
      %dma_wait3A_336 = tpu.memref_slice %arg11[%add3A_36, %dma_wait3A] : memref<10240x128xf32, #tpu.memory_space<vmem_shared>> -> memref<64x128xf32, #tpu.memory_space<vmem_shared>>
      %dma_wait3A_337 = arith.constant 0 : i32
      %dma_wait3A_338 = tpu.memref_slice %arg11[%add3A_36, %dma_wait3A_337] : memref<10240x128xf32, #tpu.memory_space<vmem_shared>> -> memref<64x128xf32, #tpu.memory_space<vmem_shared>>
      tpu.wait_dma2 semaphore(%run_scoped3A : memref<!tpu.dma_semaphore, #tpu.memory_space<semaphore_mem>>) src(%arg9 : memref<64x128xf32, #tpu.memory_space<vmem>>) dst(%dma_wait3A_338 : memref<64x128xf32, #tpu.memory_space<vmem_shared>>)
      tpu.yield
    }) : () -> ()
    %mul3A_37 = arith.constant 640 : i32
    %mul3A_38 = arith.muli %arg1, %mul3A_37 : i32
    %add3A_39 = arith.constant 512 : i32
    %add3A_40 = arith.addi %mul3A_38, %add3A_39 : i32
    "tpu.region"() ({
      %run_scoped3A = tpu.sem_alloc : memref<!tpu.dma_semaphore, #tpu.memory_space<semaphore_mem>>
      %dma_start3A_332 = arith.constant 0 : i32
      %dma_start3A_333 = tpu.memref_slice %arg11[%add3A_40, %dma_start3A_332] : memref<10240x128xf32, #tpu.memory_space<vmem_shared>> -> memref<64x128xf32, #tpu.memory_space<vmem_shared>>
      %dma_start3A_334 = arith.constant 0 : i32
      %dma_start3A_335 = tpu.memref_slice %arg11[%add3A_40, %dma_start3A_334] : memref<10240x128xf32, #tpu.memory_space<vmem_shared>> -> memref<64x128xf32, #tpu.memory_space<vmem_shared>>
      tpu.enqueue_dma source(%arg9 : memref<64x128xf32, #tpu.memory_space<vmem>>) target(%dma_start3A_335 : memref<64x128xf32, #tpu.memory_space<vmem_shared>>) target_semaphore(%run_scoped3A : memref<!tpu.dma_semaphore, #tpu.memory_space<semaphore_mem>>)
      %dma_wait3A = arith.constant 0 : i32
      %dma_wait3A_336 = tpu.memref_slice %arg11[%add3A_40, %dma_wait3A] : memref<10240x128xf32, #tpu.memory_space<vmem_shared>> -> memref<64x128xf32, #tpu.memory_space<vmem_shared>>
      %dma_wait3A_337 = arith.constant 0 : i32
      %dma_wait3A_338 = tpu.memref_slice %arg11[%add3A_40, %dma_wait3A_337] : memref<10240x128xf32, #tpu.memory_space<vmem_shared>> -> memref<64x128xf32, #tpu.memory_space<vmem_shared>>
      tpu.wait_dma2 semaphore(%run_scoped3A : memref<!tpu.dma_semaphore, #tpu.memory_space<semaphore_mem>>) src(%arg9 : memref<64x128xf32, #tpu.memory_space<vmem>>) dst(%dma_wait3A_338 : memref<64x128xf32, #tpu.memory_space<vmem_shared>>)
      tpu.yield
    }) : () -> ()
    %mul3A_41 = arith.constant 640 : i32
    %mul3A_42 = arith.muli %arg1, %mul3A_41 : i32
    %add3A_43 = arith.constant 576 : i32
    %add3A_44 = arith.addi %mul3A_42, %add3A_43 : i32
    "tpu.region"() ({
      %run_scoped3A = tpu.sem_alloc : memref<!tpu.dma_semaphore, #tpu.memory_space<semaphore_mem>>
      %dma_start3A_332 = arith.constant 0 : i32
      %dma_start3A_333 = tpu.memref_slice %arg11[%add3A_44, %dma_start3A_332] : memref<10240x128xf32, #tpu.memory_space<vmem_shared>> -> memref<64x128xf32, #tpu.memory_space<vmem_shared>>
      %dma_start3A_334 = arith.constant 0 : i32
      %dma_start3A_335 = tpu.memref_slice %arg11[%add3A_44, %dma_start3A_334] : memref<10240x128xf32, #tpu.memory_space<vmem_shared>> -> memref<64x128xf32, #tpu.memory_space<vmem_shared>>
      tpu.enqueue_dma source(%arg9 : memref<64x128xf32, #tpu.memory_space<vmem>>) target(%dma_start3A_335 : memref<64x128xf32, #tpu.memory_space<vmem_shared>>) target_semaphore(%run_scoped3A : memref<!tpu.dma_semaphore, #tpu.memory_space<semaphore_mem>>)
      %dma_wait3A = arith.constant 0 : i32
      %dma_wait3A_336 = tpu.memref_slice %arg11[%add3A_44, %dma_wait3A] : memref<10240x128xf32, #tpu.memory_space<vmem_shared>> -> memref<64x128xf32, #tpu.memory_space<vmem_shared>>
      %dma_wait3A_337 = arith.constant 0 : i32
      %dma_wait3A_338 = tpu.memref_slice %arg11[%add3A_44, %dma_wait3A_337] : memref<10240x128xf32, #tpu.memory_space<vmem_shared>> -> memref<64x128xf32, #tpu.memory_space<vmem_shared>>
      tpu.wait_dma2 semaphore(%run_scoped3A : memref<!tpu.dma_semaphore, #tpu.memory_space<semaphore_mem>>) src(%arg9 : memref<64x128xf32, #tpu.memory_space<vmem>>) dst(%dma_wait3A_338 : memref<64x128xf32, #tpu.memory_space<vmem_shared>>)
      tpu.yield
    }) : () -> ()
    %broadcast_in_dim3A = arith.constant 1.000000e+00 : f32
    %broadcast_in_dim3A_45 = vector.broadcast %broadcast_in_dim3A : f32 to vector<16xf32>
    %swap3A = arith.constant 0 : index
    %swap3A_46 = tpu.vector_load %arg14[%swap3A] {strides = array<i32>} : memref<64xf32, #tpu.memory_space<vmem>>, vector<16xf32>,
    %swap3A_47 = vector.shape_cast %swap3A_46 : vector<16xf32> to vector<16xf32>
    %swap3A_48 = vector.shape_cast %broadcast_in_dim3A_45 : vector<16xf32> to vector<16xf32>
    tpu.vector_store %arg14[%swap3A], %swap3A_48 {strides = array<i32>} : memref<64xf32, #tpu.memory_space<vmem>>, vector<16xf32>,
    %broadcast_in_dim3A_49 = arith.constant 1.000000e+00 : f32
    %broadcast_in_dim3A_50 = vector.broadcast %broadcast_in_dim3A_49 : f32 to vector<16xf32>
    %swap3A_51 = arith.constant 16 : index
    %swap3A_52 = tpu.vector_load %arg14[%swap3A_51] {strides = array<i32>} : memref<64xf32, #tpu.memory_space<vmem>>, vector<16xf32>,
    %swap3A_53 = vector.shape_cast %swap3A_52 : vector<16xf32> to vector<16xf32>
    %swap3A_54 = vector.shape_cast %broadcast_in_dim3A_50 : vector<16xf32> to vector<16xf32>
    tpu.vector_store %arg14[%swap3A_51], %swap3A_54 {strides = array<i32>} : memref<64xf32, #tpu.memory_space<vmem>>, vector<16xf32>,
    %broadcast_in_dim3A_55 = arith.constant 1.000000e+00 : f32
    %broadcast_in_dim3A_56 = vector.broadcast %broadcast_in_dim3A_55 : f32 to vector<16xf32>
    %swap3A_57 = arith.constant 32 : index
    %swap3A_58 = tpu.vector_load %arg14[%swap3A_57] {strides = array<i32>} : memref<64xf32, #tpu.memory_space<vmem>>, vector<16xf32>,
    %swap3A_59 = vector.shape_cast %swap3A_58 : vector<16xf32> to vector<16xf32>
    %swap3A_60 = vector.shape_cast %broadcast_in_dim3A_56 : vector<16xf32> to vector<16xf32>
    tpu.vector_store %arg14[%swap3A_57], %swap3A_60 {strides = array<i32>} : memref<64xf32, #tpu.memory_space<vmem>>, vector<16xf32>,
    %broadcast_in_dim3A_61 = arith.constant 1.000000e+00 : f32
    %broadcast_in_dim3A_62 = vector.broadcast %broadcast_in_dim3A_61 : f32 to vector<16xf32>
    %swap3A_63 = arith.constant 48 : index
    %swap3A_64 = tpu.vector_load %arg14[%swap3A_63] {strides = array<i32>} : memref<64xf32, #tpu.memory_space<vmem>>, vector<16xf32>,
    %swap3A_65 = vector.shape_cast %swap3A_64 : vector<16xf32> to vector<16xf32>
    %swap3A_66 = vector.shape_cast %broadcast_in_dim3A_62 : vector<16xf32> to vector<16xf32>
    tpu.vector_store %arg14[%swap3A_63], %swap3A_66 {strides = array<i32>} : memref<64xf32, #tpu.memory_space<vmem>>, vector<16xf32>,
    %broadcast_in_dim3A_67 = arith.constant 0.000000e+00 : f32
    %broadcast_in_dim3A_68 = vector.broadcast %broadcast_in_dim3A_67 : f32 to vector<16xf32>
    %swap3A_69 = arith.constant 0 : index
    %swap3A_70 = tpu.vector_load %arg15[%swap3A_69] {strides = array<i32>} : memref<640xf32, #tpu.memory_space<vmem>>, vector<16xf32>,
    %swap3A_71 = vector.shape_cast %swap3A_70 : vector<16xf32> to vector<16xf32>
    %swap3A_72 = vector.shape_cast %broadcast_in_dim3A_68 : vector<16xf32> to vector<16xf32>
    tpu.vector_store %arg15[%swap3A_69], %swap3A_72 {strides = array<i32>} : memref<640xf32, #tpu.memory_space<vmem>>, vector<16xf32>,
    %broadcast_in_dim3A_73 = arith.constant 0.000000e+00 : f32
    %broadcast_in_dim3A_74 = vector.broadcast %broadcast_in_dim3A_73 : f32 to vector<16xf32>
    %swap3A_75 = arith.constant 16 : index
    %swap3A_76 = tpu.vector_load %arg15[%swap3A_75] {strides = array<i32>} : memref<640xf32, #tpu.memory_space<vmem>>, vector<16xf32>,
    %swap3A_77 = vector.shape_cast %swap3A_76 : vector<16xf32> to vector<16xf32>
    %swap3A_78 = vector.shape_cast %broadcast_in_dim3A_74 : vector<16xf32> to vector<16xf32>
    tpu.vector_store %arg15[%swap3A_75], %swap3A_78 {strides = array<i32>} : memref<640xf32, #tpu.memory_space<vmem>>, vector<16xf32>,
    %broadcast_in_dim3A_79 = arith.constant 0.000000e+00 : f32
    %broadcast_in_dim3A_80 = vector.broadcast %broadcast_in_dim3A_79 : f32 to vector<16xf32>
    %swap3A_81 = arith.constant 32 : index
    %swap3A_82 = tpu.vector_load %arg15[%swap3A_81] {strides = array<i32>} : memref<640xf32, #tpu.memory_space<vmem>>, vector<16xf32>,
    %swap3A_83 = vector.shape_cast %swap3A_82 : vector<16xf32> to vector<16xf32>
    %swap3A_84 = vector.shape_cast %broadcast_in_dim3A_80 : vector<16xf32> to vector<16xf32>
    tpu.vector_store %arg15[%swap3A_81], %swap3A_84 {strides = array<i32>} : memref<640xf32, #tpu.memory_space<vmem>>, vector<16xf32>,
    %broadcast_in_dim3A_85 = arith.constant 0.000000e+00 : f32
    %broadcast_in_dim3A_86 = vector.broadcast %broadcast_in_dim3A_85 : f32 to vector<16xf32>
    %swap3A_87 = arith.constant 48 : index
    %swap3A_88 = tpu.vector_load %arg15[%swap3A_87] {strides = array<i32>} : memref<640xf32, #tpu.memory_space<vmem>>, vector<16xf32>,
    %swap3A_89 = vector.shape_cast %swap3A_88 : vector<16xf32> to vector<16xf32>
    %swap3A_90 = vector.shape_cast %broadcast_in_dim3A_86 : vector<16xf32> to vector<16xf32>
    tpu.vector_store %arg15[%swap3A_87], %swap3A_90 {strides = array<i32>} : memref<640xf32, #tpu.memory_space<vmem>>, vector<16xf32>,
    %broadcast_in_dim3A_91 = arith.constant 0.000000e+00 : f32
    %broadcast_in_dim3A_92 = vector.broadcast %broadcast_in_dim3A_91 : f32 to vector<16xf32>
    %swap3A_93 = arith.constant 64 : index
    %swap3A_94 = tpu.vector_load %arg15[%swap3A_93] {strides = array<i32>} : memref<640xf32, #tpu.memory_space<vmem>>, vector<16xf32>,
    %swap3A_95 = vector.shape_cast %swap3A_94 : vector<16xf32> to vector<16xf32>
    %swap3A_96 = vector.shape_cast %broadcast_in_dim3A_92 : vector<16xf32> to vector<16xf32>
    tpu.vector_store %arg15[%swap3A_93], %swap3A_96 {strides = array<i32>} : memref<640xf32, #tpu.memory_space<vmem>>, vector<16xf32>,
    %broadcast_in_dim3A_97 = arith.constant 0.000000e+00 : f32
    %broadcast_in_dim3A_98 = vector.broadcast %broadcast_in_dim3A_97 : f32 to vector<16xf32>
    %swap3A_99 = arith.constant 80 : index
    %swap3A_100 = tpu.vector_load %arg15[%swap3A_99] {strides = array<i32>} : memref<640xf32, #tpu.memory_space<vmem>>, vector<16xf32>,
    %swap3A_101 = vector.shape_cast %swap3A_100 : vector<16xf32> to vector<16xf32>
    %swap3A_102 = vector.shape_cast %broadcast_in_dim3A_98 : vector<16xf32> to vector<16xf32>
    tpu.vector_store %arg15[%swap3A_99], %swap3A_102 {strides = array<i32>} : memref<640xf32, #tpu.memory_space<vmem>>, vector<16xf32>,
    %broadcast_in_dim3A_103 = arith.constant 0.000000e+00 : f32
    %broadcast_in_dim3A_104 = vector.broadcast %broadcast_in_dim3A_103 : f32 to vector<16xf32>
    %swap3A_105 = arith.constant 96 : index
    %swap3A_106 = tpu.vector_load %arg15[%swap3A_105] {strides = array<i32>} : memref<640xf32, #tpu.memory_space<vmem>>, vector<16xf32>,
    %swap3A_107 = vector.shape_cast %swap3A_106 : vector<16xf32> to vector<16xf32>
    %swap3A_108 = vector.shape_cast %broadcast_in_dim3A_104 : vector<16xf32> to vector<16xf32>
    tpu.vector_store %arg15[%swap3A_105], %swap3A_108 {strides = array<i32>} : memref<640xf32, #tpu.memory_space<vmem>>, vector<16xf32>,
    %broadcast_in_dim3A_109 = arith.constant 0.000000e+00 : f32
    %broadcast_in_dim3A_110 = vector.broadcast %broadcast_in_dim3A_109 : f32 to vector<16xf32>
    %swap3A_111 = arith.constant 112 : index
    %swap3A_112 = tpu.vector_load %arg15[%swap3A_111] {strides = array<i32>} : memref<640xf32, #tpu.memory_space<vmem>>, vector<16xf32>,
    %swap3A_113 = vector.shape_cast %swap3A_112 : vector<16xf32> to vector<16xf32>
    %swap3A_114 = vector.shape_cast %broadcast_in_dim3A_110 : vector<16xf32> to vector<16xf32>
    tpu.vector_store %arg15[%swap3A_111], %swap3A_114 {strides = array<i32>} : memref<640xf32, #tpu.memory_space<vmem>>, vector<16xf32>,
    %broadcast_in_dim3A_115 = arith.constant 0.000000e+00 : f32
    %broadcast_in_dim3A_116 = vector.broadcast %broadcast_in_dim3A_115 : f32 to vector<16xf32>
    %swap3A_117 = arith.constant 128 : index
    %swap3A_118 = tpu.vector_load %arg15[%swap3A_117] {strides = array<i32>} : memref<640xf32, #tpu.memory_space<vmem>>, vector<16xf32>,
    %swap3A_119 = vector.shape_cast %swap3A_118 : vector<16xf32> to vector<16xf32>
    %swap3A_120 = vector.shape_cast %broadcast_in_dim3A_116 : vector<16xf32> to vector<16xf32>
    tpu.vector_store %arg15[%swap3A_117], %swap3A_120 {strides = array<i32>} : memref<640xf32, #tpu.memory_space<vmem>>, vector<16xf32>,
    %broadcast_in_dim3A_121 = arith.constant 0.000000e+00 : f32
    %broadcast_in_dim3A_122 = vector.broadcast %broadcast_in_dim3A_121 : f32 to vector<16xf32>
    %swap3A_123 = arith.constant 144 : index
    %swap3A_124 = tpu.vector_load %arg15[%swap3A_123] {strides = array<i32>} : memref<640xf32, #tpu.memory_space<vmem>>, vector<16xf32>,
    %swap3A_125 = vector.shape_cast %swap3A_124 : vector<16xf32> to vector<16xf32>
    %swap3A_126 = vector.shape_cast %broadcast_in_dim3A_122 : vector<16xf32> to vector<16xf32>
    tpu.vector_store %arg15[%swap3A_123], %swap3A_126 {strides = array<i32>} : memref<640xf32, #tpu.memory_space<vmem>>, vector<16xf32>,
    %broadcast_in_dim3A_127 = arith.constant 0.000000e+00 : f32
    %broadcast_in_dim3A_128 = vector.broadcast %broadcast_in_dim3A_127 : f32 to vector<16xf32>
    %swap3A_129 = arith.constant 160 : index
    %swap3A_130 = tpu.vector_load %arg15[%swap3A_129] {strides = array<i32>} : memref<640xf32, #tpu.memory_space<vmem>>, vector<16xf32>,
    %swap3A_131 = vector.shape_cast %swap3A_130 : vector<16xf32> to vector<16xf32>
    %swap3A_132 = vector.shape_cast %broadcast_in_dim3A_128 : vector<16xf32> to vector<16xf32>
    tpu.vector_store %arg15[%swap3A_129], %swap3A_132 {strides = array<i32>} : memref<640xf32, #tpu.memory_space<vmem>>, vector<16xf32>,
    %broadcast_in_dim3A_133 = arith.constant 0.000000e+00 : f32
    %broadcast_in_dim3A_134 = vector.broadcast %broadcast_in_dim3A_133 : f32 to vector<16xf32>
    %swap3A_135 = arith.constant 176 : index
    %swap3A_136 = tpu.vector_load %arg15[%swap3A_135] {strides = array<i32>} : memref<640xf32, #tpu.memory_space<vmem>>, vector<16xf32>,
    %swap3A_137 = vector.shape_cast %swap3A_136 : vector<16xf32> to vector<16xf32>
    %swap3A_138 = vector.shape_cast %broadcast_in_dim3A_134 : vector<16xf32> to vector<16xf32>
    tpu.vector_store %arg15[%swap3A_135], %swap3A_138 {strides = array<i32>} : memref<640xf32, #tpu.memory_space<vmem>>, vector<16xf32>,
    %broadcast_in_dim3A_139 = arith.constant 0.000000e+00 : f32
    %broadcast_in_dim3A_140 = vector.broadcast %broadcast_in_dim3A_139 : f32 to vector<16xf32>
    %swap3A_141 = arith.constant 192 : index
    %swap3A_142 = tpu.vector_load %arg15[%swap3A_141] {strides = array<i32>} : memref<640xf32, #tpu.memory_space<vmem>>, vector<16xf32>,
    %swap3A_143 = vector.shape_cast %swap3A_142 : vector<16xf32> to vector<16xf32>
    %swap3A_144 = vector.shape_cast %broadcast_in_dim3A_140 : vector<16xf32> to vector<16xf32>
    tpu.vector_store %arg15[%swap3A_141], %swap3A_144 {strides = array<i32>} : memref<640xf32, #tpu.memory_space<vmem>>, vector<16xf32>,
    %broadcast_in_dim3A_145 = arith.constant 0.000000e+00 : f32
    %broadcast_in_dim3A_146 = vector.broadcast %broadcast_in_dim3A_145 : f32 to vector<16xf32>
    %swap3A_147 = arith.constant 208 : index
    %swap3A_148 = tpu.vector_load %arg15[%swap3A_147] {strides = array<i32>} : memref<640xf32, #tpu.memory_space<vmem>>, vector<16xf32>,
    %swap3A_149 = vector.shape_cast %swap3A_148 : vector<16xf32> to vector<16xf32>
    %swap3A_150 = vector.shape_cast %broadcast_in_dim3A_146 : vector<16xf32> to vector<16xf32>
    tpu.vector_store %arg15[%swap3A_147], %swap3A_150 {strides = array<i32>} : memref<640xf32, #tpu.memory_space<vmem>>, vector<16xf32>,
    %broadcast_in_dim3A_151 = arith.constant 0.000000e+00 : f32
    %broadcast_in_dim3A_152 = vector.broadcast %broadcast_in_dim3A_151 : f32 to vector<16xf32>
    %swap3A_153 = arith.constant 224 : index
    %swap3A_154 = tpu.vector_load %arg15[%swap3A_153] {strides = array<i32>} : memref<640xf32, #tpu.memory_space<vmem>>, vector<16xf32>,
    %swap3A_155 = vector.shape_cast %swap3A_154 : vector<16xf32> to vector<16xf32>
    %swap3A_156 = vector.shape_cast %broadcast_in_dim3A_152 : vector<16xf32> to vector<16xf32>
    tpu.vector_store %arg15[%swap3A_153], %swap3A_156 {strides = array<i32>} : memref<640xf32, #tpu.memory_space<vmem>>, vector<16xf32>,
    %broadcast_in_dim3A_157 = arith.constant 0.000000e+00 : f32
    %broadcast_in_dim3A_158 = vector.broadcast %broadcast_in_dim3A_157 : f32 to vector<16xf32>
    %swap3A_159 = arith.constant 240 : index
    %swap3A_160 = tpu.vector_load %arg15[%swap3A_159] {strides = array<i32>} : memref<640xf32, #tpu.memory_space<vmem>>, vector<16xf32>,
    %swap3A_161 = vector.shape_cast %swap3A_160 : vector<16xf32> to vector<16xf32>
    %swap3A_162 = vector.shape_cast %broadcast_in_dim3A_158 : vector<16xf32> to vector<16xf32>
    tpu.vector_store %arg15[%swap3A_159], %swap3A_162 {strides = array<i32>} : memref<640xf32, #tpu.memory_space<vmem>>, vector<16xf32>,
    %broadcast_in_dim3A_163 = arith.constant 0.000000e+00 : f32
    %broadcast_in_dim3A_164 = vector.broadcast %broadcast_in_dim3A_163 : f32 to vector<16xf32>
    %swap3A_165 = arith.constant 256 : index
    %swap3A_166 = tpu.vector_load %arg15[%swap3A_165] {strides = array<i32>} : memref<640xf32, #tpu.memory_space<vmem>>, vector<16xf32>,
    %swap3A_167 = vector.shape_cast %swap3A_166 : vector<16xf32> to vector<16xf32>
    %swap3A_168 = vector.shape_cast %broadcast_in_dim3A_164 : vector<16xf32> to vector<16xf32>
    tpu.vector_store %arg15[%swap3A_165], %swap3A_168 {strides = array<i32>} : memref<640xf32, #tpu.memory_space<vmem>>, vector<16xf32>,
    %broadcast_in_dim3A_169 = arith.constant 0.000000e+00 : f32
    %broadcast_in_dim3A_170 = vector.broadcast %broadcast_in_dim3A_169 : f32 to vector<16xf32>
    %swap3A_171 = arith.constant 272 : index
    %swap3A_172 = tpu.vector_load %arg15[%swap3A_171] {strides = array<i32>} : memref<640xf32, #tpu.memory_space<vmem>>, vector<16xf32>,
    %swap3A_173 = vector.shape_cast %swap3A_172 : vector<16xf32> to vector<16xf32>
    %swap3A_174 = vector.shape_cast %broadcast_in_dim3A_170 : vector<16xf32> to vector<16xf32>
    tpu.vector_store %arg15[%swap3A_171], %swap3A_174 {strides = array<i32>} : memref<640xf32, #tpu.memory_space<vmem>>, vector<16xf32>,
    %broadcast_in_dim3A_175 = arith.constant 0.000000e+00 : f32
    %broadcast_in_dim3A_176 = vector.broadcast %broadcast_in_dim3A_175 : f32 to vector<16xf32>
    %swap3A_177 = arith.constant 288 : index
    %swap3A_178 = tpu.vector_load %arg15[%swap3A_177] {strides = array<i32>} : memref<640xf32, #tpu.memory_space<vmem>>, vector<16xf32>,
    %swap3A_179 = vector.shape_cast %swap3A_178 : vector<16xf32> to vector<16xf32>
    %swap3A_180 = vector.shape_cast %broadcast_in_dim3A_176 : vector<16xf32> to vector<16xf32>
    tpu.vector_store %arg15[%swap3A_177], %swap3A_180 {strides = array<i32>} : memref<640xf32, #tpu.memory_space<vmem>>, vector<16xf32>,
    %broadcast_in_dim3A_181 = arith.constant 0.000000e+00 : f32
    %broadcast_in_dim3A_182 = vector.broadcast %broadcast_in_dim3A_181 : f32 to vector<16xf32>
    %swap3A_183 = arith.constant 304 : index
    %swap3A_184 = tpu.vector_load %arg15[%swap3A_183] {strides = array<i32>} : memref<640xf32, #tpu.memory_space<vmem>>, vector<16xf32>,
    %swap3A_185 = vector.shape_cast %swap3A_184 : vector<16xf32> to vector<16xf32>
    %swap3A_186 = vector.shape_cast %broadcast_in_dim3A_182 : vector<16xf32> to vector<16xf32>
    tpu.vector_store %arg15[%swap3A_183], %swap3A_186 {strides = array<i32>} : memref<640xf32, #tpu.memory_space<vmem>>, vector<16xf32>,
    %broadcast_in_dim3A_187 = arith.constant 0.000000e+00 : f32
    %broadcast_in_dim3A_188 = vector.broadcast %broadcast_in_dim3A_187 : f32 to vector<16xf32>
    %swap3A_189 = arith.constant 320 : index
    %swap3A_190 = tpu.vector_load %arg15[%swap3A_189] {strides = array<i32>} : memref<640xf32, #tpu.memory_space<vmem>>, vector<16xf32>,
    %swap3A_191 = vector.shape_cast %swap3A_190 : vector<16xf32> to vector<16xf32>
    %swap3A_192 = vector.shape_cast %broadcast_in_dim3A_188 : vector<16xf32> to vector<16xf32>
    tpu.vector_store %arg15[%swap3A_189], %swap3A_192 {strides = array<i32>} : memref<640xf32, #tpu.memory_space<vmem>>, vector<16xf32>,
    %broadcast_in_dim3A_193 = arith.constant 0.000000e+00 : f32
    %broadcast_in_dim3A_194 = vector.broadcast %broadcast_in_dim3A_193 : f32 to vector<16xf32>
    %swap3A_195 = arith.constant 336 : index
    %swap3A_196 = tpu.vector_load %arg15[%swap3A_195] {strides = array<i32>} : memref<640xf32, #tpu.memory_space<vmem>>, vector<16xf32>,
    %swap3A_197 = vector.shape_cast %swap3A_196 : vector<16xf32> to vector<16xf32>
    %swap3A_198 = vector.shape_cast %broadcast_in_dim3A_194 : vector<16xf32> to vector<16xf32>
    tpu.vector_store %arg15[%swap3A_195], %swap3A_198 {strides = array<i32>} : memref<640xf32, #tpu.memory_space<vmem>>, vector<16xf32>,
    %broadcast_in_dim3A_199 = arith.constant 0.000000e+00 : f32
    %broadcast_in_dim3A_200 = vector.broadcast %broadcast_in_dim3A_199 : f32 to vector<16xf32>
    %swap3A_201 = arith.constant 352 : index
    %swap3A_202 = tpu.vector_load %arg15[%swap3A_201] {strides = array<i32>} : memref<640xf32, #tpu.memory_space<vmem>>, vector<16xf32>,
    %swap3A_203 = vector.shape_cast %swap3A_202 : vector<16xf32> to vector<16xf32>
    %swap3A_204 = vector.shape_cast %broadcast_in_dim3A_200 : vector<16xf32> to vector<16xf32>
    tpu.vector_store %arg15[%swap3A_201], %swap3A_204 {strides = array<i32>} : memref<640xf32, #tpu.memory_space<vmem>>, vector<16xf32>,
    %broadcast_in_dim3A_205 = arith.constant 0.000000e+00 : f32
    %broadcast_in_dim3A_206 = vector.broadcast %broadcast_in_dim3A_205 : f32 to vector<16xf32>
    %swap3A_207 = arith.constant 368 : index
    %swap3A_208 = tpu.vector_load %arg15[%swap3A_207] {strides = array<i32>} : memref<640xf32, #tpu.memory_space<vmem>>, vector<16xf32>,
    %swap3A_209 = vector.shape_cast %swap3A_208 : vector<16xf32> to vector<16xf32>
    %swap3A_210 = vector.shape_cast %broadcast_in_dim3A_206 : vector<16xf32> to vector<16xf32>
    tpu.vector_store %arg15[%swap3A_207], %swap3A_210 {strides = array<i32>} : memref<640xf32, #tpu.memory_space<vmem>>, vector<16xf32>,
    %broadcast_in_dim3A_211 = arith.constant 0.000000e+00 : f32
    %broadcast_in_dim3A_212 = vector.broadcast %broadcast_in_dim3A_211 : f32 to vector<16xf32>
    %swap3A_213 = arith.constant 384 : index
    %swap3A_214 = tpu.vector_load %arg15[%swap3A_213] {strides = array<i32>} : memref<640xf32, #tpu.memory_space<vmem>>, vector<16xf32>,
    %swap3A_215 = vector.shape_cast %swap3A_214 : vector<16xf32> to vector<16xf32>
    %swap3A_216 = vector.shape_cast %broadcast_in_dim3A_212 : vector<16xf32> to vector<16xf32>
    tpu.vector_store %arg15[%swap3A_213], %swap3A_216 {strides = array<i32>} : memref<640xf32, #tpu.memory_space<vmem>>, vector<16xf32>,
    %broadcast_in_dim3A_217 = arith.constant 0.000000e+00 : f32
    %broadcast_in_dim3A_218 = vector.broadcast %broadcast_in_dim3A_217 : f32 to vector<16xf32>
    %swap3A_219 = arith.constant 400 : index
    %swap3A_220 = tpu.vector_load %arg15[%swap3A_219] {strides = array<i32>} : memref<640xf32, #tpu.memory_space<vmem>>, vector<16xf32>,
    %swap3A_221 = vector.shape_cast %swap3A_220 : vector<16xf32> to vector<16xf32>
    %swap3A_222 = vector.shape_cast %broadcast_in_dim3A_218 : vector<16xf32> to vector<16xf32>
    tpu.vector_store %arg15[%swap3A_219], %swap3A_222 {strides = array<i32>} : memref<640xf32, #tpu.memory_space<vmem>>, vector<16xf32>,
    %broadcast_in_dim3A_223 = arith.constant 0.000000e+00 : f32
    %broadcast_in_dim3A_224 = vector.broadcast %broadcast_in_dim3A_223 : f32 to vector<16xf32>
    %swap3A_225 = arith.constant 416 : index
    %swap3A_226 = tpu.vector_load %arg15[%swap3A_225] {strides = array<i32>} : memref<640xf32, #tpu.memory_space<vmem>>, vector<16xf32>,
    %swap3A_227 = vector.shape_cast %swap3A_226 : vector<16xf32> to vector<16xf32>
    %swap3A_228 = vector.shape_cast %broadcast_in_dim3A_224 : vector<16xf32> to vector<16xf32>
    tpu.vector_store %arg15[%swap3A_225], %swap3A_228 {strides = array<i32>} : memref<640xf32, #tpu.memory_space<vmem>>, vector<16xf32>,
    %broadcast_in_dim3A_229 = arith.constant 0.000000e+00 : f32
    %broadcast_in_dim3A_230 = vector.broadcast %broadcast_in_dim3A_229 : f32 to vector<16xf32>
    %swap3A_231 = arith.constant 432 : index
    %swap3A_232 = tpu.vector_load %arg15[%swap3A_231] {strides = array<i32>} : memref<640xf32, #tpu.memory_space<vmem>>, vector<16xf32>,
    %swap3A_233 = vector.shape_cast %swap3A_232 : vector<16xf32> to vector<16xf32>
    %swap3A_234 = vector.shape_cast %broadcast_in_dim3A_230 : vector<16xf32> to vector<16xf32>
    tpu.vector_store %arg15[%swap3A_231], %swap3A_234 {strides = array<i32>} : memref<640xf32, #tpu.memory_space<vmem>>, vector<16xf32>,
    %broadcast_in_dim3A_235 = arith.constant 0.000000e+00 : f32
    %broadcast_in_dim3A_236 = vector.broadcast %broadcast_in_dim3A_235 : f32 to vector<16xf32>
    %swap3A_237 = arith.constant 448 : index
    %swap3A_238 = tpu.vector_load %arg15[%swap3A_237] {strides = array<i32>} : memref<640xf32, #tpu.memory_space<vmem>>, vector<16xf32>,
    %swap3A_239 = vector.shape_cast %swap3A_238 : vector<16xf32> to vector<16xf32>
    %swap3A_240 = vector.shape_cast %broadcast_in_dim3A_236 : vector<16xf32> to vector<16xf32>
    tpu.vector_store %arg15[%swap3A_237], %swap3A_240 {strides = array<i32>} : memref<640xf32, #tpu.memory_space<vmem>>, vector<16xf32>,
    %broadcast_in_dim3A_241 = arith.constant 0.000000e+00 : f32
    %broadcast_in_dim3A_242 = vector.broadcast %broadcast_in_dim3A_241 : f32 to vector<16xf32>
    %swap3A_243 = arith.constant 464 : index
    %swap3A_244 = tpu.vector_load %arg15[%swap3A_243] {strides = array<i32>} : memref<640xf32, #tpu.memory_space<vmem>>, vector<16xf32>,
    %swap3A_245 = vector.shape_cast %swap3A_244 : vector<16xf32> to vector<16xf32>
    %swap3A_246 = vector.shape_cast %broadcast_in_dim3A_242 : vector<16xf32> to vector<16xf32>
    tpu.vector_store %arg15[%swap3A_243], %swap3A_246 {strides = array<i32>} : memref<640xf32, #tpu.memory_space<vmem>>, vector<16xf32>,
    %broadcast_in_dim3A_247 = arith.constant 0.000000e+00 : f32
    %broadcast_in_dim3A_248 = vector.broadcast %broadcast_in_dim3A_247 : f32 to vector<16xf32>
    %swap3A_249 = arith.constant 480 : index
    %swap3A_250 = tpu.vector_load %arg15[%swap3A_249] {strides = array<i32>} : memref<640xf32, #tpu.memory_space<vmem>>, vector<16xf32>,
    %swap3A_251 = vector.shape_cast %swap3A_250 : vector<16xf32> to vector<16xf32>
    %swap3A_252 = vector.shape_cast %broadcast_in_dim3A_248 : vector<16xf32> to vector<16xf32>
    tpu.vector_store %arg15[%swap3A_249], %swap3A_252 {strides = array<i32>} : memref<640xf32, #tpu.memory_space<vmem>>, vector<16xf32>,
    %broadcast_in_dim3A_253 = arith.constant 0.000000e+00 : f32
    %broadcast_in_dim3A_254 = vector.broadcast %broadcast_in_dim3A_253 : f32 to vector<16xf32>
    %swap3A_255 = arith.constant 496 : index
    %swap3A_256 = tpu.vector_load %arg15[%swap3A_255] {strides = array<i32>} : memref<640xf32, #tpu.memory_space<vmem>>, vector<16xf32>,
    %swap3A_257 = vector.shape_cast %swap3A_256 : vector<16xf32> to vector<16xf32>
    %swap3A_258 = vector.shape_cast %broadcast_in_dim3A_254 : vector<16xf32> to vector<16xf32>
    tpu.vector_store %arg15[%swap3A_255], %swap3A_258 {strides = array<i32>} : memref<640xf32, #tpu.memory_space<vmem>>, vector<16xf32>,
    %broadcast_in_dim3A_259 = arith.constant 0.000000e+00 : f32
    %broadcast_in_dim3A_260 = vector.broadcast %broadcast_in_dim3A_259 : f32 to vector<16xf32>
    %swap3A_261 = arith.constant 512 : index
    %swap3A_262 = tpu.vector_load %arg15[%swap3A_261] {strides = array<i32>} : memref<640xf32, #tpu.memory_space<vmem>>, vector<16xf32>,
    %swap3A_263 = vector.shape_cast %swap3A_262 : vector<16xf32> to vector<16xf32>
    %swap3A_264 = vector.shape_cast %broadcast_in_dim3A_260 : vector<16xf32> to vector<16xf32>
    tpu.vector_store %arg15[%swap3A_261], %swap3A_264 {strides = array<i32>} : memref<640xf32, #tpu.memory_space<vmem>>, vector<16xf32>,
    %broadcast_in_dim3A_265 = arith.constant 0.000000e+00 : f32
    %broadcast_in_dim3A_266 = vector.broadcast %broadcast_in_dim3A_265 : f32 to vector<16xf32>
    %swap3A_267 = arith.constant 528 : index
    %swap3A_268 = tpu.vector_load %arg15[%swap3A_267] {strides = array<i32>} : memref<640xf32, #tpu.memory_space<vmem>>, vector<16xf32>,
    %swap3A_269 = vector.shape_cast %swap3A_268 : vector<16xf32> to vector<16xf32>
    %swap3A_270 = vector.shape_cast %broadcast_in_dim3A_266 : vector<16xf32> to vector<16xf32>
    tpu.vector_store %arg15[%swap3A_267], %swap3A_270 {strides = array<i32>} : memref<640xf32, #tpu.memory_space<vmem>>, vector<16xf32>,
    %broadcast_in_dim3A_271 = arith.constant 0.000000e+00 : f32
    %broadcast_in_dim3A_272 = vector.broadcast %broadcast_in_dim3A_271 : f32 to vector<16xf32>
    %swap3A_273 = arith.constant 544 : index
    %swap3A_274 = tpu.vector_load %arg15[%swap3A_273] {strides = array<i32>} : memref<640xf32, #tpu.memory_space<vmem>>, vector<16xf32>,
    %swap3A_275 = vector.shape_cast %swap3A_274 : vector<16xf32> to vector<16xf32>
    %swap3A_276 = vector.shape_cast %broadcast_in_dim3A_272 : vector<16xf32> to vector<16xf32>
    tpu.vector_store %arg15[%swap3A_273], %swap3A_276 {strides = array<i32>} : memref<640xf32, #tpu.memory_space<vmem>>, vector<16xf32>,
    %broadcast_in_dim3A_277 = arith.constant 0.000000e+00 : f32
    %broadcast_in_dim3A_278 = vector.broadcast %broadcast_in_dim3A_277 : f32 to vector<16xf32>
    %swap3A_279 = arith.constant 560 : index
    %swap3A_280 = tpu.vector_load %arg15[%swap3A_279] {strides = array<i32>} : memref<640xf32, #tpu.memory_space<vmem>>, vector<16xf32>,
    %swap3A_281 = vector.shape_cast %swap3A_280 : vector<16xf32> to vector<16xf32>
    %swap3A_282 = vector.shape_cast %broadcast_in_dim3A_278 : vector<16xf32> to vector<16xf32>
    tpu.vector_store %arg15[%swap3A_279], %swap3A_282 {strides = array<i32>} : memref<640xf32, #tpu.memory_space<vmem>>, vector<16xf32>,
    %broadcast_in_dim3A_283 = arith.constant 0.000000e+00 : f32
    %broadcast_in_dim3A_284 = vector.broadcast %broadcast_in_dim3A_283 : f32 to vector<16xf32>
    %swap3A_285 = arith.constant 576 : index
    %swap3A_286 = tpu.vector_load %arg15[%swap3A_285] {strides = array<i32>} : memref<640xf32, #tpu.memory_space<vmem>>, vector<16xf32>,
    %swap3A_287 = vector.shape_cast %swap3A_286 : vector<16xf32> to vector<16xf32>
    %swap3A_288 = vector.shape_cast %broadcast_in_dim3A_284 : vector<16xf32> to vector<16xf32>
    tpu.vector_store %arg15[%swap3A_285], %swap3A_288 {strides = array<i32>} : memref<640xf32, #tpu.memory_space<vmem>>, vector<16xf32>,
    %broadcast_in_dim3A_289 = arith.constant 0.000000e+00 : f32
    %broadcast_in_dim3A_290 = vector.broadcast %broadcast_in_dim3A_289 : f32 to vector<16xf32>
    %swap3A_291 = arith.constant 592 : index
    %swap3A_292 = tpu.vector_load %arg15[%swap3A_291] {strides = array<i32>} : memref<640xf32, #tpu.memory_space<vmem>>, vector<16xf32>,
    %swap3A_293 = vector.shape_cast %swap3A_292 : vector<16xf32> to vector<16xf32>
    %swap3A_294 = vector.shape_cast %broadcast_in_dim3A_290 : vector<16xf32> to vector<16xf32>
    tpu.vector_store %arg15[%swap3A_291], %swap3A_294 {strides = array<i32>} : memref<640xf32, #tpu.memory_space<vmem>>, vector<16xf32>,
    %broadcast_in_dim3A_295 = arith.constant 0.000000e+00 : f32
    %broadcast_in_dim3A_296 = vector.broadcast %broadcast_in_dim3A_295 : f32 to vector<16xf32>
    %swap3A_297 = arith.constant 608 : index
    %swap3A_298 = tpu.vector_load %arg15[%swap3A_297] {strides = array<i32>} : memref<640xf32, #tpu.memory_space<vmem>>, vector<16xf32>,
    %swap3A_299 = vector.shape_cast %swap3A_298 : vector<16xf32> to vector<16xf32>
    %swap3A_300 = vector.shape_cast %broadcast_in_dim3A_296 : vector<16xf32> to vector<16xf32>
    tpu.vector_store %arg15[%swap3A_297], %swap3A_300 {strides = array<i32>} : memref<640xf32, #tpu.memory_space<vmem>>, vector<16xf32>,
    %broadcast_in_dim3A_301 = arith.constant 0.000000e+00 : f32
    %broadcast_in_dim3A_302 = vector.broadcast %broadcast_in_dim3A_301 : f32 to vector<16xf32>
    %swap3A_303 = arith.constant 624 : index
    %swap3A_304 = tpu.vector_load %arg15[%swap3A_303] {strides = array<i32>} : memref<640xf32, #tpu.memory_space<vmem>>, vector<16xf32>,
    %swap3A_305 = vector.shape_cast %swap3A_304 : vector<16xf32> to vector<16xf32>
    %swap3A_306 = vector.shape_cast %broadcast_in_dim3A_302 : vector<16xf32> to vector<16xf32>
    tpu.vector_store %arg15[%swap3A_303], %swap3A_306 {strides = array<i32>} : memref<640xf32, #tpu.memory_space<vmem>>, vector<16xf32>,
    %mul3A_307 = arith.constant 640 : i32
    %mul3A_308 = arith.muli %arg1, %mul3A_307 : i32
    "tpu.region"() ({
      %run_scoped3A = tpu.sem_alloc : memref<!tpu.dma_semaphore, #tpu.memory_space<semaphore_mem>>
      %dma_start3A_332 = tpu.memref_slice %arg16[%mul3A_308] : memref<10240xf32, #tpu.memory_space<vmem_shared>> -> memref<640xf32, #tpu.memory_space<vmem_shared>>
      %dma_start3A_333 = tpu.memref_slice %arg16[%mul3A_308] : memref<10240xf32, #tpu.memory_space<vmem_shared>> -> memref<640xf32, #tpu.memory_space<vmem_shared>>
      tpu.enqueue_dma source(%arg15 : memref<640xf32, #tpu.memory_space<vmem>>) target(%dma_start3A_333 : memref<640xf32, #tpu.memory_space<vmem_shared>>) target_semaphore(%run_scoped3A : memref<!tpu.dma_semaphore, #tpu.memory_space<semaphore_mem>>)
      %dma_wait3A = tpu.memref_slice %arg16[%mul3A_308] : memref<10240xf32, #tpu.memory_space<vmem_shared>> -> memref<640xf32, #tpu.memory_space<vmem_shared>>
      %dma_wait3A_334 = tpu.memref_slice %arg16[%mul3A_308] : memref<10240xf32, #tpu.memory_space<vmem_shared>> -> memref<640xf32, #tpu.memory_space<vmem_shared>>
      tpu.wait_dma2 semaphore(%run_scoped3A : memref<!tpu.dma_semaphore, #tpu.memory_space<semaphore_mem>>) src(%arg15 : memref<640xf32, #tpu.memory_space<vmem>>) dst(%dma_wait3A_334 : memref<640xf32, #tpu.memory_space<vmem_shared>>)
      tpu.yield
    }) : () -> ()
    %dma_start3A = arith.constant 0 : i32
    %dma_start3A_309 = tpu.memref_slice %arg7[%dma_start3A] : memref<10240xi32, #tpu.memory_space<vmem>> -> memref<64xi32, #tpu.memory_space<vmem>>
    %dma_start3A_310 = arith.constant 0 : i32
    %dma_start3A_311 = arith.constant 0 : i32
    %dma_start3A_312 = tpu.memref_slice %arg2[%dma_start3A_310, %dma_start3A_311] : memref<10000x128xf32, #tpu.memory_space<hbm>> -> memref<10000x128xf32, #tpu.memory_space<hbm>>
    tpu.enqueue_indirect_dma source(%dma_start3A_312 : memref<10000x128xf32, #tpu.memory_space<hbm>>) target(%arg9 : memref<64x128xf32, #tpu.memory_space<vmem>>) offsets(%dma_start3A_309 : memref<64xi32, #tpu.memory_space<vmem>>) semaphore(%arg12 : memref<!tpu.dma_semaphore, #tpu.memory_space<semaphore_mem>>)
    %dma_start3A_313 = arith.constant 64 : i32
    %dma_start3A_314 = tpu.memref_slice %arg7[%dma_start3A_313] : memref<10240xi32, #tpu.memory_space<vmem>> -> memref<64xi32, #tpu.memory_space<vmem>>
    %dma_start3A_315 = arith.constant 0 : i32
    %dma_start3A_316 = arith.constant 0 : i32
    %dma_start3A_317 = tpu.memref_slice %arg2[%dma_start3A_315, %dma_start3A_316] : memref<10000x128xf32, #tpu.memory_space<hbm>> -> memref<10000x128xf32, #tpu.memory_space<hbm>>
    tpu.enqueue_indirect_dma source(%dma_start3A_317 : memref<10000x128xf32, #tpu.memory_space<hbm>>) target(%arg10 : memref<64x128xf32, #tpu.memory_space<vmem>>) offsets(%dma_start3A_314 : memref<64xi32, #tpu.memory_space<vmem>>) semaphore(%arg13 : memref<!tpu.dma_semaphore, #tpu.memory_space<semaphore_mem>>)
    %barrier3A = arith.constant 0 : index
    tpu.barrier barrier_id(%barrier3A)
    %scan3A_318 = arith.constant 0 : i32
    %scan3A_319 = arith.constant 80 : i32
    %scan3A_320 = arith.addi %scan3A_318, %scan3A_319 : i32
    %scan3A_321 = arith.constant 1 : i32
    scf.for %scan3A_332 = %scan3A_318 to %scan3A_320 step %scan3A_321  : i32 {
      %mul3A_333 = arith.constant 2 : i32
      %mul3A_334 = arith.muli %scan3A_332, %mul3A_333 : i32
      %dma_wait3A = arith.constant 0 : i32
      %dma_wait3A_335 = arith.constant 0 : i32
      %dma_wait3A_336 = tpu.memref_slice %arg2[%dma_wait3A, %dma_wait3A_335] : memref<10000x128xf32, #tpu.memory_space<hbm>> -> memref<64x128xf32, #tpu.memory_space<hbm>>
      %dma_wait3A_337 = arith.constant 0 : i32
      %dma_wait3A_338 = arith.constant 0 : i32
      %dma_wait3A_339 = tpu.memref_slice %arg2[%dma_wait3A_337, %dma_wait3A_338] : memref<10000x128xf32, #tpu.memory_space<hbm>> -> memref<64x128xf32, #tpu.memory_space<hbm>>
      tpu.wait_dma2 semaphore(%arg12 : memref<!tpu.dma_semaphore, #tpu.memory_space<semaphore_mem>>) src(%dma_wait3A_339 : memref<64x128xf32, #tpu.memory_space<hbm>>) dst(%arg9 : memref<64x128xf32, #tpu.memory_space<vmem>>)
      "tpu.region"() ({
        %run_scoped3A = tpu.sem_alloc : memref<!tpu.dma_semaphore, #tpu.memory_space<semaphore_mem>>
        %dma_start3A_361 = arith.constant 0 : i32
        %dma_start3A_362 = tpu.memref_slice %arg8[%mul3A_334, %dma_start3A_361] : memref<160x64xi32, #tpu.memory_space<vmem>> -> memref<1x64xi32, #tpu.memory_space<vmem>>
        %dma_start3A_363 = tpu.memref_squeeze %dma_start3A_362 : memref<1x64xi32, #tpu.memory_space<vmem>> -> memref<64xi32, #tpu.memory_space<vmem>>
        %dma_start3A_364 = arith.constant 0 : i32
        %dma_start3A_365 = arith.constant 0 : i32
        %dma_start3A_366 = tpu.memref_slice %arg11[%dma_start3A_364, %dma_start3A_365] : memref<10240x128xf32, #tpu.memory_space<vmem_shared>> -> memref<10240x128xf32, #tpu.memory_space<vmem_shared>>
        tpu.enqueue_indirect_dma source(%arg9 : memref<64x128xf32, #tpu.memory_space<vmem>>) target(%dma_start3A_366 : memref<10240x128xf32, #tpu.memory_space<vmem_shared>>) offsets(%dma_start3A_363 : memref<64xi32, #tpu.memory_space<vmem>>) semaphore(%run_scoped3A : memref<!tpu.dma_semaphore, #tpu.memory_space<semaphore_mem>>) {add = true}
        %dma_wait3A_367 = arith.constant 0 : i32
        %dma_wait3A_368 = tpu.memref_slice %arg8[%mul3A_334, %dma_wait3A_367] : memref<160x64xi32, #tpu.memory_space<vmem>> -> memref<1x64xi32, #tpu.memory_space<vmem>>
        %dma_wait3A_369 = tpu.memref_squeeze %dma_wait3A_368 : memref<1x64xi32, #tpu.memory_space<vmem>> -> memref<64xi32, #tpu.memory_space<vmem>>
        %dma_wait3A_370 = arith.constant 0 : i32
        %dma_wait3A_371 = arith.constant 0 : i32
        %dma_wait3A_372 = tpu.memref_slice %arg11[%dma_wait3A_370, %dma_wait3A_371] : memref<10240x128xf32, #tpu.memory_space<vmem_shared>> -> memref<10240x128xf32, #tpu.memory_space<vmem_shared>>
        tpu.wait_indirect_dma semaphore(%run_scoped3A : memref<!tpu.dma_semaphore, #tpu.memory_space<semaphore_mem>>) src(%arg9 : memref<64x128xf32, #tpu.memory_space<vmem>>) dst(%dma_wait3A_372 : memref<10240x128xf32, #tpu.memory_space<vmem_shared>>)
        tpu.yield
      }) : () -> ()
      "tpu.region"() ({
        %run_scoped3A = tpu.sem_alloc : memref<!tpu.dma_semaphore, #tpu.memory_space<semaphore_mem>>
        %dma_start3A_361 = arith.constant 0 : i32
        %dma_start3A_362 = tpu.memref_slice %arg8[%mul3A_334, %dma_start3A_361] : memref<160x64xi32, #tpu.memory_space<vmem>> -> memref<1x64xi32, #tpu.memory_space<vmem>>
        %dma_start3A_363 = tpu.memref_squeeze %dma_start3A_362 : memref<1x64xi32, #tpu.memory_space<vmem>> -> memref<64xi32, #tpu.memory_space<vmem>>
        %dma_start3A_364 = arith.constant 0 : i32
        %dma_start3A_365 = tpu.memref_slice %arg16[%dma_start3A_364] : memref<10240xf32, #tpu.memory_space<vmem_shared>> -> memref<10240xf32, #tpu.memory_space<vmem_shared>>
        tpu.enqueue_indirect_dma source(%arg14 : memref<64xf32, #tpu.memory_space<vmem>>) target(%dma_start3A_365 : memref<10240xf32, #tpu.memory_space<vmem_shared>>) offsets(%dma_start3A_363 : memref<64xi32, #tpu.memory_space<vmem>>) semaphore(%run_scoped3A : memref<!tpu.dma_semaphore, #tpu.memory_space<semaphore_mem>>) {add = true}
        %dma_wait3A_366 = arith.constant 0 : i32
        %dma_wait3A_367 = tpu.memref_slice %arg8[%mul3A_334, %dma_wait3A_366] : memref<160x64xi32, #tpu.memory_space<vmem>> -> memref<1x64xi32, #tpu.memory_space<vmem>>
        %dma_wait3A_368 = tpu.memref_squeeze %dma_wait3A_367 : memref<1x64xi32, #tpu.memory_space<vmem>> -> memref<64xi32, #tpu.memory_space<vmem>>
        %dma_wait3A_369 = arith.constant 0 : i32
        %dma_wait3A_370 = tpu.memref_slice %arg16[%dma_wait3A_369] : memref<10240xf32, #tpu.memory_space<vmem_shared>> -> memref<10240xf32, #tpu.memory_space<vmem_shared>>
        tpu.wait_indirect_dma semaphore(%run_scoped3A : memref<!tpu.dma_semaphore, #tpu.memory_space<semaphore_mem>>) src(%arg14 : memref<64xf32, #tpu.memory_space<vmem>>) dst(%dma_wait3A_370 : memref<10240xf32, #tpu.memory_space<vmem_shared>>)
        tpu.yield
      }) : () -> ()
      %add3A_340 = arith.constant 2 : i32
      %add3A_341 = arith.addi %mul3A_334, %add3A_340 : i32
      %lt3A = arith.constant 160 : i32
      %lt3A_342 = arith.cmpi slt, %add3A_341, %lt3A : i32
      %convert_element_type3A = arith.extui %lt3A_342 : i1 to i32
      %cond3A = arith.constant 0 : i32
      %cond3A_343 = arith.cmpi ne, %convert_element_type3A, %cond3A : i32
      scf.if %cond3A_343 {
        %add3A_361 = arith.constant 2 : i32
        %add3A_362 = arith.addi %mul3A_334, %add3A_361 : i32
        %mul3A_363 = arith.constant 64 : i32
        %mul3A_364 = arith.muli %add3A_362, %mul3A_363 : i32
        %dma_start3A_365 = tpu.memref_slice %arg7[%mul3A_364] : memref<10240xi32, #tpu.memory_space<vmem>> -> memref<64xi32, #tpu.memory_space<vmem>>
        %dma_start3A_366 = arith.constant 0 : i32
        %dma_start3A_367 = arith.constant 0 : i32
        %dma_start3A_368 = tpu.memref_slice %arg2[%dma_start3A_366, %dma_start3A_367] : memref<10000x128xf32, #tpu.memory_space<hbm>> -> memref<10000x128xf32, #tpu.memory_space<hbm>>
        tpu.enqueue_indirect_dma source(%dma_start3A_368 : memref<10000x128xf32, #tpu.memory_space<hbm>>) target(%arg9 : memref<64x128xf32, #tpu.memory_space<vmem>>) offsets(%dma_start3A_365 : memref<64xi32, #tpu.memory_space<vmem>>) semaphore(%arg12 : memref<!tpu.dma_semaphore, #tpu.memory_space<semaphore_mem>>)
      } else {
      }
      %dma_wait3A_344 = arith.constant 0 : i32
      %dma_wait3A_345 = arith.constant 0 : i32
      %dma_wait3A_346 = tpu.memref_slice %arg2[%dma_wait3A_344, %dma_wait3A_345] : memref<10000x128xf32, #tpu.memory_space<hbm>> -> memref<64x128xf32, #tpu.memory_space<hbm>>
      %dma_wait3A_347 = arith.constant 0 : i32
      %dma_wait3A_348 = arith.constant 0 : i32
      %dma_wait3A_349 = tpu.memref_slice %arg2[%dma_wait3A_347, %dma_wait3A_348] : memref<10000x128xf32, #tpu.memory_space<hbm>> -> memref<64x128xf32, #tpu.memory_space<hbm>>
      tpu.wait_dma2 semaphore(%arg13 : memref<!tpu.dma_semaphore, #tpu.memory_space<semaphore_mem>>) src(%dma_wait3A_349 : memref<64x128xf32, #tpu.memory_space<hbm>>) dst(%arg10 : memref<64x128xf32, #tpu.memory_space<vmem>>)
      %add3A_350 = arith.constant 1 : i32
      %add3A_351 = arith.addi %mul3A_334, %add3A_350 : i32
      "tpu.region"() ({
        %run_scoped3A = tpu.sem_alloc : memref<!tpu.dma_semaphore, #tpu.memory_space<semaphore_mem>>
        %dma_start3A_361 = arith.constant 0 : i32
        %dma_start3A_362 = tpu.memref_slice %arg8[%add3A_351, %dma_start3A_361] : memref<160x64xi32, #tpu.memory_space<vmem>> -> memref<1x64xi32, #tpu.memory_space<vmem>>
        %dma_start3A_363 = tpu.memref_squeeze %dma_start3A_362 : memref<1x64xi32, #tpu.memory_space<vmem>> -> memref<64xi32, #tpu.memory_space<vmem>>
        %dma_start3A_364 = arith.constant 0 : i32
        %dma_start3A_365 = arith.constant 0 : i32
        %dma_start3A_366 = tpu.memref_slice %arg11[%dma_start3A_364, %dma_start3A_365] : memref<10240x128xf32, #tpu.memory_space<vmem_shared>> -> memref<10240x128xf32, #tpu.memory_space<vmem_shared>>
        tpu.enqueue_indirect_dma source(%arg10 : memref<64x128xf32, #tpu.memory_space<vmem>>) target(%dma_start3A_366 : memref<10240x128xf32, #tpu.memory_space<vmem_shared>>) offsets(%dma_start3A_363 : memref<64xi32, #tpu.memory_space<vmem>>) semaphore(%run_scoped3A : memref<!tpu.dma_semaphore, #tpu.memory_space<semaphore_mem>>) {add = true}
        %dma_wait3A_367 = arith.constant 0 : i32
        %dma_wait3A_368 = tpu.memref_slice %arg8[%add3A_351, %dma_wait3A_367] : memref<160x64xi32, #tpu.memory_space<vmem>> -> memref<1x64xi32, #tpu.memory_space<vmem>>
        %dma_wait3A_369 = tpu.memref_squeeze %dma_wait3A_368 : memref<1x64xi32, #tpu.memory_space<vmem>> -> memref<64xi32, #tpu.memory_space<vmem>>
        %dma_wait3A_370 = arith.constant 0 : i32
        %dma_wait3A_371 = arith.constant 0 : i32
        %dma_wait3A_372 = tpu.memref_slice %arg11[%dma_wait3A_370, %dma_wait3A_371] : memref<10240x128xf32, #tpu.memory_space<vmem_shared>> -> memref<10240x128xf32, #tpu.memory_space<vmem_shared>>
        tpu.wait_indirect_dma semaphore(%run_scoped3A : memref<!tpu.dma_semaphore, #tpu.memory_space<semaphore_mem>>) src(%arg10 : memref<64x128xf32, #tpu.memory_space<vmem>>) dst(%dma_wait3A_372 : memref<10240x128xf32, #tpu.memory_space<vmem_shared>>)
        tpu.yield
      }) : () -> ()
      %add3A_352 = arith.constant 1 : i32
      %add3A_353 = arith.addi %mul3A_334, %add3A_352 : i32
      "tpu.region"() ({
        %run_scoped3A = tpu.sem_alloc : memref<!tpu.dma_semaphore, #tpu.memory_space<semaphore_mem>>
        %dma_start3A_361 = arith.constant 0 : i32
        %dma_start3A_362 = tpu.memref_slice %arg8[%add3A_353, %dma_start3A_361] : memref<160x64xi32, #tpu.memory_space<vmem>> -> memref<1x64xi32, #tpu.memory_space<vmem>>
        %dma_start3A_363 = tpu.memref_squeeze %dma_start3A_362 : memref<1x64xi32, #tpu.memory_space<vmem>> -> memref<64xi32, #tpu.memory_space<vmem>>
        %dma_start3A_364 = arith.constant 0 : i32
        %dma_start3A_365 = tpu.memref_slice %arg16[%dma_start3A_364] : memref<10240xf32, #tpu.memory_space<vmem_shared>> -> memref<10240xf32, #tpu.memory_space<vmem_shared>>
        tpu.enqueue_indirect_dma source(%arg14 : memref<64xf32, #tpu.memory_space<vmem>>) target(%dma_start3A_365 : memref<10240xf32, #tpu.memory_space<vmem_shared>>) offsets(%dma_start3A_363 : memref<64xi32, #tpu.memory_space<vmem>>) semaphore(%run_scoped3A : memref<!tpu.dma_semaphore, #tpu.memory_space<semaphore_mem>>) {add = true}
        %dma_wait3A_366 = arith.constant 0 : i32
        %dma_wait3A_367 = tpu.memref_slice %arg8[%add3A_353, %dma_wait3A_366] : memref<160x64xi32, #tpu.memory_space<vmem>> -> memref<1x64xi32, #tpu.memory_space<vmem>>
        %dma_wait3A_368 = tpu.memref_squeeze %dma_wait3A_367 : memref<1x64xi32, #tpu.memory_space<vmem>> -> memref<64xi32, #tpu.memory_space<vmem>>
        %dma_wait3A_369 = arith.constant 0 : i32
        %dma_wait3A_370 = tpu.memref_slice %arg16[%dma_wait3A_369] : memref<10240xf32, #tpu.memory_space<vmem_shared>> -> memref<10240xf32, #tpu.memory_space<vmem_shared>>
        tpu.wait_indirect_dma semaphore(%run_scoped3A : memref<!tpu.dma_semaphore, #tpu.memory_space<semaphore_mem>>) src(%arg14 : memref<64xf32, #tpu.memory_space<vmem>>) dst(%dma_wait3A_370 : memref<10240xf32, #tpu.memory_space<vmem_shared>>)
        tpu.yield
      }) : () -> ()
      %add3A_354 = arith.constant 3 : i32
      %add3A_355 = arith.addi %mul3A_334, %add3A_354 : i32
      %lt3A_356 = arith.constant 160 : i32
      %lt3A_357 = arith.cmpi slt, %add3A_355, %lt3A_356 : i32
      %convert_element_type3A_358 = arith.extui %lt3A_357 : i1 to i32
      %cond3A_359 = arith.constant 0 : i32
      %cond3A_360 = arith.cmpi ne, %convert_element_type3A_358, %cond3A_359 : i32
      scf.if %cond3A_360 {
        %add3A_361 = arith.constant 3 : i32
        %add3A_362 = arith.addi %mul3A_334, %add3A_361 : i32
        %mul3A_363 = arith.constant 64 : i32
        %mul3A_364 = arith.muli %add3A_362, %mul3A_363 : i32
        %dma_start3A_365 = tpu.memref_slice %arg7[%mul3A_364] : memref<10240xi32, #tpu.memory_space<vmem>> -> memref<64xi32, #tpu.memory_space<vmem>>
        %dma_start3A_366 = arith.constant 0 : i32
        %dma_start3A_367 = arith.constant 0 : i32
        %dma_start3A_368 = tpu.memref_slice %arg2[%dma_start3A_366, %dma_start3A_367] : memref<10000x128xf32, #tpu.memory_space<hbm>> -> memref<10000x128xf32, #tpu.memory_space<hbm>>
        tpu.enqueue_indirect_dma source(%dma_start3A_368 : memref<10000x128xf32, #tpu.memory_space<hbm>>) target(%arg10 : memref<64x128xf32, #tpu.memory_space<vmem>>) offsets(%dma_start3A_365 : memref<64xi32, #tpu.memory_space<vmem>>) semaphore(%arg13 : memref<!tpu.dma_semaphore, #tpu.memory_space<semaphore_mem>>)
      } else {
      }
    }
    %scan3A_322 = arith.constant 80 : i32
    %barrier3A_323 = arith.constant 0 : index
    tpu.barrier barrier_id(%barrier3A_323)
    %mul3A_324 = arith.constant 640 : i32
    %mul3A_325 = arith.muli %arg1, %mul3A_324 : i32
    %mul3A_326 = arith.constant 640 : i32
    %mul3A_327 = arith.muli %arg1, %mul3A_326 : i32
    "tpu.region"() ({
      %run_scoped3A = tpu.sem_alloc : memref<!tpu.dma_semaphore, #tpu.memory_space<semaphore_mem>>
      %dma_start3A_332 = arith.constant 0 : i32
      %dma_start3A_333 = tpu.memref_slice %arg5[%arg0, %mul3A_327, %dma_start3A_332] : memref<2x10240x128xf32, #tpu.memory_space<hbm>> -> memref<1x640x128xf32, #tpu.memory_space<hbm>>
      %dma_start3A_334 = tpu.memref_squeeze %dma_start3A_333 : memref<1x640x128xf32, #tpu.memory_space<hbm>> -> memref<640x128xf32, #tpu.memory_space<hbm>>
      %dma_start3A_335 = arith.constant 0 : i32
      %dma_start3A_336 = tpu.memref_slice %arg11[%mul3A_325, %dma_start3A_335] : memref<10240x128xf32, #tpu.memory_space<vmem_shared>> -> memref<640x128xf32, #tpu.memory_space<vmem_shared>>
      tpu.enqueue_dma source(%dma_start3A_336 : memref<640x128xf32, #tpu.memory_space<vmem_shared>>) target(%dma_start3A_334 : memref<640x128xf32, #tpu.memory_space<hbm>>) target_semaphore(%run_scoped3A : memref<!tpu.dma_semaphore, #tpu.memory_space<semaphore_mem>>)
      %dma_wait3A = arith.constant 0 : i32
      %dma_wait3A_337 = tpu.memref_slice %arg5[%arg0, %mul3A_327, %dma_wait3A] : memref<2x10240x128xf32, #tpu.memory_space<hbm>> -> memref<1x640x128xf32, #tpu.memory_space<hbm>>
      %dma_wait3A_338 = tpu.memref_squeeze %dma_wait3A_337 : memref<1x640x128xf32, #tpu.memory_space<hbm>> -> memref<640x128xf32, #tpu.memory_space<hbm>>
      %dma_wait3A_339 = arith.constant 0 : i32
      %dma_wait3A_340 = tpu.memref_slice %arg11[%mul3A_325, %dma_wait3A_339] : memref<10240x128xf32, #tpu.memory_space<vmem_shared>> -> memref<640x128xf32, #tpu.memory_space<vmem_shared>>
      tpu.wait_dma2 semaphore(%run_scoped3A : memref<!tpu.dma_semaphore, #tpu.memory_space<semaphore_mem>>) src(%dma_wait3A_340 : memref<640x128xf32, #tpu.memory_space<vmem_shared>>) dst(%dma_wait3A_338 : memref<640x128xf32, #tpu.memory_space<hbm>>)
      tpu.yield
    }) : () -> ()
    %mul3A_328 = arith.constant 640 : i32
    %mul3A_329 = arith.muli %arg1, %mul3A_328 : i32
    %mul3A_330 = arith.constant 640 : i32
    %mul3A_331 = arith.muli %arg1, %mul3A_330 : i32
    "tpu.region"() ({
      %run_scoped3A = tpu.sem_alloc : memref<!tpu.dma_semaphore, #tpu.memory_space<semaphore_mem>>
      %dma_start3A_332 = tpu.memref_slice %arg6[%arg0, %mul3A_331] : memref<2x10240xf32, #tpu.memory_space<hbm>> -> memref<1x640xf32, #tpu.memory_space<hbm>>
      %dma_start3A_333 = tpu.memref_squeeze %dma_start3A_332 : memref<1x640xf32, #tpu.memory_space<hbm>> -> memref<640xf32, #tpu.memory_space<hbm>>
      %dma_start3A_334 = tpu.memref_slice %arg16[%mul3A_329] : memref<10240xf32, #tpu.memory_space<vmem_shared>> -> memref<640xf32, #tpu.memory_space<vmem_shared>>
      tpu.enqueue_dma source(%dma_start3A_334 : memref<640xf32, #tpu.memory_space<vmem_shared>>) target(%dma_start3A_333 : memref<640xf32, #tpu.memory_space<hbm>>) target_semaphore(%run_scoped3A : memref<!tpu.dma_semaphore, #tpu.memory_space<semaphore_mem>>)
      %dma_wait3A = tpu.memref_slice %arg6[%arg0, %mul3A_331] : memref<2x10240xf32, #tpu.memory_space<hbm>> -> memref<1x640xf32, #tpu.memory_space<hbm>>
      %dma_wait3A_335 = tpu.memref_squeeze %dma_wait3A : memref<1x640xf32, #tpu.memory_space<hbm>> -> memref<640xf32, #tpu.memory_space<hbm>>
      %dma_wait3A_336 = tpu.memref_slice %arg16[%mul3A_329] : memref<10240xf32, #tpu.memory_space<vmem_shared>> -> memref<640xf32, #tpu.memory_space<vmem_shared>>
      tpu.wait_dma2 semaphore(%run_scoped3A : memref<!tpu.dma_semaphore, #tpu.memory_space<semaphore_mem>>) src(%dma_wait3A_336 : memref<640xf32, #tpu.memory_space<vmem_shared>>) dst(%dma_wait3A_335 : memref<640xf32, #tpu.memory_space<hbm>>)
      tpu.yield
    }) : () -> ()
    return
  }
}

#map = affine_map<(d0, d1) -> (0)>
#map1 = affine_map<(d0, d1) -> (0, 0)>
#map2 = affine_map<(d0, d1) -> (0, 0, 0)>
module attributes {stable_mosaic.version = 14 : i64} {
  func.func @k(%arg0: i32, %arg1: i32, %arg2: memref<10000xf32, #tpu.memory_space<hbm>>, %arg3: memref<10000xf32, #tpu.memory_space<hbm>>, %arg4: memref<32x10240xi32, #tpu.memory_space<hbm>>, %arg5: memref<32x80x128xi32, #tpu.memory_space<hbm>>, %arg6: memref<2x10240xf32, #tpu.memory_space<hbm>>, %arg7: memref<2x10240xf32, #tpu.memory_space<hbm>>, %arg8: memref<10240xi32, #tpu.memory_space<vmem>>, %arg9: memref<80x128xi32, #tpu.memory_space<vmem>>, %arg10: memref<128xf32, #tpu.memory_space<vmem>>, %arg11: memref<128xf32, #tpu.memory_space<vmem>>, %arg12: memref<128xf32, #tpu.memory_space<vmem>>, %arg13: memref<128xf32, #tpu.memory_space<vmem>>, %arg14: memref<640xf32, #tpu.memory_space<vmem>>, %arg15: memref<10240xf32, #tpu.memory_space<vmem_shared>>, %arg16: memref<10240xf32, #tpu.memory_space<vmem_shared>>, %arg17: memref<!tpu.dma_semaphore, #tpu.memory_space<semaphore_mem>>, %arg18: memref<!tpu.dma_semaphore, #tpu.memory_space<semaphore_mem>>, %arg19: memref<!tpu.dma_semaphore, #tpu.memory_space<semaphore_mem>>, %arg20: memref<!tpu.dma_semaphore, #tpu.memory_space<semaphore_mem>>) attributes {dimension_semantics = [#tpu.dimension_semantics<core_parallel>, #tpu.dimension_semantics<subcore_parallel>], iteration_bounds = array<i64: 2, 16>, scalar_prefetch = 0 : i64, scratch_operands = 13 : i64, tpu.core_type = #tpu.core_type<sc_vector_subcore>, window_params = [{transform_indices = #map}, {transform_indices = #map}, {transform_indices = #map1}, {transform_indices = #map2}, {transform_indices = #map1}, {transform_indices = #map1}]} {
    %mul3A = arith.constant 2 : i32
    %mul3A_0 = arith.muli %arg1, %mul3A : i32
    %add3A = arith.addi %mul3A_0, %arg0 : i32
    "tpu.region"() ({
      %run_scoped3A = tpu.sem_alloc : memref<!tpu.dma_semaphore, #tpu.memory_space<semaphore_mem>>
      %dma_start3A_271 = arith.constant 0 : i32
      %dma_start3A_272 = tpu.memref_slice %arg4[%add3A, %dma_start3A_271] : memref<32x10240xi32, #tpu.memory_space<hbm>> -> memref<1x10240xi32, #tpu.memory_space<hbm>>
      %dma_start3A_273 = tpu.memref_squeeze %dma_start3A_272 : memref<1x10240xi32, #tpu.memory_space<hbm>> -> memref<10240xi32, #tpu.memory_space<hbm>>
      %dma_start3A_274 = arith.constant 0 : i32
      %dma_start3A_275 = tpu.memref_slice %arg4[%add3A, %dma_start3A_274] : memref<32x10240xi32, #tpu.memory_space<hbm>> -> memref<1x10240xi32, #tpu.memory_space<hbm>>
      %dma_start3A_276 = tpu.memref_squeeze %dma_start3A_275 : memref<1x10240xi32, #tpu.memory_space<hbm>> -> memref<10240xi32, #tpu.memory_space<hbm>>
      tpu.enqueue_dma source(%dma_start3A_276 : memref<10240xi32, #tpu.memory_space<hbm>>) target(%arg8 : memref<10240xi32, #tpu.memory_space<vmem>>) target_semaphore(%run_scoped3A : memref<!tpu.dma_semaphore, #tpu.memory_space<semaphore_mem>>)
      %dma_wait3A = arith.constant 0 : i32
      %dma_wait3A_277 = tpu.memref_slice %arg4[%add3A, %dma_wait3A] : memref<32x10240xi32, #tpu.memory_space<hbm>> -> memref<1x10240xi32, #tpu.memory_space<hbm>>
      %dma_wait3A_278 = tpu.memref_squeeze %dma_wait3A_277 : memref<1x10240xi32, #tpu.memory_space<hbm>> -> memref<10240xi32, #tpu.memory_space<hbm>>
      %dma_wait3A_279 = arith.constant 0 : i32
      %dma_wait3A_280 = tpu.memref_slice %arg4[%add3A, %dma_wait3A_279] : memref<32x10240xi32, #tpu.memory_space<hbm>> -> memref<1x10240xi32, #tpu.memory_space<hbm>>
      %dma_wait3A_281 = tpu.memref_squeeze %dma_wait3A_280 : memref<1x10240xi32, #tpu.memory_space<hbm>> -> memref<10240xi32, #tpu.memory_space<hbm>>
      tpu.wait_dma2 semaphore(%run_scoped3A : memref<!tpu.dma_semaphore, #tpu.memory_space<semaphore_mem>>) src(%dma_wait3A_281 : memref<10240xi32, #tpu.memory_space<hbm>>) dst(%arg8 : memref<10240xi32, #tpu.memory_space<vmem>>)
      tpu.yield
    }) : () -> ()
    "tpu.region"() ({
      %run_scoped3A = tpu.sem_alloc : memref<!tpu.dma_semaphore, #tpu.memory_space<semaphore_mem>>
      %dma_start3A_271 = arith.constant 0 : i32
      %dma_start3A_272 = arith.constant 0 : i32
      %dma_start3A_273 = tpu.memref_slice %arg5[%add3A, %dma_start3A_271, %dma_start3A_272] : memref<32x80x128xi32, #tpu.memory_space<hbm>> -> memref<1x80x128xi32, #tpu.memory_space<hbm>>
      %dma_start3A_274 = tpu.memref_squeeze %dma_start3A_273 : memref<1x80x128xi32, #tpu.memory_space<hbm>> -> memref<80x128xi32, #tpu.memory_space<hbm>>
      %dma_start3A_275 = arith.constant 0 : i32
      %dma_start3A_276 = arith.constant 0 : i32
      %dma_start3A_277 = tpu.memref_slice %arg5[%add3A, %dma_start3A_275, %dma_start3A_276] : memref<32x80x128xi32, #tpu.memory_space<hbm>> -> memref<1x80x128xi32, #tpu.memory_space<hbm>>
      %dma_start3A_278 = tpu.memref_squeeze %dma_start3A_277 : memref<1x80x128xi32, #tpu.memory_space<hbm>> -> memref<80x128xi32, #tpu.memory_space<hbm>>
      tpu.enqueue_dma source(%dma_start3A_278 : memref<80x128xi32, #tpu.memory_space<hbm>>) target(%arg9 : memref<80x128xi32, #tpu.memory_space<vmem>>) target_semaphore(%run_scoped3A : memref<!tpu.dma_semaphore, #tpu.memory_space<semaphore_mem>>)
      %dma_wait3A = arith.constant 0 : i32
      %dma_wait3A_279 = arith.constant 0 : i32
      %dma_wait3A_280 = tpu.memref_slice %arg5[%add3A, %dma_wait3A, %dma_wait3A_279] : memref<32x80x128xi32, #tpu.memory_space<hbm>> -> memref<1x80x128xi32, #tpu.memory_space<hbm>>
      %dma_wait3A_281 = tpu.memref_squeeze %dma_wait3A_280 : memref<1x80x128xi32, #tpu.memory_space<hbm>> -> memref<80x128xi32, #tpu.memory_space<hbm>>
      %dma_wait3A_282 = arith.constant 0 : i32
      %dma_wait3A_283 = arith.constant 0 : i32
      %dma_wait3A_284 = tpu.memref_slice %arg5[%add3A, %dma_wait3A_282, %dma_wait3A_283] : memref<32x80x128xi32, #tpu.memory_space<hbm>> -> memref<1x80x128xi32, #tpu.memory_space<hbm>>
      %dma_wait3A_285 = tpu.memref_squeeze %dma_wait3A_284 : memref<1x80x128xi32, #tpu.memory_space<hbm>> -> memref<80x128xi32, #tpu.memory_space<hbm>>
      tpu.wait_dma2 semaphore(%run_scoped3A : memref<!tpu.dma_semaphore, #tpu.memory_space<semaphore_mem>>) src(%dma_wait3A_285 : memref<80x128xi32, #tpu.memory_space<hbm>>) dst(%arg9 : memref<80x128xi32, #tpu.memory_space<vmem>>)
      tpu.yield
    }) : () -> ()
    %dma_start3A = arith.constant 0 : i32
    %dma_start3A_1 = tpu.memref_slice %arg8[%dma_start3A] : memref<10240xi32, #tpu.memory_space<vmem>> -> memref<128xi32, #tpu.memory_space<vmem>>
    %dma_start3A_2 = arith.constant 0 : i32
    %dma_start3A_3 = tpu.memref_slice %arg2[%dma_start3A_2] : memref<10000xf32, #tpu.memory_space<hbm>> -> memref<10000xf32, #tpu.memory_space<hbm>>
    tpu.enqueue_indirect_dma source(%dma_start3A_3 : memref<10000xf32, #tpu.memory_space<hbm>>) target(%arg10 : memref<128xf32, #tpu.memory_space<vmem>>) offsets(%dma_start3A_1 : memref<128xi32, #tpu.memory_space<vmem>>) semaphore(%arg17 : memref<!tpu.dma_semaphore, #tpu.memory_space<semaphore_mem>>)
    %dma_start3A_4 = arith.constant 0 : i32
    %dma_start3A_5 = tpu.memref_slice %arg8[%dma_start3A_4] : memref<10240xi32, #tpu.memory_space<vmem>> -> memref<128xi32, #tpu.memory_space<vmem>>
    %dma_start3A_6 = arith.constant 0 : i32
    %dma_start3A_7 = tpu.memref_slice %arg3[%dma_start3A_6] : memref<10000xf32, #tpu.memory_space<hbm>> -> memref<10000xf32, #tpu.memory_space<hbm>>
    tpu.enqueue_indirect_dma source(%dma_start3A_7 : memref<10000xf32, #tpu.memory_space<hbm>>) target(%arg12 : memref<128xf32, #tpu.memory_space<vmem>>) offsets(%dma_start3A_5 : memref<128xi32, #tpu.memory_space<vmem>>) semaphore(%arg19 : memref<!tpu.dma_semaphore, #tpu.memory_space<semaphore_mem>>)
    %dma_start3A_8 = arith.constant 128 : i32
    %dma_start3A_9 = tpu.memref_slice %arg8[%dma_start3A_8] : memref<10240xi32, #tpu.memory_space<vmem>> -> memref<128xi32, #tpu.memory_space<vmem>>
    %dma_start3A_10 = arith.constant 0 : i32
    %dma_start3A_11 = tpu.memref_slice %arg2[%dma_start3A_10] : memref<10000xf32, #tpu.memory_space<hbm>> -> memref<10000xf32, #tpu.memory_space<hbm>>
    tpu.enqueue_indirect_dma source(%dma_start3A_11 : memref<10000xf32, #tpu.memory_space<hbm>>) target(%arg11 : memref<128xf32, #tpu.memory_space<vmem>>) offsets(%dma_start3A_9 : memref<128xi32, #tpu.memory_space<vmem>>) semaphore(%arg18 : memref<!tpu.dma_semaphore, #tpu.memory_space<semaphore_mem>>)
    %dma_start3A_12 = arith.constant 128 : i32
    %dma_start3A_13 = tpu.memref_slice %arg8[%dma_start3A_12] : memref<10240xi32, #tpu.memory_space<vmem>> -> memref<128xi32, #tpu.memory_space<vmem>>
    %dma_start3A_14 = arith.constant 0 : i32
    %dma_start3A_15 = tpu.memref_slice %arg3[%dma_start3A_14] : memref<10000xf32, #tpu.memory_space<hbm>> -> memref<10000xf32, #tpu.memory_space<hbm>>
    tpu.enqueue_indirect_dma source(%dma_start3A_15 : memref<10000xf32, #tpu.memory_space<hbm>>) target(%arg13 : memref<128xf32, #tpu.memory_space<vmem>>) offsets(%dma_start3A_13 : memref<128xi32, #tpu.memory_space<vmem>>) semaphore(%arg20 : memref<!tpu.dma_semaphore, #tpu.memory_space<semaphore_mem>>)
    %broadcast_in_dim3A = arith.constant 0.000000e+00 : f32
    %broadcast_in_dim3A_16 = vector.broadcast %broadcast_in_dim3A : f32 to vector<16xf32>
    %swap3A = arith.constant 0 : index
    %swap3A_17 = tpu.vector_load %arg14[%swap3A] {strides = array<i32>} : memref<640xf32, #tpu.memory_space<vmem>>, vector<16xf32>,
    %swap3A_18 = vector.shape_cast %swap3A_17 : vector<16xf32> to vector<16xf32>
    %swap3A_19 = vector.shape_cast %broadcast_in_dim3A_16 : vector<16xf32> to vector<16xf32>
    tpu.vector_store %arg14[%swap3A], %swap3A_19 {strides = array<i32>} : memref<640xf32, #tpu.memory_space<vmem>>, vector<16xf32>,
    %broadcast_in_dim3A_20 = arith.constant 0.000000e+00 : f32
    %broadcast_in_dim3A_21 = vector.broadcast %broadcast_in_dim3A_20 : f32 to vector<16xf32>
    %swap3A_22 = arith.constant 16 : index
    %swap3A_23 = tpu.vector_load %arg14[%swap3A_22] {strides = array<i32>} : memref<640xf32, #tpu.memory_space<vmem>>, vector<16xf32>,
    %swap3A_24 = vector.shape_cast %swap3A_23 : vector<16xf32> to vector<16xf32>
    %swap3A_25 = vector.shape_cast %broadcast_in_dim3A_21 : vector<16xf32> to vector<16xf32>
    tpu.vector_store %arg14[%swap3A_22], %swap3A_25 {strides = array<i32>} : memref<640xf32, #tpu.memory_space<vmem>>, vector<16xf32>,
    %broadcast_in_dim3A_26 = arith.constant 0.000000e+00 : f32
    %broadcast_in_dim3A_27 = vector.broadcast %broadcast_in_dim3A_26 : f32 to vector<16xf32>
    %swap3A_28 = arith.constant 32 : index
    %swap3A_29 = tpu.vector_load %arg14[%swap3A_28] {strides = array<i32>} : memref<640xf32, #tpu.memory_space<vmem>>, vector<16xf32>,
    %swap3A_30 = vector.shape_cast %swap3A_29 : vector<16xf32> to vector<16xf32>
    %swap3A_31 = vector.shape_cast %broadcast_in_dim3A_27 : vector<16xf32> to vector<16xf32>
    tpu.vector_store %arg14[%swap3A_28], %swap3A_31 {strides = array<i32>} : memref<640xf32, #tpu.memory_space<vmem>>, vector<16xf32>,
    %broadcast_in_dim3A_32 = arith.constant 0.000000e+00 : f32
    %broadcast_in_dim3A_33 = vector.broadcast %broadcast_in_dim3A_32 : f32 to vector<16xf32>
    %swap3A_34 = arith.constant 48 : index
    %swap3A_35 = tpu.vector_load %arg14[%swap3A_34] {strides = array<i32>} : memref<640xf32, #tpu.memory_space<vmem>>, vector<16xf32>,
    %swap3A_36 = vector.shape_cast %swap3A_35 : vector<16xf32> to vector<16xf32>
    %swap3A_37 = vector.shape_cast %broadcast_in_dim3A_33 : vector<16xf32> to vector<16xf32>
    tpu.vector_store %arg14[%swap3A_34], %swap3A_37 {strides = array<i32>} : memref<640xf32, #tpu.memory_space<vmem>>, vector<16xf32>,
    %broadcast_in_dim3A_38 = arith.constant 0.000000e+00 : f32
    %broadcast_in_dim3A_39 = vector.broadcast %broadcast_in_dim3A_38 : f32 to vector<16xf32>
    %swap3A_40 = arith.constant 64 : index
    %swap3A_41 = tpu.vector_load %arg14[%swap3A_40] {strides = array<i32>} : memref<640xf32, #tpu.memory_space<vmem>>, vector<16xf32>,
    %swap3A_42 = vector.shape_cast %swap3A_41 : vector<16xf32> to vector<16xf32>
    %swap3A_43 = vector.shape_cast %broadcast_in_dim3A_39 : vector<16xf32> to vector<16xf32>
    tpu.vector_store %arg14[%swap3A_40], %swap3A_43 {strides = array<i32>} : memref<640xf32, #tpu.memory_space<vmem>>, vector<16xf32>,
    %broadcast_in_dim3A_44 = arith.constant 0.000000e+00 : f32
    %broadcast_in_dim3A_45 = vector.broadcast %broadcast_in_dim3A_44 : f32 to vector<16xf32>
    %swap3A_46 = arith.constant 80 : index
    %swap3A_47 = tpu.vector_load %arg14[%swap3A_46] {strides = array<i32>} : memref<640xf32, #tpu.memory_space<vmem>>, vector<16xf32>,
    %swap3A_48 = vector.shape_cast %swap3A_47 : vector<16xf32> to vector<16xf32>
    %swap3A_49 = vector.shape_cast %broadcast_in_dim3A_45 : vector<16xf32> to vector<16xf32>
    tpu.vector_store %arg14[%swap3A_46], %swap3A_49 {strides = array<i32>} : memref<640xf32, #tpu.memory_space<vmem>>, vector<16xf32>,
    %broadcast_in_dim3A_50 = arith.constant 0.000000e+00 : f32
    %broadcast_in_dim3A_51 = vector.broadcast %broadcast_in_dim3A_50 : f32 to vector<16xf32>
    %swap3A_52 = arith.constant 96 : index
    %swap3A_53 = tpu.vector_load %arg14[%swap3A_52] {strides = array<i32>} : memref<640xf32, #tpu.memory_space<vmem>>, vector<16xf32>,
    %swap3A_54 = vector.shape_cast %swap3A_53 : vector<16xf32> to vector<16xf32>
    %swap3A_55 = vector.shape_cast %broadcast_in_dim3A_51 : vector<16xf32> to vector<16xf32>
    tpu.vector_store %arg14[%swap3A_52], %swap3A_55 {strides = array<i32>} : memref<640xf32, #tpu.memory_space<vmem>>, vector<16xf32>,
    %broadcast_in_dim3A_56 = arith.constant 0.000000e+00 : f32
    %broadcast_in_dim3A_57 = vector.broadcast %broadcast_in_dim3A_56 : f32 to vector<16xf32>
    %swap3A_58 = arith.constant 112 : index
    %swap3A_59 = tpu.vector_load %arg14[%swap3A_58] {strides = array<i32>} : memref<640xf32, #tpu.memory_space<vmem>>, vector<16xf32>,
    %swap3A_60 = vector.shape_cast %swap3A_59 : vector<16xf32> to vector<16xf32>
    %swap3A_61 = vector.shape_cast %broadcast_in_dim3A_57 : vector<16xf32> to vector<16xf32>
    tpu.vector_store %arg14[%swap3A_58], %swap3A_61 {strides = array<i32>} : memref<640xf32, #tpu.memory_space<vmem>>, vector<16xf32>,
    %broadcast_in_dim3A_62 = arith.constant 0.000000e+00 : f32
    %broadcast_in_dim3A_63 = vector.broadcast %broadcast_in_dim3A_62 : f32 to vector<16xf32>
    %swap3A_64 = arith.constant 128 : index
    %swap3A_65 = tpu.vector_load %arg14[%swap3A_64] {strides = array<i32>} : memref<640xf32, #tpu.memory_space<vmem>>, vector<16xf32>,
    %swap3A_66 = vector.shape_cast %swap3A_65 : vector<16xf32> to vector<16xf32>
    %swap3A_67 = vector.shape_cast %broadcast_in_dim3A_63 : vector<16xf32> to vector<16xf32>
    tpu.vector_store %arg14[%swap3A_64], %swap3A_67 {strides = array<i32>} : memref<640xf32, #tpu.memory_space<vmem>>, vector<16xf32>,
    %broadcast_in_dim3A_68 = arith.constant 0.000000e+00 : f32
    %broadcast_in_dim3A_69 = vector.broadcast %broadcast_in_dim3A_68 : f32 to vector<16xf32>
    %swap3A_70 = arith.constant 144 : index
    %swap3A_71 = tpu.vector_load %arg14[%swap3A_70] {strides = array<i32>} : memref<640xf32, #tpu.memory_space<vmem>>, vector<16xf32>,
    %swap3A_72 = vector.shape_cast %swap3A_71 : vector<16xf32> to vector<16xf32>
    %swap3A_73 = vector.shape_cast %broadcast_in_dim3A_69 : vector<16xf32> to vector<16xf32>
    tpu.vector_store %arg14[%swap3A_70], %swap3A_73 {strides = array<i32>} : memref<640xf32, #tpu.memory_space<vmem>>, vector<16xf32>,
    %broadcast_in_dim3A_74 = arith.constant 0.000000e+00 : f32
    %broadcast_in_dim3A_75 = vector.broadcast %broadcast_in_dim3A_74 : f32 to vector<16xf32>
    %swap3A_76 = arith.constant 160 : index
    %swap3A_77 = tpu.vector_load %arg14[%swap3A_76] {strides = array<i32>} : memref<640xf32, #tpu.memory_space<vmem>>, vector<16xf32>,
    %swap3A_78 = vector.shape_cast %swap3A_77 : vector<16xf32> to vector<16xf32>
    %swap3A_79 = vector.shape_cast %broadcast_in_dim3A_75 : vector<16xf32> to vector<16xf32>
    tpu.vector_store %arg14[%swap3A_76], %swap3A_79 {strides = array<i32>} : memref<640xf32, #tpu.memory_space<vmem>>, vector<16xf32>,
    %broadcast_in_dim3A_80 = arith.constant 0.000000e+00 : f32
    %broadcast_in_dim3A_81 = vector.broadcast %broadcast_in_dim3A_80 : f32 to vector<16xf32>
    %swap3A_82 = arith.constant 176 : index
    %swap3A_83 = tpu.vector_load %arg14[%swap3A_82] {strides = array<i32>} : memref<640xf32, #tpu.memory_space<vmem>>, vector<16xf32>,
    %swap3A_84 = vector.shape_cast %swap3A_83 : vector<16xf32> to vector<16xf32>
    %swap3A_85 = vector.shape_cast %broadcast_in_dim3A_81 : vector<16xf32> to vector<16xf32>
    tpu.vector_store %arg14[%swap3A_82], %swap3A_85 {strides = array<i32>} : memref<640xf32, #tpu.memory_space<vmem>>, vector<16xf32>,
    %broadcast_in_dim3A_86 = arith.constant 0.000000e+00 : f32
    %broadcast_in_dim3A_87 = vector.broadcast %broadcast_in_dim3A_86 : f32 to vector<16xf32>
    %swap3A_88 = arith.constant 192 : index
    %swap3A_89 = tpu.vector_load %arg14[%swap3A_88] {strides = array<i32>} : memref<640xf32, #tpu.memory_space<vmem>>, vector<16xf32>,
    %swap3A_90 = vector.shape_cast %swap3A_89 : vector<16xf32> to vector<16xf32>
    %swap3A_91 = vector.shape_cast %broadcast_in_dim3A_87 : vector<16xf32> to vector<16xf32>
    tpu.vector_store %arg14[%swap3A_88], %swap3A_91 {strides = array<i32>} : memref<640xf32, #tpu.memory_space<vmem>>, vector<16xf32>,
    %broadcast_in_dim3A_92 = arith.constant 0.000000e+00 : f32
    %broadcast_in_dim3A_93 = vector.broadcast %broadcast_in_dim3A_92 : f32 to vector<16xf32>
    %swap3A_94 = arith.constant 208 : index
    %swap3A_95 = tpu.vector_load %arg14[%swap3A_94] {strides = array<i32>} : memref<640xf32, #tpu.memory_space<vmem>>, vector<16xf32>,
    %swap3A_96 = vector.shape_cast %swap3A_95 : vector<16xf32> to vector<16xf32>
    %swap3A_97 = vector.shape_cast %broadcast_in_dim3A_93 : vector<16xf32> to vector<16xf32>
    tpu.vector_store %arg14[%swap3A_94], %swap3A_97 {strides = array<i32>} : memref<640xf32, #tpu.memory_space<vmem>>, vector<16xf32>,
    %broadcast_in_dim3A_98 = arith.constant 0.000000e+00 : f32
    %broadcast_in_dim3A_99 = vector.broadcast %broadcast_in_dim3A_98 : f32 to vector<16xf32>
    %swap3A_100 = arith.constant 224 : index
    %swap3A_101 = tpu.vector_load %arg14[%swap3A_100] {strides = array<i32>} : memref<640xf32, #tpu.memory_space<vmem>>, vector<16xf32>,
    %swap3A_102 = vector.shape_cast %swap3A_101 : vector<16xf32> to vector<16xf32>
    %swap3A_103 = vector.shape_cast %broadcast_in_dim3A_99 : vector<16xf32> to vector<16xf32>
    tpu.vector_store %arg14[%swap3A_100], %swap3A_103 {strides = array<i32>} : memref<640xf32, #tpu.memory_space<vmem>>, vector<16xf32>,
    %broadcast_in_dim3A_104 = arith.constant 0.000000e+00 : f32
    %broadcast_in_dim3A_105 = vector.broadcast %broadcast_in_dim3A_104 : f32 to vector<16xf32>
    %swap3A_106 = arith.constant 240 : index
    %swap3A_107 = tpu.vector_load %arg14[%swap3A_106] {strides = array<i32>} : memref<640xf32, #tpu.memory_space<vmem>>, vector<16xf32>,
    %swap3A_108 = vector.shape_cast %swap3A_107 : vector<16xf32> to vector<16xf32>
    %swap3A_109 = vector.shape_cast %broadcast_in_dim3A_105 : vector<16xf32> to vector<16xf32>
    tpu.vector_store %arg14[%swap3A_106], %swap3A_109 {strides = array<i32>} : memref<640xf32, #tpu.memory_space<vmem>>, vector<16xf32>,
    %broadcast_in_dim3A_110 = arith.constant 0.000000e+00 : f32
    %broadcast_in_dim3A_111 = vector.broadcast %broadcast_in_dim3A_110 : f32 to vector<16xf32>
    %swap3A_112 = arith.constant 256 : index
    %swap3A_113 = tpu.vector_load %arg14[%swap3A_112] {strides = array<i32>} : memref<640xf32, #tpu.memory_space<vmem>>, vector<16xf32>,
    %swap3A_114 = vector.shape_cast %swap3A_113 : vector<16xf32> to vector<16xf32>
    %swap3A_115 = vector.shape_cast %broadcast_in_dim3A_111 : vector<16xf32> to vector<16xf32>
    tpu.vector_store %arg14[%swap3A_112], %swap3A_115 {strides = array<i32>} : memref<640xf32, #tpu.memory_space<vmem>>, vector<16xf32>,
    %broadcast_in_dim3A_116 = arith.constant 0.000000e+00 : f32
    %broadcast_in_dim3A_117 = vector.broadcast %broadcast_in_dim3A_116 : f32 to vector<16xf32>
    %swap3A_118 = arith.constant 272 : index
    %swap3A_119 = tpu.vector_load %arg14[%swap3A_118] {strides = array<i32>} : memref<640xf32, #tpu.memory_space<vmem>>, vector<16xf32>,
    %swap3A_120 = vector.shape_cast %swap3A_119 : vector<16xf32> to vector<16xf32>
    %swap3A_121 = vector.shape_cast %broadcast_in_dim3A_117 : vector<16xf32> to vector<16xf32>
    tpu.vector_store %arg14[%swap3A_118], %swap3A_121 {strides = array<i32>} : memref<640xf32, #tpu.memory_space<vmem>>, vector<16xf32>,
    %broadcast_in_dim3A_122 = arith.constant 0.000000e+00 : f32
    %broadcast_in_dim3A_123 = vector.broadcast %broadcast_in_dim3A_122 : f32 to vector<16xf32>
    %swap3A_124 = arith.constant 288 : index
    %swap3A_125 = tpu.vector_load %arg14[%swap3A_124] {strides = array<i32>} : memref<640xf32, #tpu.memory_space<vmem>>, vector<16xf32>,
    %swap3A_126 = vector.shape_cast %swap3A_125 : vector<16xf32> to vector<16xf32>
    %swap3A_127 = vector.shape_cast %broadcast_in_dim3A_123 : vector<16xf32> to vector<16xf32>
    tpu.vector_store %arg14[%swap3A_124], %swap3A_127 {strides = array<i32>} : memref<640xf32, #tpu.memory_space<vmem>>, vector<16xf32>,
    %broadcast_in_dim3A_128 = arith.constant 0.000000e+00 : f32
    %broadcast_in_dim3A_129 = vector.broadcast %broadcast_in_dim3A_128 : f32 to vector<16xf32>
    %swap3A_130 = arith.constant 304 : index
    %swap3A_131 = tpu.vector_load %arg14[%swap3A_130] {strides = array<i32>} : memref<640xf32, #tpu.memory_space<vmem>>, vector<16xf32>,
    %swap3A_132 = vector.shape_cast %swap3A_131 : vector<16xf32> to vector<16xf32>
    %swap3A_133 = vector.shape_cast %broadcast_in_dim3A_129 : vector<16xf32> to vector<16xf32>
    tpu.vector_store %arg14[%swap3A_130], %swap3A_133 {strides = array<i32>} : memref<640xf32, #tpu.memory_space<vmem>>, vector<16xf32>,
    %broadcast_in_dim3A_134 = arith.constant 0.000000e+00 : f32
    %broadcast_in_dim3A_135 = vector.broadcast %broadcast_in_dim3A_134 : f32 to vector<16xf32>
    %swap3A_136 = arith.constant 320 : index
    %swap3A_137 = tpu.vector_load %arg14[%swap3A_136] {strides = array<i32>} : memref<640xf32, #tpu.memory_space<vmem>>, vector<16xf32>,
    %swap3A_138 = vector.shape_cast %swap3A_137 : vector<16xf32> to vector<16xf32>
    %swap3A_139 = vector.shape_cast %broadcast_in_dim3A_135 : vector<16xf32> to vector<16xf32>
    tpu.vector_store %arg14[%swap3A_136], %swap3A_139 {strides = array<i32>} : memref<640xf32, #tpu.memory_space<vmem>>, vector<16xf32>,
    %broadcast_in_dim3A_140 = arith.constant 0.000000e+00 : f32
    %broadcast_in_dim3A_141 = vector.broadcast %broadcast_in_dim3A_140 : f32 to vector<16xf32>
    %swap3A_142 = arith.constant 336 : index
    %swap3A_143 = tpu.vector_load %arg14[%swap3A_142] {strides = array<i32>} : memref<640xf32, #tpu.memory_space<vmem>>, vector<16xf32>,
    %swap3A_144 = vector.shape_cast %swap3A_143 : vector<16xf32> to vector<16xf32>
    %swap3A_145 = vector.shape_cast %broadcast_in_dim3A_141 : vector<16xf32> to vector<16xf32>
    tpu.vector_store %arg14[%swap3A_142], %swap3A_145 {strides = array<i32>} : memref<640xf32, #tpu.memory_space<vmem>>, vector<16xf32>,
    %broadcast_in_dim3A_146 = arith.constant 0.000000e+00 : f32
    %broadcast_in_dim3A_147 = vector.broadcast %broadcast_in_dim3A_146 : f32 to vector<16xf32>
    %swap3A_148 = arith.constant 352 : index
    %swap3A_149 = tpu.vector_load %arg14[%swap3A_148] {strides = array<i32>} : memref<640xf32, #tpu.memory_space<vmem>>, vector<16xf32>,
    %swap3A_150 = vector.shape_cast %swap3A_149 : vector<16xf32> to vector<16xf32>
    %swap3A_151 = vector.shape_cast %broadcast_in_dim3A_147 : vector<16xf32> to vector<16xf32>
    tpu.vector_store %arg14[%swap3A_148], %swap3A_151 {strides = array<i32>} : memref<640xf32, #tpu.memory_space<vmem>>, vector<16xf32>,
    %broadcast_in_dim3A_152 = arith.constant 0.000000e+00 : f32
    %broadcast_in_dim3A_153 = vector.broadcast %broadcast_in_dim3A_152 : f32 to vector<16xf32>
    %swap3A_154 = arith.constant 368 : index
    %swap3A_155 = tpu.vector_load %arg14[%swap3A_154] {strides = array<i32>} : memref<640xf32, #tpu.memory_space<vmem>>, vector<16xf32>,
    %swap3A_156 = vector.shape_cast %swap3A_155 : vector<16xf32> to vector<16xf32>
    %swap3A_157 = vector.shape_cast %broadcast_in_dim3A_153 : vector<16xf32> to vector<16xf32>
    tpu.vector_store %arg14[%swap3A_154], %swap3A_157 {strides = array<i32>} : memref<640xf32, #tpu.memory_space<vmem>>, vector<16xf32>,
    %broadcast_in_dim3A_158 = arith.constant 0.000000e+00 : f32
    %broadcast_in_dim3A_159 = vector.broadcast %broadcast_in_dim3A_158 : f32 to vector<16xf32>
    %swap3A_160 = arith.constant 384 : index
    %swap3A_161 = tpu.vector_load %arg14[%swap3A_160] {strides = array<i32>} : memref<640xf32, #tpu.memory_space<vmem>>, vector<16xf32>,
    %swap3A_162 = vector.shape_cast %swap3A_161 : vector<16xf32> to vector<16xf32>
    %swap3A_163 = vector.shape_cast %broadcast_in_dim3A_159 : vector<16xf32> to vector<16xf32>
    tpu.vector_store %arg14[%swap3A_160], %swap3A_163 {strides = array<i32>} : memref<640xf32, #tpu.memory_space<vmem>>, vector<16xf32>,
    %broadcast_in_dim3A_164 = arith.constant 0.000000e+00 : f32
    %broadcast_in_dim3A_165 = vector.broadcast %broadcast_in_dim3A_164 : f32 to vector<16xf32>
    %swap3A_166 = arith.constant 400 : index
    %swap3A_167 = tpu.vector_load %arg14[%swap3A_166] {strides = array<i32>} : memref<640xf32, #tpu.memory_space<vmem>>, vector<16xf32>,
    %swap3A_168 = vector.shape_cast %swap3A_167 : vector<16xf32> to vector<16xf32>
    %swap3A_169 = vector.shape_cast %broadcast_in_dim3A_165 : vector<16xf32> to vector<16xf32>
    tpu.vector_store %arg14[%swap3A_166], %swap3A_169 {strides = array<i32>} : memref<640xf32, #tpu.memory_space<vmem>>, vector<16xf32>,
    %broadcast_in_dim3A_170 = arith.constant 0.000000e+00 : f32
    %broadcast_in_dim3A_171 = vector.broadcast %broadcast_in_dim3A_170 : f32 to vector<16xf32>
    %swap3A_172 = arith.constant 416 : index
    %swap3A_173 = tpu.vector_load %arg14[%swap3A_172] {strides = array<i32>} : memref<640xf32, #tpu.memory_space<vmem>>, vector<16xf32>,
    %swap3A_174 = vector.shape_cast %swap3A_173 : vector<16xf32> to vector<16xf32>
    %swap3A_175 = vector.shape_cast %broadcast_in_dim3A_171 : vector<16xf32> to vector<16xf32>
    tpu.vector_store %arg14[%swap3A_172], %swap3A_175 {strides = array<i32>} : memref<640xf32, #tpu.memory_space<vmem>>, vector<16xf32>,
    %broadcast_in_dim3A_176 = arith.constant 0.000000e+00 : f32
    %broadcast_in_dim3A_177 = vector.broadcast %broadcast_in_dim3A_176 : f32 to vector<16xf32>
    %swap3A_178 = arith.constant 432 : index
    %swap3A_179 = tpu.vector_load %arg14[%swap3A_178] {strides = array<i32>} : memref<640xf32, #tpu.memory_space<vmem>>, vector<16xf32>,
    %swap3A_180 = vector.shape_cast %swap3A_179 : vector<16xf32> to vector<16xf32>
    %swap3A_181 = vector.shape_cast %broadcast_in_dim3A_177 : vector<16xf32> to vector<16xf32>
    tpu.vector_store %arg14[%swap3A_178], %swap3A_181 {strides = array<i32>} : memref<640xf32, #tpu.memory_space<vmem>>, vector<16xf32>,
    %broadcast_in_dim3A_182 = arith.constant 0.000000e+00 : f32
    %broadcast_in_dim3A_183 = vector.broadcast %broadcast_in_dim3A_182 : f32 to vector<16xf32>
    %swap3A_184 = arith.constant 448 : index
    %swap3A_185 = tpu.vector_load %arg14[%swap3A_184] {strides = array<i32>} : memref<640xf32, #tpu.memory_space<vmem>>, vector<16xf32>,
    %swap3A_186 = vector.shape_cast %swap3A_185 : vector<16xf32> to vector<16xf32>
    %swap3A_187 = vector.shape_cast %broadcast_in_dim3A_183 : vector<16xf32> to vector<16xf32>
    tpu.vector_store %arg14[%swap3A_184], %swap3A_187 {strides = array<i32>} : memref<640xf32, #tpu.memory_space<vmem>>, vector<16xf32>,
    %broadcast_in_dim3A_188 = arith.constant 0.000000e+00 : f32
    %broadcast_in_dim3A_189 = vector.broadcast %broadcast_in_dim3A_188 : f32 to vector<16xf32>
    %swap3A_190 = arith.constant 464 : index
    %swap3A_191 = tpu.vector_load %arg14[%swap3A_190] {strides = array<i32>} : memref<640xf32, #tpu.memory_space<vmem>>, vector<16xf32>,
    %swap3A_192 = vector.shape_cast %swap3A_191 : vector<16xf32> to vector<16xf32>
    %swap3A_193 = vector.shape_cast %broadcast_in_dim3A_189 : vector<16xf32> to vector<16xf32>
    tpu.vector_store %arg14[%swap3A_190], %swap3A_193 {strides = array<i32>} : memref<640xf32, #tpu.memory_space<vmem>>, vector<16xf32>,
    %broadcast_in_dim3A_194 = arith.constant 0.000000e+00 : f32
    %broadcast_in_dim3A_195 = vector.broadcast %broadcast_in_dim3A_194 : f32 to vector<16xf32>
    %swap3A_196 = arith.constant 480 : index
    %swap3A_197 = tpu.vector_load %arg14[%swap3A_196] {strides = array<i32>} : memref<640xf32, #tpu.memory_space<vmem>>, vector<16xf32>,
    %swap3A_198 = vector.shape_cast %swap3A_197 : vector<16xf32> to vector<16xf32>
    %swap3A_199 = vector.shape_cast %broadcast_in_dim3A_195 : vector<16xf32> to vector<16xf32>
    tpu.vector_store %arg14[%swap3A_196], %swap3A_199 {strides = array<i32>} : memref<640xf32, #tpu.memory_space<vmem>>, vector<16xf32>,
    %broadcast_in_dim3A_200 = arith.constant 0.000000e+00 : f32
    %broadcast_in_dim3A_201 = vector.broadcast %broadcast_in_dim3A_200 : f32 to vector<16xf32>
    %swap3A_202 = arith.constant 496 : index
    %swap3A_203 = tpu.vector_load %arg14[%swap3A_202] {strides = array<i32>} : memref<640xf32, #tpu.memory_space<vmem>>, vector<16xf32>,
    %swap3A_204 = vector.shape_cast %swap3A_203 : vector<16xf32> to vector<16xf32>
    %swap3A_205 = vector.shape_cast %broadcast_in_dim3A_201 : vector<16xf32> to vector<16xf32>
    tpu.vector_store %arg14[%swap3A_202], %swap3A_205 {strides = array<i32>} : memref<640xf32, #tpu.memory_space<vmem>>, vector<16xf32>,
    %broadcast_in_dim3A_206 = arith.constant 0.000000e+00 : f32
    %broadcast_in_dim3A_207 = vector.broadcast %broadcast_in_dim3A_206 : f32 to vector<16xf32>
    %swap3A_208 = arith.constant 512 : index
    %swap3A_209 = tpu.vector_load %arg14[%swap3A_208] {strides = array<i32>} : memref<640xf32, #tpu.memory_space<vmem>>, vector<16xf32>,
    %swap3A_210 = vector.shape_cast %swap3A_209 : vector<16xf32> to vector<16xf32>
    %swap3A_211 = vector.shape_cast %broadcast_in_dim3A_207 : vector<16xf32> to vector<16xf32>
    tpu.vector_store %arg14[%swap3A_208], %swap3A_211 {strides = array<i32>} : memref<640xf32, #tpu.memory_space<vmem>>, vector<16xf32>,
    %broadcast_in_dim3A_212 = arith.constant 0.000000e+00 : f32
    %broadcast_in_dim3A_213 = vector.broadcast %broadcast_in_dim3A_212 : f32 to vector<16xf32>
    %swap3A_214 = arith.constant 528 : index
    %swap3A_215 = tpu.vector_load %arg14[%swap3A_214] {strides = array<i32>} : memref<640xf32, #tpu.memory_space<vmem>>, vector<16xf32>,
    %swap3A_216 = vector.shape_cast %swap3A_215 : vector<16xf32> to vector<16xf32>
    %swap3A_217 = vector.shape_cast %broadcast_in_dim3A_213 : vector<16xf32> to vector<16xf32>
    tpu.vector_store %arg14[%swap3A_214], %swap3A_217 {strides = array<i32>} : memref<640xf32, #tpu.memory_space<vmem>>, vector<16xf32>,
    %broadcast_in_dim3A_218 = arith.constant 0.000000e+00 : f32
    %broadcast_in_dim3A_219 = vector.broadcast %broadcast_in_dim3A_218 : f32 to vector<16xf32>
    %swap3A_220 = arith.constant 544 : index
    %swap3A_221 = tpu.vector_load %arg14[%swap3A_220] {strides = array<i32>} : memref<640xf32, #tpu.memory_space<vmem>>, vector<16xf32>,
    %swap3A_222 = vector.shape_cast %swap3A_221 : vector<16xf32> to vector<16xf32>
    %swap3A_223 = vector.shape_cast %broadcast_in_dim3A_219 : vector<16xf32> to vector<16xf32>
    tpu.vector_store %arg14[%swap3A_220], %swap3A_223 {strides = array<i32>} : memref<640xf32, #tpu.memory_space<vmem>>, vector<16xf32>,
    %broadcast_in_dim3A_224 = arith.constant 0.000000e+00 : f32
    %broadcast_in_dim3A_225 = vector.broadcast %broadcast_in_dim3A_224 : f32 to vector<16xf32>
    %swap3A_226 = arith.constant 560 : index
    %swap3A_227 = tpu.vector_load %arg14[%swap3A_226] {strides = array<i32>} : memref<640xf32, #tpu.memory_space<vmem>>, vector<16xf32>,
    %swap3A_228 = vector.shape_cast %swap3A_227 : vector<16xf32> to vector<16xf32>
    %swap3A_229 = vector.shape_cast %broadcast_in_dim3A_225 : vector<16xf32> to vector<16xf32>
    tpu.vector_store %arg14[%swap3A_226], %swap3A_229 {strides = array<i32>} : memref<640xf32, #tpu.memory_space<vmem>>, vector<16xf32>,
    %broadcast_in_dim3A_230 = arith.constant 0.000000e+00 : f32
    %broadcast_in_dim3A_231 = vector.broadcast %broadcast_in_dim3A_230 : f32 to vector<16xf32>
    %swap3A_232 = arith.constant 576 : index
    %swap3A_233 = tpu.vector_load %arg14[%swap3A_232] {strides = array<i32>} : memref<640xf32, #tpu.memory_space<vmem>>, vector<16xf32>,
    %swap3A_234 = vector.shape_cast %swap3A_233 : vector<16xf32> to vector<16xf32>
    %swap3A_235 = vector.shape_cast %broadcast_in_dim3A_231 : vector<16xf32> to vector<16xf32>
    tpu.vector_store %arg14[%swap3A_232], %swap3A_235 {strides = array<i32>} : memref<640xf32, #tpu.memory_space<vmem>>, vector<16xf32>,
    %broadcast_in_dim3A_236 = arith.constant 0.000000e+00 : f32
    %broadcast_in_dim3A_237 = vector.broadcast %broadcast_in_dim3A_236 : f32 to vector<16xf32>
    %swap3A_238 = arith.constant 592 : index
    %swap3A_239 = tpu.vector_load %arg14[%swap3A_238] {strides = array<i32>} : memref<640xf32, #tpu.memory_space<vmem>>, vector<16xf32>,
    %swap3A_240 = vector.shape_cast %swap3A_239 : vector<16xf32> to vector<16xf32>
    %swap3A_241 = vector.shape_cast %broadcast_in_dim3A_237 : vector<16xf32> to vector<16xf32>
    tpu.vector_store %arg14[%swap3A_238], %swap3A_241 {strides = array<i32>} : memref<640xf32, #tpu.memory_space<vmem>>, vector<16xf32>,
    %broadcast_in_dim3A_242 = arith.constant 0.000000e+00 : f32
    %broadcast_in_dim3A_243 = vector.broadcast %broadcast_in_dim3A_242 : f32 to vector<16xf32>
    %swap3A_244 = arith.constant 608 : index
    %swap3A_245 = tpu.vector_load %arg14[%swap3A_244] {strides = array<i32>} : memref<640xf32, #tpu.memory_space<vmem>>, vector<16xf32>,
    %swap3A_246 = vector.shape_cast %swap3A_245 : vector<16xf32> to vector<16xf32>
    %swap3A_247 = vector.shape_cast %broadcast_in_dim3A_243 : vector<16xf32> to vector<16xf32>
    tpu.vector_store %arg14[%swap3A_244], %swap3A_247 {strides = array<i32>} : memref<640xf32, #tpu.memory_space<vmem>>, vector<16xf32>,
    %broadcast_in_dim3A_248 = arith.constant 0.000000e+00 : f32
    %broadcast_in_dim3A_249 = vector.broadcast %broadcast_in_dim3A_248 : f32 to vector<16xf32>
    %swap3A_250 = arith.constant 624 : index
    %swap3A_251 = tpu.vector_load %arg14[%swap3A_250] {strides = array<i32>} : memref<640xf32, #tpu.memory_space<vmem>>, vector<16xf32>,
    %swap3A_252 = vector.shape_cast %swap3A_251 : vector<16xf32> to vector<16xf32>
    %swap3A_253 = vector.shape_cast %broadcast_in_dim3A_249 : vector<16xf32> to vector<16xf32>
    tpu.vector_store %arg14[%swap3A_250], %swap3A_253 {strides = array<i32>} : memref<640xf32, #tpu.memory_space<vmem>>, vector<16xf32>,
    %mul3A_254 = arith.constant 640 : i32
    %mul3A_255 = arith.muli %arg1, %mul3A_254 : i32
    "tpu.region"() ({
      %run_scoped3A = tpu.sem_alloc : memref<!tpu.dma_semaphore, #tpu.memory_space<semaphore_mem>>
      %dma_start3A_271 = tpu.memref_slice %arg15[%mul3A_255] : memref<10240xf32, #tpu.memory_space<vmem_shared>> -> memref<640xf32, #tpu.memory_space<vmem_shared>>
      %dma_start3A_272 = tpu.memref_slice %arg15[%mul3A_255] : memref<10240xf32, #tpu.memory_space<vmem_shared>> -> memref<640xf32, #tpu.memory_space<vmem_shared>>
      tpu.enqueue_dma source(%arg14 : memref<640xf32, #tpu.memory_space<vmem>>) target(%dma_start3A_272 : memref<640xf32, #tpu.memory_space<vmem_shared>>) target_semaphore(%run_scoped3A : memref<!tpu.dma_semaphore, #tpu.memory_space<semaphore_mem>>)
      %dma_wait3A = tpu.memref_slice %arg15[%mul3A_255] : memref<10240xf32, #tpu.memory_space<vmem_shared>> -> memref<640xf32, #tpu.memory_space<vmem_shared>>
      %dma_wait3A_273 = tpu.memref_slice %arg15[%mul3A_255] : memref<10240xf32, #tpu.memory_space<vmem_shared>> -> memref<640xf32, #tpu.memory_space<vmem_shared>>
      tpu.wait_dma2 semaphore(%run_scoped3A : memref<!tpu.dma_semaphore, #tpu.memory_space<semaphore_mem>>) src(%arg14 : memref<640xf32, #tpu.memory_space<vmem>>) dst(%dma_wait3A_273 : memref<640xf32, #tpu.memory_space<vmem_shared>>)
      tpu.yield
    }) : () -> ()
    %mul3A_256 = arith.constant 640 : i32
    %mul3A_257 = arith.muli %arg1, %mul3A_256 : i32
    "tpu.region"() ({
      %run_scoped3A = tpu.sem_alloc : memref<!tpu.dma_semaphore, #tpu.memory_space<semaphore_mem>>
      %dma_start3A_271 = tpu.memref_slice %arg16[%mul3A_257] : memref<10240xf32, #tpu.memory_space<vmem_shared>> -> memref<640xf32, #tpu.memory_space<vmem_shared>>
      %dma_start3A_272 = tpu.memref_slice %arg16[%mul3A_257] : memref<10240xf32, #tpu.memory_space<vmem_shared>> -> memref<640xf32, #tpu.memory_space<vmem_shared>>
      tpu.enqueue_dma source(%arg14 : memref<640xf32, #tpu.memory_space<vmem>>) target(%dma_start3A_272 : memref<640xf32, #tpu.memory_space<vmem_shared>>) target_semaphore(%run_scoped3A : memref<!tpu.dma_semaphore, #tpu.memory_space<semaphore_mem>>)
      %dma_wait3A = tpu.memref_slice %arg16[%mul3A_257] : memref<10240xf32, #tpu.memory_space<vmem_shared>> -> memref<640xf32, #tpu.memory_space<vmem_shared>>
      %dma_wait3A_273 = tpu.memref_slice %arg16[%mul3A_257] : memref<10240xf32, #tpu.memory_space<vmem_shared>> -> memref<640xf32, #tpu.memory_space<vmem_shared>>
      tpu.wait_dma2 semaphore(%run_scoped3A : memref<!tpu.dma_semaphore, #tpu.memory_space<semaphore_mem>>) src(%arg14 : memref<640xf32, #tpu.memory_space<vmem>>) dst(%dma_wait3A_273 : memref<640xf32, #tpu.memory_space<vmem_shared>>)
      tpu.yield
    }) : () -> ()
    %barrier3A = arith.constant 0 : index
    tpu.barrier barrier_id(%barrier3A)
    %scan3A = arith.constant 0 : i32
    %scan3A_258 = arith.constant 40 : i32
    %scan3A_259 = arith.addi %scan3A, %scan3A_258 : i32
    %scan3A_260 = arith.constant 1 : i32
    scf.for %scan3A_271 = %scan3A to %scan3A_259 step %scan3A_260  : i32 {
      %mul3A_272 = arith.constant 2 : i32
      %mul3A_273 = arith.muli %scan3A_271, %mul3A_272 : i32
      %dma_wait3A = arith.constant 0 : i32
      %dma_wait3A_274 = tpu.memref_slice %arg2[%dma_wait3A] : memref<10000xf32, #tpu.memory_space<hbm>> -> memref<128xf32, #tpu.memory_space<hbm>>
      %dma_wait3A_275 = arith.constant 0 : i32
      %dma_wait3A_276 = tpu.memref_slice %arg2[%dma_wait3A_275] : memref<10000xf32, #tpu.memory_space<hbm>> -> memref<128xf32, #tpu.memory_space<hbm>>
      tpu.wait_dma2 semaphore(%arg17 : memref<!tpu.dma_semaphore, #tpu.memory_space<semaphore_mem>>) src(%dma_wait3A_276 : memref<128xf32, #tpu.memory_space<hbm>>) dst(%arg10 : memref<128xf32, #tpu.memory_space<vmem>>)
      %dma_wait3A_277 = arith.constant 0 : i32
      %dma_wait3A_278 = tpu.memref_slice %arg3[%dma_wait3A_277] : memref<10000xf32, #tpu.memory_space<hbm>> -> memref<128xf32, #tpu.memory_space<hbm>>
      %dma_wait3A_279 = arith.constant 0 : i32
      %dma_wait3A_280 = tpu.memref_slice %arg3[%dma_wait3A_279] : memref<10000xf32, #tpu.memory_space<hbm>> -> memref<128xf32, #tpu.memory_space<hbm>>
      tpu.wait_dma2 semaphore(%arg19 : memref<!tpu.dma_semaphore, #tpu.memory_space<semaphore_mem>>) src(%dma_wait3A_280 : memref<128xf32, #tpu.memory_space<hbm>>) dst(%arg12 : memref<128xf32, #tpu.memory_space<vmem>>)
      "tpu.region"() ({
        %run_scoped3A = tpu.sem_alloc : memref<!tpu.dma_semaphore, #tpu.memory_space<semaphore_mem>>
        %dma_start3A_304 = arith.constant 0 : i32
        %dma_start3A_305 = tpu.memref_slice %arg9[%mul3A_273, %dma_start3A_304] : memref<80x128xi32, #tpu.memory_space<vmem>> -> memref<1x128xi32, #tpu.memory_space<vmem>>
        %dma_start3A_306 = tpu.memref_squeeze %dma_start3A_305 : memref<1x128xi32, #tpu.memory_space<vmem>> -> memref<128xi32, #tpu.memory_space<vmem>>
        %dma_start3A_307 = arith.constant 0 : i32
        %dma_start3A_308 = tpu.memref_slice %arg15[%dma_start3A_307] : memref<10240xf32, #tpu.memory_space<vmem_shared>> -> memref<10240xf32, #tpu.memory_space<vmem_shared>>
        tpu.enqueue_indirect_dma source(%arg10 : memref<128xf32, #tpu.memory_space<vmem>>) target(%dma_start3A_308 : memref<10240xf32, #tpu.memory_space<vmem_shared>>) offsets(%dma_start3A_306 : memref<128xi32, #tpu.memory_space<vmem>>) semaphore(%run_scoped3A : memref<!tpu.dma_semaphore, #tpu.memory_space<semaphore_mem>>) {add = true}
        %dma_wait3A_309 = arith.constant 0 : i32
        %dma_wait3A_310 = tpu.memref_slice %arg9[%mul3A_273, %dma_wait3A_309] : memref<80x128xi32, #tpu.memory_space<vmem>> -> memref<1x128xi32, #tpu.memory_space<vmem>>
        %dma_wait3A_311 = tpu.memref_squeeze %dma_wait3A_310 : memref<1x128xi32, #tpu.memory_space<vmem>> -> memref<128xi32, #tpu.memory_space<vmem>>
        %dma_wait3A_312 = arith.constant 0 : i32
        %dma_wait3A_313 = tpu.memref_slice %arg15[%dma_wait3A_312] : memref<10240xf32, #tpu.memory_space<vmem_shared>> -> memref<10240xf32, #tpu.memory_space<vmem_shared>>
        tpu.wait_indirect_dma semaphore(%run_scoped3A : memref<!tpu.dma_semaphore, #tpu.memory_space<semaphore_mem>>) src(%arg10 : memref<128xf32, #tpu.memory_space<vmem>>) dst(%dma_wait3A_313 : memref<10240xf32, #tpu.memory_space<vmem_shared>>)
        tpu.yield
      }) : () -> ()
      "tpu.region"() ({
        %run_scoped3A = tpu.sem_alloc : memref<!tpu.dma_semaphore, #tpu.memory_space<semaphore_mem>>
        %dma_start3A_304 = arith.constant 0 : i32
        %dma_start3A_305 = tpu.memref_slice %arg9[%mul3A_273, %dma_start3A_304] : memref<80x128xi32, #tpu.memory_space<vmem>> -> memref<1x128xi32, #tpu.memory_space<vmem>>
        %dma_start3A_306 = tpu.memref_squeeze %dma_start3A_305 : memref<1x128xi32, #tpu.memory_space<vmem>> -> memref<128xi32, #tpu.memory_space<vmem>>
        %dma_start3A_307 = arith.constant 0 : i32
        %dma_start3A_308 = tpu.memref_slice %arg16[%dma_start3A_307] : memref<10240xf32, #tpu.memory_space<vmem_shared>> -> memref<10240xf32, #tpu.memory_space<vmem_shared>>
        tpu.enqueue_indirect_dma source(%arg12 : memref<128xf32, #tpu.memory_space<vmem>>) target(%dma_start3A_308 : memref<10240xf32, #tpu.memory_space<vmem_shared>>) offsets(%dma_start3A_306 : memref<128xi32, #tpu.memory_space<vmem>>) semaphore(%run_scoped3A : memref<!tpu.dma_semaphore, #tpu.memory_space<semaphore_mem>>) {add = true}
        %dma_wait3A_309 = arith.constant 0 : i32
        %dma_wait3A_310 = tpu.memref_slice %arg9[%mul3A_273, %dma_wait3A_309] : memref<80x128xi32, #tpu.memory_space<vmem>> -> memref<1x128xi32, #tpu.memory_space<vmem>>
        %dma_wait3A_311 = tpu.memref_squeeze %dma_wait3A_310 : memref<1x128xi32, #tpu.memory_space<vmem>> -> memref<128xi32, #tpu.memory_space<vmem>>
        %dma_wait3A_312 = arith.constant 0 : i32
        %dma_wait3A_313 = tpu.memref_slice %arg16[%dma_wait3A_312] : memref<10240xf32, #tpu.memory_space<vmem_shared>> -> memref<10240xf32, #tpu.memory_space<vmem_shared>>
        tpu.wait_indirect_dma semaphore(%run_scoped3A : memref<!tpu.dma_semaphore, #tpu.memory_space<semaphore_mem>>) src(%arg12 : memref<128xf32, #tpu.memory_space<vmem>>) dst(%dma_wait3A_313 : memref<10240xf32, #tpu.memory_space<vmem_shared>>)
        tpu.yield
      }) : () -> ()
      %add3A_281 = arith.constant 2 : i32
      %add3A_282 = arith.addi %mul3A_273, %add3A_281 : i32
      %lt3A = arith.constant 80 : i32
      %lt3A_283 = arith.cmpi slt, %add3A_282, %lt3A : i32
      %convert_element_type3A = arith.extui %lt3A_283 : i1 to i32
      %cond3A = arith.constant 0 : i32
      %cond3A_284 = arith.cmpi ne, %convert_element_type3A, %cond3A : i32
      scf.if %cond3A_284 {
        %add3A_304 = arith.constant 2 : i32
        %add3A_305 = arith.addi %mul3A_273, %add3A_304 : i32
        %mul3A_306 = arith.constant 128 : i32
        %mul3A_307 = arith.muli %add3A_305, %mul3A_306 : i32
        %dma_start3A_308 = tpu.memref_slice %arg8[%mul3A_307] : memref<10240xi32, #tpu.memory_space<vmem>> -> memref<128xi32, #tpu.memory_space<vmem>>
        %dma_start3A_309 = arith.constant 0 : i32
        %dma_start3A_310 = tpu.memref_slice %arg2[%dma_start3A_309] : memref<10000xf32, #tpu.memory_space<hbm>> -> memref<10000xf32, #tpu.memory_space<hbm>>
        tpu.enqueue_indirect_dma source(%dma_start3A_310 : memref<10000xf32, #tpu.memory_space<hbm>>) target(%arg10 : memref<128xf32, #tpu.memory_space<vmem>>) offsets(%dma_start3A_308 : memref<128xi32, #tpu.memory_space<vmem>>) semaphore(%arg17 : memref<!tpu.dma_semaphore, #tpu.memory_space<semaphore_mem>>)
        %dma_start3A_311 = tpu.memref_slice %arg8[%mul3A_307] : memref<10240xi32, #tpu.memory_space<vmem>> -> memref<128xi32, #tpu.memory_space<vmem>>
        %dma_start3A_312 = arith.constant 0 : i32
        %dma_start3A_313 = tpu.memref_slice %arg3[%dma_start3A_312] : memref<10000xf32, #tpu.memory_space<hbm>> -> memref<10000xf32, #tpu.memory_space<hbm>>
        tpu.enqueue_indirect_dma source(%dma_start3A_313 : memref<10000xf32, #tpu.memory_space<hbm>>) target(%arg12 : memref<128xf32, #tpu.memory_space<vmem>>) offsets(%dma_start3A_311 : memref<128xi32, #tpu.memory_space<vmem>>) semaphore(%arg19 : memref<!tpu.dma_semaphore, #tpu.memory_space<semaphore_mem>>)
      } else {
      }
      %dma_wait3A_285 = arith.constant 0 : i32
      %dma_wait3A_286 = tpu.memref_slice %arg2[%dma_wait3A_285] : memref<10000xf32, #tpu.memory_space<hbm>> -> memref<128xf32, #tpu.memory_space<hbm>>
      %dma_wait3A_287 = arith.constant 0 : i32
      %dma_wait3A_288 = tpu.memref_slice %arg2[%dma_wait3A_287] : memref<10000xf32, #tpu.memory_space<hbm>> -> memref<128xf32, #tpu.memory_space<hbm>>
      tpu.wait_dma2 semaphore(%arg18 : memref<!tpu.dma_semaphore, #tpu.memory_space<semaphore_mem>>) src(%dma_wait3A_288 : memref<128xf32, #tpu.memory_space<hbm>>) dst(%arg11 : memref<128xf32, #tpu.memory_space<vmem>>)
      %dma_wait3A_289 = arith.constant 0 : i32
      %dma_wait3A_290 = tpu.memref_slice %arg3[%dma_wait3A_289] : memref<10000xf32, #tpu.memory_space<hbm>> -> memref<128xf32, #tpu.memory_space<hbm>>
      %dma_wait3A_291 = arith.constant 0 : i32
      %dma_wait3A_292 = tpu.memref_slice %arg3[%dma_wait3A_291] : memref<10000xf32, #tpu.memory_space<hbm>> -> memref<128xf32, #tpu.memory_space<hbm>>
      tpu.wait_dma2 semaphore(%arg20 : memref<!tpu.dma_semaphore, #tpu.memory_space<semaphore_mem>>) src(%dma_wait3A_292 : memref<128xf32, #tpu.memory_space<hbm>>) dst(%arg13 : memref<128xf32, #tpu.memory_space<vmem>>)
      %add3A_293 = arith.constant 1 : i32
      %add3A_294 = arith.addi %mul3A_273, %add3A_293 : i32
      "tpu.region"() ({
        %run_scoped3A = tpu.sem_alloc : memref<!tpu.dma_semaphore, #tpu.memory_space<semaphore_mem>>
        %dma_start3A_304 = arith.constant 0 : i32
        %dma_start3A_305 = tpu.memref_slice %arg9[%add3A_294, %dma_start3A_304] : memref<80x128xi32, #tpu.memory_space<vmem>> -> memref<1x128xi32, #tpu.memory_space<vmem>>
        %dma_start3A_306 = tpu.memref_squeeze %dma_start3A_305 : memref<1x128xi32, #tpu.memory_space<vmem>> -> memref<128xi32, #tpu.memory_space<vmem>>
        %dma_start3A_307 = arith.constant 0 : i32
        %dma_start3A_308 = tpu.memref_slice %arg15[%dma_start3A_307] : memref<10240xf32, #tpu.memory_space<vmem_shared>> -> memref<10240xf32, #tpu.memory_space<vmem_shared>>
        tpu.enqueue_indirect_dma source(%arg11 : memref<128xf32, #tpu.memory_space<vmem>>) target(%dma_start3A_308 : memref<10240xf32, #tpu.memory_space<vmem_shared>>) offsets(%dma_start3A_306 : memref<128xi32, #tpu.memory_space<vmem>>) semaphore(%run_scoped3A : memref<!tpu.dma_semaphore, #tpu.memory_space<semaphore_mem>>) {add = true}
        %dma_wait3A_309 = arith.constant 0 : i32
        %dma_wait3A_310 = tpu.memref_slice %arg9[%add3A_294, %dma_wait3A_309] : memref<80x128xi32, #tpu.memory_space<vmem>> -> memref<1x128xi32, #tpu.memory_space<vmem>>
        %dma_wait3A_311 = tpu.memref_squeeze %dma_wait3A_310 : memref<1x128xi32, #tpu.memory_space<vmem>> -> memref<128xi32, #tpu.memory_space<vmem>>
        %dma_wait3A_312 = arith.constant 0 : i32
        %dma_wait3A_313 = tpu.memref_slice %arg15[%dma_wait3A_312] : memref<10240xf32, #tpu.memory_space<vmem_shared>> -> memref<10240xf32, #tpu.memory_space<vmem_shared>>
        tpu.wait_indirect_dma semaphore(%run_scoped3A : memref<!tpu.dma_semaphore, #tpu.memory_space<semaphore_mem>>) src(%arg11 : memref<128xf32, #tpu.memory_space<vmem>>) dst(%dma_wait3A_313 : memref<10240xf32, #tpu.memory_space<vmem_shared>>)
        tpu.yield
      }) : () -> ()
      %add3A_295 = arith.constant 1 : i32
      %add3A_296 = arith.addi %mul3A_273, %add3A_295 : i32
      "tpu.region"() ({
        %run_scoped3A = tpu.sem_alloc : memref<!tpu.dma_semaphore, #tpu.memory_space<semaphore_mem>>
        %dma_start3A_304 = arith.constant 0 : i32
        %dma_start3A_305 = tpu.memref_slice %arg9[%add3A_296, %dma_start3A_304] : memref<80x128xi32, #tpu.memory_space<vmem>> -> memref<1x128xi32, #tpu.memory_space<vmem>>
        %dma_start3A_306 = tpu.memref_squeeze %dma_start3A_305 : memref<1x128xi32, #tpu.memory_space<vmem>> -> memref<128xi32, #tpu.memory_space<vmem>>
        %dma_start3A_307 = arith.constant 0 : i32
        %dma_start3A_308 = tpu.memref_slice %arg16[%dma_start3A_307] : memref<10240xf32, #tpu.memory_space<vmem_shared>> -> memref<10240xf32, #tpu.memory_space<vmem_shared>>
        tpu.enqueue_indirect_dma source(%arg13 : memref<128xf32, #tpu.memory_space<vmem>>) target(%dma_start3A_308 : memref<10240xf32, #tpu.memory_space<vmem_shared>>) offsets(%dma_start3A_306 : memref<128xi32, #tpu.memory_space<vmem>>) semaphore(%run_scoped3A : memref<!tpu.dma_semaphore, #tpu.memory_space<semaphore_mem>>) {add = true}
        %dma_wait3A_309 = arith.constant 0 : i32
        %dma_wait3A_310 = tpu.memref_slice %arg9[%add3A_296, %dma_wait3A_309] : memref<80x128xi32, #tpu.memory_space<vmem>> -> memref<1x128xi32, #tpu.memory_space<vmem>>
        %dma_wait3A_311 = tpu.memref_squeeze %dma_wait3A_310 : memref<1x128xi32, #tpu.memory_space<vmem>> -> memref<128xi32, #tpu.memory_space<vmem>>
        %dma_wait3A_312 = arith.constant 0 : i32
        %dma_wait3A_313 = tpu.memref_slice %arg16[%dma_wait3A_312] : memref<10240xf32, #tpu.memory_space<vmem_shared>> -> memref<10240xf32, #tpu.memory_space<vmem_shared>>
        tpu.wait_indirect_dma semaphore(%run_scoped3A : memref<!tpu.dma_semaphore, #tpu.memory_space<semaphore_mem>>) src(%arg13 : memref<128xf32, #tpu.memory_space<vmem>>) dst(%dma_wait3A_313 : memref<10240xf32, #tpu.memory_space<vmem_shared>>)
        tpu.yield
      }) : () -> ()
      %add3A_297 = arith.constant 3 : i32
      %add3A_298 = arith.addi %mul3A_273, %add3A_297 : i32
      %lt3A_299 = arith.constant 80 : i32
      %lt3A_300 = arith.cmpi slt, %add3A_298, %lt3A_299 : i32
      %convert_element_type3A_301 = arith.extui %lt3A_300 : i1 to i32
      %cond3A_302 = arith.constant 0 : i32
      %cond3A_303 = arith.cmpi ne, %convert_element_type3A_301, %cond3A_302 : i32
      scf.if %cond3A_303 {
        %add3A_304 = arith.constant 3 : i32
        %add3A_305 = arith.addi %mul3A_273, %add3A_304 : i32
        %mul3A_306 = arith.constant 128 : i32
        %mul3A_307 = arith.muli %add3A_305, %mul3A_306 : i32
        %dma_start3A_308 = tpu.memref_slice %arg8[%mul3A_307] : memref<10240xi32, #tpu.memory_space<vmem>> -> memref<128xi32, #tpu.memory_space<vmem>>
        %dma_start3A_309 = arith.constant 0 : i32
        %dma_start3A_310 = tpu.memref_slice %arg2[%dma_start3A_309] : memref<10000xf32, #tpu.memory_space<hbm>> -> memref<10000xf32, #tpu.memory_space<hbm>>
        tpu.enqueue_indirect_dma source(%dma_start3A_310 : memref<10000xf32, #tpu.memory_space<hbm>>) target(%arg11 : memref<128xf32, #tpu.memory_space<vmem>>) offsets(%dma_start3A_308 : memref<128xi32, #tpu.memory_space<vmem>>) semaphore(%arg18 : memref<!tpu.dma_semaphore, #tpu.memory_space<semaphore_mem>>)
        %dma_start3A_311 = tpu.memref_slice %arg8[%mul3A_307] : memref<10240xi32, #tpu.memory_space<vmem>> -> memref<128xi32, #tpu.memory_space<vmem>>
        %dma_start3A_312 = arith.constant 0 : i32
        %dma_start3A_313 = tpu.memref_slice %arg3[%dma_start3A_312] : memref<10000xf32, #tpu.memory_space<hbm>> -> memref<10000xf32, #tpu.memory_space<hbm>>
        tpu.enqueue_indirect_dma source(%dma_start3A_313 : memref<10000xf32, #tpu.memory_space<hbm>>) target(%arg13 : memref<128xf32, #tpu.memory_space<vmem>>) offsets(%dma_start3A_311 : memref<128xi32, #tpu.memory_space<vmem>>) semaphore(%arg20 : memref<!tpu.dma_semaphore, #tpu.memory_space<semaphore_mem>>)
      } else {
      }
    }
    %scan3A_261 = arith.constant 40 : i32
    %barrier3A_262 = arith.constant 0 : index
    tpu.barrier barrier_id(%barrier3A_262)
    %mul3A_263 = arith.constant 640 : i32
    %mul3A_264 = arith.muli %arg1, %mul3A_263 : i32
    %mul3A_265 = arith.constant 640 : i32
    %mul3A_266 = arith.muli %arg1, %mul3A_265 : i32
    "tpu.region"() ({
      %run_scoped3A = tpu.sem_alloc : memref<!tpu.dma_semaphore, #tpu.memory_space<semaphore_mem>>
      %dma_start3A_271 = tpu.memref_slice %arg6[%arg0, %mul3A_266] : memref<2x10240xf32, #tpu.memory_space<hbm>> -> memref<1x640xf32, #tpu.memory_space<hbm>>
      %dma_start3A_272 = tpu.memref_squeeze %dma_start3A_271 : memref<1x640xf32, #tpu.memory_space<hbm>> -> memref<640xf32, #tpu.memory_space<hbm>>
      %dma_start3A_273 = tpu.memref_slice %arg15[%mul3A_264] : memref<10240xf32, #tpu.memory_space<vmem_shared>> -> memref<640xf32, #tpu.memory_space<vmem_shared>>
      tpu.enqueue_dma source(%dma_start3A_273 : memref<640xf32, #tpu.memory_space<vmem_shared>>) target(%dma_start3A_272 : memref<640xf32, #tpu.memory_space<hbm>>) target_semaphore(%run_scoped3A : memref<!tpu.dma_semaphore, #tpu.memory_space<semaphore_mem>>)
      %dma_wait3A = tpu.memref_slice %arg6[%arg0, %mul3A_266] : memref<2x10240xf32, #tpu.memory_space<hbm>> -> memref<1x640xf32, #tpu.memory_space<hbm>>
      %dma_wait3A_274 = tpu.memref_squeeze %dma_wait3A : memref<1x640xf32, #tpu.memory_space<hbm>> -> memref<640xf32, #tpu.memory_space<hbm>>
      %dma_wait3A_275 = tpu.memref_slice %arg15[%mul3A_264] : memref<10240xf32, #tpu.memory_space<vmem_shared>> -> memref<640xf32, #tpu.memory_space<vmem_shared>>
      tpu.wait_dma2 semaphore(%run_scoped3A : memref<!tpu.dma_semaphore, #tpu.memory_space<semaphore_mem>>) src(%dma_wait3A_275 : memref<640xf32, #tpu.memory_space<vmem_shared>>) dst(%dma_wait3A_274 : memref<640xf32, #tpu.memory_space<hbm>>)
      tpu.yield
    }) : () -> ()
    %mul3A_267 = arith.constant 640 : i32
    %mul3A_268 = arith.muli %arg1, %mul3A_267 : i32
    %mul3A_269 = arith.constant 640 : i32
    %mul3A_270 = arith.muli %arg1, %mul3A_269 : i32
    "tpu.region"() ({
      %run_scoped3A = tpu.sem_alloc : memref<!tpu.dma_semaphore, #tpu.memory_space<semaphore_mem>>
      %dma_start3A_271 = tpu.memref_slice %arg7[%arg0, %mul3A_270] : memref<2x10240xf32, #tpu.memory_space<hbm>> -> memref<1x640xf32, #tpu.memory_space<hbm>>
      %dma_start3A_272 = tpu.memref_squeeze %dma_start3A_271 : memref<1x640xf32, #tpu.memory_space<hbm>> -> memref<640xf32, #tpu.memory_space<hbm>>
      %dma_start3A_273 = tpu.memref_slice %arg16[%mul3A_268] : memref<10240xf32, #tpu.memory_space<vmem_shared>> -> memref<640xf32, #tpu.memory_space<vmem_shared>>
      tpu.enqueue_dma source(%dma_start3A_273 : memref<640xf32, #tpu.memory_space<vmem_shared>>) target(%dma_start3A_272 : memref<640xf32, #tpu.memory_space<hbm>>) target_semaphore(%run_scoped3A : memref<!tpu.dma_semaphore, #tpu.memory_space<semaphore_mem>>)
      %dma_wait3A = tpu.memref_slice %arg7[%arg0, %mul3A_270] : memref<2x10240xf32, #tpu.memory_space<hbm>> -> memref<1x640xf32, #tpu.memory_space<hbm>>
      %dma_wait3A_274 = tpu.memref_squeeze %dma_wait3A : memref<1x640xf32, #tpu.memory_space<hbm>> -> memref<640xf32, #tpu.memory_space<hbm>>
      %dma_wait3A_275 = tpu.memref_slice %arg16[%mul3A_268] : memref<10240xf32, #tpu.memory_space<vmem_shared>> -> memref<640xf32, #tpu.memory_space<vmem_shared>>
      tpu.wait_dma2 semaphore(%run_scoped3A : memref<!tpu.dma_semaphore, #tpu.memory_space<semaphore_mem>>) src(%dma_wait3A_275 : memref<640xf32, #tpu.memory_space<vmem_shared>>) dst(%dma_wait3A_274 : memref<640xf32, #tpu.memory_space<hbm>>)
      tpu.yield
    }) : () -> ()
    return
  }
}

#map = affine_map<(d0, d1) -> (0, 0)>
#map1 = affine_map<(d0, d1) -> (0, 0, 0)>
module attributes {stable_mosaic.version = 14 : i64} {
  func.func @k(%arg0: i32, %arg1: i32, %arg2: memref<10000x128xf32, #tpu.memory_space<hbm>>, %arg3: memref<32x10240xi32, #tpu.memory_space<hbm>>, %arg4: memref<32x160x64xi32, #tpu.memory_space<hbm>>, %arg5: memref<2x10240x128xf32, #tpu.memory_space<hbm>>, %arg6: memref<10240xi32, #tpu.memory_space<vmem>>, %arg7: memref<160x64xi32, #tpu.memory_space<vmem>>, %arg8: memref<64x128xf32, #tpu.memory_space<vmem>>, %arg9: memref<64x128xf32, #tpu.memory_space<vmem>>, %arg10: memref<10240x128xf32, #tpu.memory_space<vmem_shared>>, %arg11: memref<!tpu.dma_semaphore, #tpu.memory_space<semaphore_mem>>, %arg12: memref<!tpu.dma_semaphore, #tpu.memory_space<semaphore_mem>>) attributes {dimension_semantics = [#tpu.dimension_semantics<core_parallel>, #tpu.dimension_semantics<subcore_parallel>], iteration_bounds = array<i64: 2, 16>, scalar_prefetch = 0 : i64, scratch_operands = 7 : i64, tpu.core_type = #tpu.core_type<sc_vector_subcore>, window_params = [{transform_indices = #map}, {transform_indices = #map}, {transform_indices = #map1}, {transform_indices = #map1}]} {
    %mul3A = arith.constant 2 : i32
    %mul3A_0 = arith.muli %arg1, %mul3A : i32
    %add3A = arith.addi %mul3A_0, %arg0 : i32
    "tpu.region"() ({
      %run_scoped3A = tpu.sem_alloc : memref<!tpu.dma_semaphore, #tpu.memory_space<semaphore_mem>>
      %dma_start3A_64 = arith.constant 0 : i32
      %dma_start3A_65 = tpu.memref_slice %arg3[%add3A, %dma_start3A_64] : memref<32x10240xi32, #tpu.memory_space<hbm>> -> memref<1x10240xi32, #tpu.memory_space<hbm>>
      %dma_start3A_66 = tpu.memref_squeeze %dma_start3A_65 : memref<1x10240xi32, #tpu.memory_space<hbm>> -> memref<10240xi32, #tpu.memory_space<hbm>>
      %dma_start3A_67 = arith.constant 0 : i32
      %dma_start3A_68 = tpu.memref_slice %arg3[%add3A, %dma_start3A_67] : memref<32x10240xi32, #tpu.memory_space<hbm>> -> memref<1x10240xi32, #tpu.memory_space<hbm>>
      %dma_start3A_69 = tpu.memref_squeeze %dma_start3A_68 : memref<1x10240xi32, #tpu.memory_space<hbm>> -> memref<10240xi32, #tpu.memory_space<hbm>>
      tpu.enqueue_dma source(%dma_start3A_69 : memref<10240xi32, #tpu.memory_space<hbm>>) target(%arg6 : memref<10240xi32, #tpu.memory_space<vmem>>) target_semaphore(%run_scoped3A : memref<!tpu.dma_semaphore, #tpu.memory_space<semaphore_mem>>)
      %dma_wait3A = arith.constant 0 : i32
      %dma_wait3A_70 = tpu.memref_slice %arg3[%add3A, %dma_wait3A] : memref<32x10240xi32, #tpu.memory_space<hbm>> -> memref<1x10240xi32, #tpu.memory_space<hbm>>
      %dma_wait3A_71 = tpu.memref_squeeze %dma_wait3A_70 : memref<1x10240xi32, #tpu.memory_space<hbm>> -> memref<10240xi32, #tpu.memory_space<hbm>>
      %dma_wait3A_72 = arith.constant 0 : i32
      %dma_wait3A_73 = tpu.memref_slice %arg3[%add3A, %dma_wait3A_72] : memref<32x10240xi32, #tpu.memory_space<hbm>> -> memref<1x10240xi32, #tpu.memory_space<hbm>>
      %dma_wait3A_74 = tpu.memref_squeeze %dma_wait3A_73 : memref<1x10240xi32, #tpu.memory_space<hbm>> -> memref<10240xi32, #tpu.memory_space<hbm>>
      tpu.wait_dma2 semaphore(%run_scoped3A : memref<!tpu.dma_semaphore, #tpu.memory_space<semaphore_mem>>) src(%dma_wait3A_74 : memref<10240xi32, #tpu.memory_space<hbm>>) dst(%arg6 : memref<10240xi32, #tpu.memory_space<vmem>>)
      tpu.yield
    }) : () -> ()
    "tpu.region"() ({
      %run_scoped3A = tpu.sem_alloc : memref<!tpu.dma_semaphore, #tpu.memory_space<semaphore_mem>>
      %dma_start3A_64 = arith.constant 0 : i32
      %dma_start3A_65 = arith.constant 0 : i32
      %dma_start3A_66 = tpu.memref_slice %arg4[%add3A, %dma_start3A_64, %dma_start3A_65] : memref<32x160x64xi32, #tpu.memory_space<hbm>> -> memref<1x160x64xi32, #tpu.memory_space<hbm>>
      %dma_start3A_67 = tpu.memref_squeeze %dma_start3A_66 : memref<1x160x64xi32, #tpu.memory_space<hbm>> -> memref<160x64xi32, #tpu.memory_space<hbm>>
      %dma_start3A_68 = arith.constant 0 : i32
      %dma_start3A_69 = arith.constant 0 : i32
      %dma_start3A_70 = tpu.memref_slice %arg4[%add3A, %dma_start3A_68, %dma_start3A_69] : memref<32x160x64xi32, #tpu.memory_space<hbm>> -> memref<1x160x64xi32, #tpu.memory_space<hbm>>
      %dma_start3A_71 = tpu.memref_squeeze %dma_start3A_70 : memref<1x160x64xi32, #tpu.memory_space<hbm>> -> memref<160x64xi32, #tpu.memory_space<hbm>>
      tpu.enqueue_dma source(%dma_start3A_71 : memref<160x64xi32, #tpu.memory_space<hbm>>) target(%arg7 : memref<160x64xi32, #tpu.memory_space<vmem>>) target_semaphore(%run_scoped3A : memref<!tpu.dma_semaphore, #tpu.memory_space<semaphore_mem>>)
      %dma_wait3A = arith.constant 0 : i32
      %dma_wait3A_72 = arith.constant 0 : i32
      %dma_wait3A_73 = tpu.memref_slice %arg4[%add3A, %dma_wait3A, %dma_wait3A_72] : memref<32x160x64xi32, #tpu.memory_space<hbm>> -> memref<1x160x64xi32, #tpu.memory_space<hbm>>
      %dma_wait3A_74 = tpu.memref_squeeze %dma_wait3A_73 : memref<1x160x64xi32, #tpu.memory_space<hbm>> -> memref<160x64xi32, #tpu.memory_space<hbm>>
      %dma_wait3A_75 = arith.constant 0 : i32
      %dma_wait3A_76 = arith.constant 0 : i32
      %dma_wait3A_77 = tpu.memref_slice %arg4[%add3A, %dma_wait3A_75, %dma_wait3A_76] : memref<32x160x64xi32, #tpu.memory_space<hbm>> -> memref<1x160x64xi32, #tpu.memory_space<hbm>>
      %dma_wait3A_78 = tpu.memref_squeeze %dma_wait3A_77 : memref<1x160x64xi32, #tpu.memory_space<hbm>> -> memref<160x64xi32, #tpu.memory_space<hbm>>
      tpu.wait_dma2 semaphore(%run_scoped3A : memref<!tpu.dma_semaphore, #tpu.memory_space<semaphore_mem>>) src(%dma_wait3A_78 : memref<160x64xi32, #tpu.memory_space<hbm>>) dst(%arg7 : memref<160x64xi32, #tpu.memory_space<vmem>>)
      tpu.yield
    }) : () -> ()
    %scan3A = arith.constant 0 : i32
    %scan3A_1 = arith.constant 512 : i32
    %scan3A_2 = arith.addi %scan3A, %scan3A_1 : i32
    %scan3A_3 = arith.constant 1 : i32
    scf.for %scan3A_64 = %scan3A to %scan3A_2 step %scan3A_3  : i32 {
      %jit3A = arith.constant 8 : i32
      %div3A = arith.divsi %scan3A_64, %jit3A : i32
      %sign3A = arith.constant 0 : i32
      %sign3A_65 = arith.cmpi sgt, %scan3A_64, %sign3A : i32
      %sign3A_66 = arith.extui %sign3A_65 : i1 to i32
      %sign3A_67 = arith.constant 0 : i32
      %sign3A_68 = arith.cmpi slt, %scan3A_64, %sign3A_67 : i32
      %sign3A_69 = arith.extui %sign3A_68 : i1 to i32
      %sign3A_70 = arith.subi %sign3A_66, %sign3A_69 : i32
      %sign3A_71 = arith.constant 0 : i32
      %sign3A_72 = arith.cmpi sgt, %jit3A, %sign3A_71 : i32
      %sign3A_73 = arith.extui %sign3A_72 : i1 to i32
      %sign3A_74 = arith.constant 0 : i32
      %sign3A_75 = arith.cmpi slt, %jit3A, %sign3A_74 : i32
      %sign3A_76 = arith.extui %sign3A_75 : i1 to i32
      %sign3A_77 = arith.subi %sign3A_73, %sign3A_76 : i32
      %ne3A = arith.cmpi ne, %sign3A_70, %sign3A_77 : i32
      %rem3A = arith.remsi %scan3A_64, %jit3A : i32
      %ne3A_78 = arith.constant 0 : i32
      %ne3A_79 = arith.cmpi ne, %rem3A, %ne3A_78 : i32
      %and3A = arith.andi %ne3A, %ne3A_79 : i1
      %sub3A = arith.constant 1 : i32
      %sub3A_80 = arith.subi %div3A, %sub3A : i32
      %select_n3A = arith.select %and3A, %sub3A_80, %div3A : i32
      %jit3A_81 = arith.constant 8 : i32
      %eq3A = arith.constant 0 : i32
      %eq3A_82 = arith.cmpi eq, %jit3A_81, %eq3A : i32
      %jit3A_83 = arith.constant 1 : i32
      %select_n3A_84 = arith.select %eq3A_82, %jit3A_83, %jit3A_81 : i32
      %rem3A_85 = arith.remsi %scan3A_64, %select_n3A_84 : i32
      %ne3A_86 = arith.constant 0 : i32
      %ne3A_87 = arith.cmpi ne, %rem3A_85, %ne3A_86 : i32
      %lt3A = arith.constant 0 : i32
      %lt3A_88 = arith.cmpi slt, %rem3A_85, %lt3A : i32
      %lt3A_89 = arith.constant 0 : i32
      %lt3A_90 = arith.cmpi slt, %select_n3A_84, %lt3A_89 : i32
      %ne3A_91 = arith.xori %lt3A_88, %lt3A_90 : i1
      %and3A_92 = arith.andi %ne3A_91, %ne3A_87 : i1
      %add3A_93 = arith.addi %rem3A_85, %select_n3A_84 : i32
      %select_n3A_94 = arith.select %and3A_92, %add3A_93, %rem3A_85 : i32
      %broadcast_in_dim3A = arith.constant 0.000000e+00 : f32
      %broadcast_in_dim3A_95 = vector.broadcast %broadcast_in_dim3A : f32 to vector<16xf32>
      %mul3A_96 = arith.constant 16 : i32
      %mul3A_97 = arith.muli %select_n3A_94, %mul3A_96 : i32
      %swap3A = arith.index_cast %select_n3A : i32 to index
      %swap3A_98 = arith.index_cast %mul3A_97 : i32 to index
      %swap3A_99 = tpu.vector_load %arg8[%swap3A, %swap3A_98] {strides = array<i32>} : memref<64x128xf32, #tpu.memory_space<vmem>>, vector<1x16xf32>,
      %swap3A_100 = vector.shape_cast %swap3A_99 : vector<1x16xf32> to vector<16xf32>
      %swap3A_101 = vector.shape_cast %broadcast_in_dim3A_95 : vector<16xf32> to vector<1x16xf32>
      tpu.vector_store %arg8[%swap3A, %swap3A_98], %swap3A_101 {strides = array<i32>} : memref<64x128xf32, #tpu.memory_space<vmem>>, vector<1x16xf32>,
    }
    %scan3A_4 = arith.constant 512 : i32
    %mul3A_5 = arith.constant 640 : i32
    %mul3A_6 = arith.muli %arg1, %mul3A_5 : i32
    %add3A_7 = arith.constant 0 : i32
    %add3A_8 = arith.addi %mul3A_6, %add3A_7 : i32
    "tpu.region"() ({
      %run_scoped3A = tpu.sem_alloc : memref<!tpu.dma_semaphore, #tpu.memory_space<semaphore_mem>>
      %dma_start3A_64 = arith.constant 0 : i32
      %dma_start3A_65 = tpu.memref_slice %arg10[%add3A_8, %dma_start3A_64] : memref<10240x128xf32, #tpu.memory_space<vmem_shared>> -> memref<64x128xf32, #tpu.memory_space<vmem_shared>>
      %dma_start3A_66 = arith.constant 0 : i32
      %dma_start3A_67 = tpu.memref_slice %arg10[%add3A_8, %dma_start3A_66] : memref<10240x128xf32, #tpu.memory_space<vmem_shared>> -> memref<64x128xf32, #tpu.memory_space<vmem_shared>>
      tpu.enqueue_dma source(%arg8 : memref<64x128xf32, #tpu.memory_space<vmem>>) target(%dma_start3A_67 : memref<64x128xf32, #tpu.memory_space<vmem_shared>>) target_semaphore(%run_scoped3A : memref<!tpu.dma_semaphore, #tpu.memory_space<semaphore_mem>>)
      %dma_wait3A = arith.constant 0 : i32
      %dma_wait3A_68 = tpu.memref_slice %arg10[%add3A_8, %dma_wait3A] : memref<10240x128xf32, #tpu.memory_space<vmem_shared>> -> memref<64x128xf32, #tpu.memory_space<vmem_shared>>
      %dma_wait3A_69 = arith.constant 0 : i32
      %dma_wait3A_70 = tpu.memref_slice %arg10[%add3A_8, %dma_wait3A_69] : memref<10240x128xf32, #tpu.memory_space<vmem_shared>> -> memref<64x128xf32, #tpu.memory_space<vmem_shared>>
      tpu.wait_dma2 semaphore(%run_scoped3A : memref<!tpu.dma_semaphore, #tpu.memory_space<semaphore_mem>>) src(%arg8 : memref<64x128xf32, #tpu.memory_space<vmem>>) dst(%dma_wait3A_70 : memref<64x128xf32, #tpu.memory_space<vmem_shared>>)
      tpu.yield
    }) : () -> ()
    %mul3A_9 = arith.constant 640 : i32
    %mul3A_10 = arith.muli %arg1, %mul3A_9 : i32
    %add3A_11 = arith.constant 64 : i32
    %add3A_12 = arith.addi %mul3A_10, %add3A_11 : i32
    "tpu.region"() ({
      %run_scoped3A = tpu.sem_alloc : memref<!tpu.dma_semaphore, #tpu.memory_space<semaphore_mem>>
      %dma_start3A_64 = arith.constant 0 : i32
      %dma_start3A_65 = tpu.memref_slice %arg10[%add3A_12, %dma_start3A_64] : memref<10240x128xf32, #tpu.memory_space<vmem_shared>> -> memref<64x128xf32, #tpu.memory_space<vmem_shared>>
      %dma_start3A_66 = arith.constant 0 : i32
      %dma_start3A_67 = tpu.memref_slice %arg10[%add3A_12, %dma_start3A_66] : memref<10240x128xf32, #tpu.memory_space<vmem_shared>> -> memref<64x128xf32, #tpu.memory_space<vmem_shared>>
      tpu.enqueue_dma source(%arg8 : memref<64x128xf32, #tpu.memory_space<vmem>>) target(%dma_start3A_67 : memref<64x128xf32, #tpu.memory_space<vmem_shared>>) target_semaphore(%run_scoped3A : memref<!tpu.dma_semaphore, #tpu.memory_space<semaphore_mem>>)
      %dma_wait3A = arith.constant 0 : i32
      %dma_wait3A_68 = tpu.memref_slice %arg10[%add3A_12, %dma_wait3A] : memref<10240x128xf32, #tpu.memory_space<vmem_shared>> -> memref<64x128xf32, #tpu.memory_space<vmem_shared>>
      %dma_wait3A_69 = arith.constant 0 : i32
      %dma_wait3A_70 = tpu.memref_slice %arg10[%add3A_12, %dma_wait3A_69] : memref<10240x128xf32, #tpu.memory_space<vmem_shared>> -> memref<64x128xf32, #tpu.memory_space<vmem_shared>>
      tpu.wait_dma2 semaphore(%run_scoped3A : memref<!tpu.dma_semaphore, #tpu.memory_space<semaphore_mem>>) src(%arg8 : memref<64x128xf32, #tpu.memory_space<vmem>>) dst(%dma_wait3A_70 : memref<64x128xf32, #tpu.memory_space<vmem_shared>>)
      tpu.yield
    }) : () -> ()
    %mul3A_13 = arith.constant 640 : i32
    %mul3A_14 = arith.muli %arg1, %mul3A_13 : i32
    %add3A_15 = arith.constant 128 : i32
    %add3A_16 = arith.addi %mul3A_14, %add3A_15 : i32
    "tpu.region"() ({
      %run_scoped3A = tpu.sem_alloc : memref<!tpu.dma_semaphore, #tpu.memory_space<semaphore_mem>>
      %dma_start3A_64 = arith.constant 0 : i32
      %dma_start3A_65 = tpu.memref_slice %arg10[%add3A_16, %dma_start3A_64] : memref<10240x128xf32, #tpu.memory_space<vmem_shared>> -> memref<64x128xf32, #tpu.memory_space<vmem_shared>>
      %dma_start3A_66 = arith.constant 0 : i32
      %dma_start3A_67 = tpu.memref_slice %arg10[%add3A_16, %dma_start3A_66] : memref<10240x128xf32, #tpu.memory_space<vmem_shared>> -> memref<64x128xf32, #tpu.memory_space<vmem_shared>>
      tpu.enqueue_dma source(%arg8 : memref<64x128xf32, #tpu.memory_space<vmem>>) target(%dma_start3A_67 : memref<64x128xf32, #tpu.memory_space<vmem_shared>>) target_semaphore(%run_scoped3A : memref<!tpu.dma_semaphore, #tpu.memory_space<semaphore_mem>>)
      %dma_wait3A = arith.constant 0 : i32
      %dma_wait3A_68 = tpu.memref_slice %arg10[%add3A_16, %dma_wait3A] : memref<10240x128xf32, #tpu.memory_space<vmem_shared>> -> memref<64x128xf32, #tpu.memory_space<vmem_shared>>
      %dma_wait3A_69 = arith.constant 0 : i32
      %dma_wait3A_70 = tpu.memref_slice %arg10[%add3A_16, %dma_wait3A_69] : memref<10240x128xf32, #tpu.memory_space<vmem_shared>> -> memref<64x128xf32, #tpu.memory_space<vmem_shared>>
      tpu.wait_dma2 semaphore(%run_scoped3A : memref<!tpu.dma_semaphore, #tpu.memory_space<semaphore_mem>>) src(%arg8 : memref<64x128xf32, #tpu.memory_space<vmem>>) dst(%dma_wait3A_70 : memref<64x128xf32, #tpu.memory_space<vmem_shared>>)
      tpu.yield
    }) : () -> ()
    %mul3A_17 = arith.constant 640 : i32
    %mul3A_18 = arith.muli %arg1, %mul3A_17 : i32
    %add3A_19 = arith.constant 192 : i32
    %add3A_20 = arith.addi %mul3A_18, %add3A_19 : i32
    "tpu.region"() ({
      %run_scoped3A = tpu.sem_alloc : memref<!tpu.dma_semaphore, #tpu.memory_space<semaphore_mem>>
      %dma_start3A_64 = arith.constant 0 : i32
      %dma_start3A_65 = tpu.memref_slice %arg10[%add3A_20, %dma_start3A_64] : memref<10240x128xf32, #tpu.memory_space<vmem_shared>> -> memref<64x128xf32, #tpu.memory_space<vmem_shared>>
      %dma_start3A_66 = arith.constant 0 : i32
      %dma_start3A_67 = tpu.memref_slice %arg10[%add3A_20, %dma_start3A_66] : memref<10240x128xf32, #tpu.memory_space<vmem_shared>> -> memref<64x128xf32, #tpu.memory_space<vmem_shared>>
      tpu.enqueue_dma source(%arg8 : memref<64x128xf32, #tpu.memory_space<vmem>>) target(%dma_start3A_67 : memref<64x128xf32, #tpu.memory_space<vmem_shared>>) target_semaphore(%run_scoped3A : memref<!tpu.dma_semaphore, #tpu.memory_space<semaphore_mem>>)
      %dma_wait3A = arith.constant 0 : i32
      %dma_wait3A_68 = tpu.memref_slice %arg10[%add3A_20, %dma_wait3A] : memref<10240x128xf32, #tpu.memory_space<vmem_shared>> -> memref<64x128xf32, #tpu.memory_space<vmem_shared>>
      %dma_wait3A_69 = arith.constant 0 : i32
      %dma_wait3A_70 = tpu.memref_slice %arg10[%add3A_20, %dma_wait3A_69] : memref<10240x128xf32, #tpu.memory_space<vmem_shared>> -> memref<64x128xf32, #tpu.memory_space<vmem_shared>>
      tpu.wait_dma2 semaphore(%run_scoped3A : memref<!tpu.dma_semaphore, #tpu.memory_space<semaphore_mem>>) src(%arg8 : memref<64x128xf32, #tpu.memory_space<vmem>>) dst(%dma_wait3A_70 : memref<64x128xf32, #tpu.memory_space<vmem_shared>>)
      tpu.yield
    }) : () -> ()
    %mul3A_21 = arith.constant 640 : i32
    %mul3A_22 = arith.muli %arg1, %mul3A_21 : i32
    %add3A_23 = arith.constant 256 : i32
    %add3A_24 = arith.addi %mul3A_22, %add3A_23 : i32
    "tpu.region"() ({
      %run_scoped3A = tpu.sem_alloc : memref<!tpu.dma_semaphore, #tpu.memory_space<semaphore_mem>>
      %dma_start3A_64 = arith.constant 0 : i32
      %dma_start3A_65 = tpu.memref_slice %arg10[%add3A_24, %dma_start3A_64] : memref<10240x128xf32, #tpu.memory_space<vmem_shared>> -> memref<64x128xf32, #tpu.memory_space<vmem_shared>>
      %dma_start3A_66 = arith.constant 0 : i32
      %dma_start3A_67 = tpu.memref_slice %arg10[%add3A_24, %dma_start3A_66] : memref<10240x128xf32, #tpu.memory_space<vmem_shared>> -> memref<64x128xf32, #tpu.memory_space<vmem_shared>>
      tpu.enqueue_dma source(%arg8 : memref<64x128xf32, #tpu.memory_space<vmem>>) target(%dma_start3A_67 : memref<64x128xf32, #tpu.memory_space<vmem_shared>>) target_semaphore(%run_scoped3A : memref<!tpu.dma_semaphore, #tpu.memory_space<semaphore_mem>>)
      %dma_wait3A = arith.constant 0 : i32
      %dma_wait3A_68 = tpu.memref_slice %arg10[%add3A_24, %dma_wait3A] : memref<10240x128xf32, #tpu.memory_space<vmem_shared>> -> memref<64x128xf32, #tpu.memory_space<vmem_shared>>
      %dma_wait3A_69 = arith.constant 0 : i32
      %dma_wait3A_70 = tpu.memref_slice %arg10[%add3A_24, %dma_wait3A_69] : memref<10240x128xf32, #tpu.memory_space<vmem_shared>> -> memref<64x128xf32, #tpu.memory_space<vmem_shared>>
      tpu.wait_dma2 semaphore(%run_scoped3A : memref<!tpu.dma_semaphore, #tpu.memory_space<semaphore_mem>>) src(%arg8 : memref<64x128xf32, #tpu.memory_space<vmem>>) dst(%dma_wait3A_70 : memref<64x128xf32, #tpu.memory_space<vmem_shared>>)
      tpu.yield
    }) : () -> ()
    %mul3A_25 = arith.constant 640 : i32
    %mul3A_26 = arith.muli %arg1, %mul3A_25 : i32
    %add3A_27 = arith.constant 320 : i32
    %add3A_28 = arith.addi %mul3A_26, %add3A_27 : i32
    "tpu.region"() ({
      %run_scoped3A = tpu.sem_alloc : memref<!tpu.dma_semaphore, #tpu.memory_space<semaphore_mem>>
      %dma_start3A_64 = arith.constant 0 : i32
      %dma_start3A_65 = tpu.memref_slice %arg10[%add3A_28, %dma_start3A_64] : memref<10240x128xf32, #tpu.memory_space<vmem_shared>> -> memref<64x128xf32, #tpu.memory_space<vmem_shared>>
      %dma_start3A_66 = arith.constant 0 : i32
      %dma_start3A_67 = tpu.memref_slice %arg10[%add3A_28, %dma_start3A_66] : memref<10240x128xf32, #tpu.memory_space<vmem_shared>> -> memref<64x128xf32, #tpu.memory_space<vmem_shared>>
      tpu.enqueue_dma source(%arg8 : memref<64x128xf32, #tpu.memory_space<vmem>>) target(%dma_start3A_67 : memref<64x128xf32, #tpu.memory_space<vmem_shared>>) target_semaphore(%run_scoped3A : memref<!tpu.dma_semaphore, #tpu.memory_space<semaphore_mem>>)
      %dma_wait3A = arith.constant 0 : i32
      %dma_wait3A_68 = tpu.memref_slice %arg10[%add3A_28, %dma_wait3A] : memref<10240x128xf32, #tpu.memory_space<vmem_shared>> -> memref<64x128xf32, #tpu.memory_space<vmem_shared>>
      %dma_wait3A_69 = arith.constant 0 : i32
      %dma_wait3A_70 = tpu.memref_slice %arg10[%add3A_28, %dma_wait3A_69] : memref<10240x128xf32, #tpu.memory_space<vmem_shared>> -> memref<64x128xf32, #tpu.memory_space<vmem_shared>>
      tpu.wait_dma2 semaphore(%run_scoped3A : memref<!tpu.dma_semaphore, #tpu.memory_space<semaphore_mem>>) src(%arg8 : memref<64x128xf32, #tpu.memory_space<vmem>>) dst(%dma_wait3A_70 : memref<64x128xf32, #tpu.memory_space<vmem_shared>>)
      tpu.yield
    }) : () -> ()
    %mul3A_29 = arith.constant 640 : i32
    %mul3A_30 = arith.muli %arg1, %mul3A_29 : i32
    %add3A_31 = arith.constant 384 : i32
    %add3A_32 = arith.addi %mul3A_30, %add3A_31 : i32
    "tpu.region"() ({
      %run_scoped3A = tpu.sem_alloc : memref<!tpu.dma_semaphore, #tpu.memory_space<semaphore_mem>>
      %dma_start3A_64 = arith.constant 0 : i32
      %dma_start3A_65 = tpu.memref_slice %arg10[%add3A_32, %dma_start3A_64] : memref<10240x128xf32, #tpu.memory_space<vmem_shared>> -> memref<64x128xf32, #tpu.memory_space<vmem_shared>>
      %dma_start3A_66 = arith.constant 0 : i32
      %dma_start3A_67 = tpu.memref_slice %arg10[%add3A_32, %dma_start3A_66] : memref<10240x128xf32, #tpu.memory_space<vmem_shared>> -> memref<64x128xf32, #tpu.memory_space<vmem_shared>>
      tpu.enqueue_dma source(%arg8 : memref<64x128xf32, #tpu.memory_space<vmem>>) target(%dma_start3A_67 : memref<64x128xf32, #tpu.memory_space<vmem_shared>>) target_semaphore(%run_scoped3A : memref<!tpu.dma_semaphore, #tpu.memory_space<semaphore_mem>>)
      %dma_wait3A = arith.constant 0 : i32
      %dma_wait3A_68 = tpu.memref_slice %arg10[%add3A_32, %dma_wait3A] : memref<10240x128xf32, #tpu.memory_space<vmem_shared>> -> memref<64x128xf32, #tpu.memory_space<vmem_shared>>
      %dma_wait3A_69 = arith.constant 0 : i32
      %dma_wait3A_70 = tpu.memref_slice %arg10[%add3A_32, %dma_wait3A_69] : memref<10240x128xf32, #tpu.memory_space<vmem_shared>> -> memref<64x128xf32, #tpu.memory_space<vmem_shared>>
      tpu.wait_dma2 semaphore(%run_scoped3A : memref<!tpu.dma_semaphore, #tpu.memory_space<semaphore_mem>>) src(%arg8 : memref<64x128xf32, #tpu.memory_space<vmem>>) dst(%dma_wait3A_70 : memref<64x128xf32, #tpu.memory_space<vmem_shared>>)
      tpu.yield
    }) : () -> ()
    %mul3A_33 = arith.constant 640 : i32
    %mul3A_34 = arith.muli %arg1, %mul3A_33 : i32
    %add3A_35 = arith.constant 448 : i32
    %add3A_36 = arith.addi %mul3A_34, %add3A_35 : i32
    "tpu.region"() ({
      %run_scoped3A = tpu.sem_alloc : memref<!tpu.dma_semaphore, #tpu.memory_space<semaphore_mem>>
      %dma_start3A_64 = arith.constant 0 : i32
      %dma_start3A_65 = tpu.memref_slice %arg10[%add3A_36, %dma_start3A_64] : memref<10240x128xf32, #tpu.memory_space<vmem_shared>> -> memref<64x128xf32, #tpu.memory_space<vmem_shared>>
      %dma_start3A_66 = arith.constant 0 : i32
      %dma_start3A_67 = tpu.memref_slice %arg10[%add3A_36, %dma_start3A_66] : memref<10240x128xf32, #tpu.memory_space<vmem_shared>> -> memref<64x128xf32, #tpu.memory_space<vmem_shared>>
      tpu.enqueue_dma source(%arg8 : memref<64x128xf32, #tpu.memory_space<vmem>>) target(%dma_start3A_67 : memref<64x128xf32, #tpu.memory_space<vmem_shared>>) target_semaphore(%run_scoped3A : memref<!tpu.dma_semaphore, #tpu.memory_space<semaphore_mem>>)
      %dma_wait3A = arith.constant 0 : i32
      %dma_wait3A_68 = tpu.memref_slice %arg10[%add3A_36, %dma_wait3A] : memref<10240x128xf32, #tpu.memory_space<vmem_shared>> -> memref<64x128xf32, #tpu.memory_space<vmem_shared>>
      %dma_wait3A_69 = arith.constant 0 : i32
      %dma_wait3A_70 = tpu.memref_slice %arg10[%add3A_36, %dma_wait3A_69] : memref<10240x128xf32, #tpu.memory_space<vmem_shared>> -> memref<64x128xf32, #tpu.memory_space<vmem_shared>>
      tpu.wait_dma2 semaphore(%run_scoped3A : memref<!tpu.dma_semaphore, #tpu.memory_space<semaphore_mem>>) src(%arg8 : memref<64x128xf32, #tpu.memory_space<vmem>>) dst(%dma_wait3A_70 : memref<64x128xf32, #tpu.memory_space<vmem_shared>>)
      tpu.yield
    }) : () -> ()
    %mul3A_37 = arith.constant 640 : i32
    %mul3A_38 = arith.muli %arg1, %mul3A_37 : i32
    %add3A_39 = arith.constant 512 : i32
    %add3A_40 = arith.addi %mul3A_38, %add3A_39 : i32
    "tpu.region"() ({
      %run_scoped3A = tpu.sem_alloc : memref<!tpu.dma_semaphore, #tpu.memory_space<semaphore_mem>>
      %dma_start3A_64 = arith.constant 0 : i32
      %dma_start3A_65 = tpu.memref_slice %arg10[%add3A_40, %dma_start3A_64] : memref<10240x128xf32, #tpu.memory_space<vmem_shared>> -> memref<64x128xf32, #tpu.memory_space<vmem_shared>>
      %dma_start3A_66 = arith.constant 0 : i32
      %dma_start3A_67 = tpu.memref_slice %arg10[%add3A_40, %dma_start3A_66] : memref<10240x128xf32, #tpu.memory_space<vmem_shared>> -> memref<64x128xf32, #tpu.memory_space<vmem_shared>>
      tpu.enqueue_dma source(%arg8 : memref<64x128xf32, #tpu.memory_space<vmem>>) target(%dma_start3A_67 : memref<64x128xf32, #tpu.memory_space<vmem_shared>>) target_semaphore(%run_scoped3A : memref<!tpu.dma_semaphore, #tpu.memory_space<semaphore_mem>>)
      %dma_wait3A = arith.constant 0 : i32
      %dma_wait3A_68 = tpu.memref_slice %arg10[%add3A_40, %dma_wait3A] : memref<10240x128xf32, #tpu.memory_space<vmem_shared>> -> memref<64x128xf32, #tpu.memory_space<vmem_shared>>
      %dma_wait3A_69 = arith.constant 0 : i32
      %dma_wait3A_70 = tpu.memref_slice %arg10[%add3A_40, %dma_wait3A_69] : memref<10240x128xf32, #tpu.memory_space<vmem_shared>> -> memref<64x128xf32, #tpu.memory_space<vmem_shared>>
      tpu.wait_dma2 semaphore(%run_scoped3A : memref<!tpu.dma_semaphore, #tpu.memory_space<semaphore_mem>>) src(%arg8 : memref<64x128xf32, #tpu.memory_space<vmem>>) dst(%dma_wait3A_70 : memref<64x128xf32, #tpu.memory_space<vmem_shared>>)
      tpu.yield
    }) : () -> ()
    %mul3A_41 = arith.constant 640 : i32
    %mul3A_42 = arith.muli %arg1, %mul3A_41 : i32
    %add3A_43 = arith.constant 576 : i32
    %add3A_44 = arith.addi %mul3A_42, %add3A_43 : i32
    "tpu.region"() ({
      %run_scoped3A = tpu.sem_alloc : memref<!tpu.dma_semaphore, #tpu.memory_space<semaphore_mem>>
      %dma_start3A_64 = arith.constant 0 : i32
      %dma_start3A_65 = tpu.memref_slice %arg10[%add3A_44, %dma_start3A_64] : memref<10240x128xf32, #tpu.memory_space<vmem_shared>> -> memref<64x128xf32, #tpu.memory_space<vmem_shared>>
      %dma_start3A_66 = arith.constant 0 : i32
      %dma_start3A_67 = tpu.memref_slice %arg10[%add3A_44, %dma_start3A_66] : memref<10240x128xf32, #tpu.memory_space<vmem_shared>> -> memref<64x128xf32, #tpu.memory_space<vmem_shared>>
      tpu.enqueue_dma source(%arg8 : memref<64x128xf32, #tpu.memory_space<vmem>>) target(%dma_start3A_67 : memref<64x128xf32, #tpu.memory_space<vmem_shared>>) target_semaphore(%run_scoped3A : memref<!tpu.dma_semaphore, #tpu.memory_space<semaphore_mem>>)
      %dma_wait3A = arith.constant 0 : i32
      %dma_wait3A_68 = tpu.memref_slice %arg10[%add3A_44, %dma_wait3A] : memref<10240x128xf32, #tpu.memory_space<vmem_shared>> -> memref<64x128xf32, #tpu.memory_space<vmem_shared>>
      %dma_wait3A_69 = arith.constant 0 : i32
      %dma_wait3A_70 = tpu.memref_slice %arg10[%add3A_44, %dma_wait3A_69] : memref<10240x128xf32, #tpu.memory_space<vmem_shared>> -> memref<64x128xf32, #tpu.memory_space<vmem_shared>>
      tpu.wait_dma2 semaphore(%run_scoped3A : memref<!tpu.dma_semaphore, #tpu.memory_space<semaphore_mem>>) src(%arg8 : memref<64x128xf32, #tpu.memory_space<vmem>>) dst(%dma_wait3A_70 : memref<64x128xf32, #tpu.memory_space<vmem_shared>>)
      tpu.yield
    }) : () -> ()
    %dma_start3A = arith.constant 0 : i32
    %dma_start3A_45 = tpu.memref_slice %arg6[%dma_start3A] : memref<10240xi32, #tpu.memory_space<vmem>> -> memref<64xi32, #tpu.memory_space<vmem>>
    %dma_start3A_46 = arith.constant 0 : i32
    %dma_start3A_47 = arith.constant 0 : i32
    %dma_start3A_48 = tpu.memref_slice %arg2[%dma_start3A_46, %dma_start3A_47] : memref<10000x128xf32, #tpu.memory_space<hbm>> -> memref<10000x128xf32, #tpu.memory_space<hbm>>
    tpu.enqueue_indirect_dma source(%dma_start3A_48 : memref<10000x128xf32, #tpu.memory_space<hbm>>) target(%arg8 : memref<64x128xf32, #tpu.memory_space<vmem>>) offsets(%dma_start3A_45 : memref<64xi32, #tpu.memory_space<vmem>>) semaphore(%arg11 : memref<!tpu.dma_semaphore, #tpu.memory_space<semaphore_mem>>)
    %dma_start3A_49 = arith.constant 64 : i32
    %dma_start3A_50 = tpu.memref_slice %arg6[%dma_start3A_49] : memref<10240xi32, #tpu.memory_space<vmem>> -> memref<64xi32, #tpu.memory_space<vmem>>
    %dma_start3A_51 = arith.constant 0 : i32
    %dma_start3A_52 = arith.constant 0 : i32
    %dma_start3A_53 = tpu.memref_slice %arg2[%dma_start3A_51, %dma_start3A_52] : memref<10000x128xf32, #tpu.memory_space<hbm>> -> memref<10000x128xf32, #tpu.memory_space<hbm>>
    tpu.enqueue_indirect_dma source(%dma_start3A_53 : memref<10000x128xf32, #tpu.memory_space<hbm>>) target(%arg9 : memref<64x128xf32, #tpu.memory_space<vmem>>) offsets(%dma_start3A_50 : memref<64xi32, #tpu.memory_space<vmem>>) semaphore(%arg12 : memref<!tpu.dma_semaphore, #tpu.memory_space<semaphore_mem>>)
    %barrier3A = arith.constant 0 : index
    tpu.barrier barrier_id(%barrier3A)
    %scan3A_54 = arith.constant 0 : i32
    %scan3A_55 = arith.constant 80 : i32
    %scan3A_56 = arith.addi %scan3A_54, %scan3A_55 : i32
    %scan3A_57 = arith.constant 1 : i32
    scf.for %scan3A_64 = %scan3A_54 to %scan3A_56 step %scan3A_57  : i32 {
      %mul3A_65 = arith.constant 2 : i32
      %mul3A_66 = arith.muli %scan3A_64, %mul3A_65 : i32
      %dma_wait3A = arith.constant 0 : i32
      %dma_wait3A_67 = arith.constant 0 : i32
      %dma_wait3A_68 = tpu.memref_slice %arg2[%dma_wait3A, %dma_wait3A_67] : memref<10000x128xf32, #tpu.memory_space<hbm>> -> memref<64x128xf32, #tpu.memory_space<hbm>>
      %dma_wait3A_69 = arith.constant 0 : i32
      %dma_wait3A_70 = arith.constant 0 : i32
      %dma_wait3A_71 = tpu.memref_slice %arg2[%dma_wait3A_69, %dma_wait3A_70] : memref<10000x128xf32, #tpu.memory_space<hbm>> -> memref<64x128xf32, #tpu.memory_space<hbm>>
      tpu.wait_dma2 semaphore(%arg11 : memref<!tpu.dma_semaphore, #tpu.memory_space<semaphore_mem>>) src(%dma_wait3A_71 : memref<64x128xf32, #tpu.memory_space<hbm>>) dst(%arg8 : memref<64x128xf32, #tpu.memory_space<vmem>>)
      "tpu.region"() ({
        %run_scoped3A = tpu.sem_alloc : memref<!tpu.dma_semaphore, #tpu.memory_space<semaphore_mem>>
        %dma_start3A_91 = arith.constant 0 : i32
        %dma_start3A_92 = tpu.memref_slice %arg7[%mul3A_66, %dma_start3A_91] : memref<160x64xi32, #tpu.memory_space<vmem>> -> memref<1x64xi32, #tpu.memory_space<vmem>>
        %dma_start3A_93 = tpu.memref_squeeze %dma_start3A_92 : memref<1x64xi32, #tpu.memory_space<vmem>> -> memref<64xi32, #tpu.memory_space<vmem>>
        %dma_start3A_94 = arith.constant 0 : i32
        %dma_start3A_95 = arith.constant 0 : i32
        %dma_start3A_96 = tpu.memref_slice %arg10[%dma_start3A_94, %dma_start3A_95] : memref<10240x128xf32, #tpu.memory_space<vmem_shared>> -> memref<10240x128xf32, #tpu.memory_space<vmem_shared>>
        tpu.enqueue_indirect_dma source(%arg8 : memref<64x128xf32, #tpu.memory_space<vmem>>) target(%dma_start3A_96 : memref<10240x128xf32, #tpu.memory_space<vmem_shared>>) offsets(%dma_start3A_93 : memref<64xi32, #tpu.memory_space<vmem>>) semaphore(%run_scoped3A : memref<!tpu.dma_semaphore, #tpu.memory_space<semaphore_mem>>) {add = true}
        %dma_wait3A_97 = arith.constant 0 : i32
        %dma_wait3A_98 = tpu.memref_slice %arg7[%mul3A_66, %dma_wait3A_97] : memref<160x64xi32, #tpu.memory_space<vmem>> -> memref<1x64xi32, #tpu.memory_space<vmem>>
        %dma_wait3A_99 = tpu.memref_squeeze %dma_wait3A_98 : memref<1x64xi32, #tpu.memory_space<vmem>> -> memref<64xi32, #tpu.memory_space<vmem>>
        %dma_wait3A_100 = arith.constant 0 : i32
        %dma_wait3A_101 = arith.constant 0 : i32
        %dma_wait3A_102 = tpu.memref_slice %arg10[%dma_wait3A_100, %dma_wait3A_101] : memref<10240x128xf32, #tpu.memory_space<vmem_shared>> -> memref<10240x128xf32, #tpu.memory_space<vmem_shared>>
        tpu.wait_indirect_dma semaphore(%run_scoped3A : memref<!tpu.dma_semaphore, #tpu.memory_space<semaphore_mem>>) src(%arg8 : memref<64x128xf32, #tpu.memory_space<vmem>>) dst(%dma_wait3A_102 : memref<10240x128xf32, #tpu.memory_space<vmem_shared>>)
        tpu.yield
      }) : () -> ()
      %add3A_72 = arith.constant 2 : i32
      %add3A_73 = arith.addi %mul3A_66, %add3A_72 : i32
      %lt3A = arith.constant 160 : i32
      %lt3A_74 = arith.cmpi slt, %add3A_73, %lt3A : i32
      %convert_element_type3A = arith.extui %lt3A_74 : i1 to i32
      %cond3A = arith.constant 0 : i32
      %cond3A_75 = arith.cmpi ne, %convert_element_type3A, %cond3A : i32
      scf.if %cond3A_75 {
        %add3A_91 = arith.constant 2 : i32
        %add3A_92 = arith.addi %mul3A_66, %add3A_91 : i32
        %mul3A_93 = arith.constant 64 : i32
        %mul3A_94 = arith.muli %add3A_92, %mul3A_93 : i32
        %dma_start3A_95 = tpu.memref_slice %arg6[%mul3A_94] : memref<10240xi32, #tpu.memory_space<vmem>> -> memref<64xi32, #tpu.memory_space<vmem>>
        %dma_start3A_96 = arith.constant 0 : i32
        %dma_start3A_97 = arith.constant 0 : i32
        %dma_start3A_98 = tpu.memref_slice %arg2[%dma_start3A_96, %dma_start3A_97] : memref<10000x128xf32, #tpu.memory_space<hbm>> -> memref<10000x128xf32, #tpu.memory_space<hbm>>
        tpu.enqueue_indirect_dma source(%dma_start3A_98 : memref<10000x128xf32, #tpu.memory_space<hbm>>) target(%arg8 : memref<64x128xf32, #tpu.memory_space<vmem>>) offsets(%dma_start3A_95 : memref<64xi32, #tpu.memory_space<vmem>>) semaphore(%arg11 : memref<!tpu.dma_semaphore, #tpu.memory_space<semaphore_mem>>)
      } else {
      }
      %dma_wait3A_76 = arith.constant 0 : i32
      %dma_wait3A_77 = arith.constant 0 : i32
      %dma_wait3A_78 = tpu.memref_slice %arg2[%dma_wait3A_76, %dma_wait3A_77] : memref<10000x128xf32, #tpu.memory_space<hbm>> -> memref<64x128xf32, #tpu.memory_space<hbm>>
      %dma_wait3A_79 = arith.constant 0 : i32
      %dma_wait3A_80 = arith.constant 0 : i32
      %dma_wait3A_81 = tpu.memref_slice %arg2[%dma_wait3A_79, %dma_wait3A_80] : memref<10000x128xf32, #tpu.memory_space<hbm>> -> memref<64x128xf32, #tpu.memory_space<hbm>>
      tpu.wait_dma2 semaphore(%arg12 : memref<!tpu.dma_semaphore, #tpu.memory_space<semaphore_mem>>) src(%dma_wait3A_81 : memref<64x128xf32, #tpu.memory_space<hbm>>) dst(%arg9 : memref<64x128xf32, #tpu.memory_space<vmem>>)
      %add3A_82 = arith.constant 1 : i32
      %add3A_83 = arith.addi %mul3A_66, %add3A_82 : i32
      "tpu.region"() ({
        %run_scoped3A = tpu.sem_alloc : memref<!tpu.dma_semaphore, #tpu.memory_space<semaphore_mem>>
        %dma_start3A_91 = arith.constant 0 : i32
        %dma_start3A_92 = tpu.memref_slice %arg7[%add3A_83, %dma_start3A_91] : memref<160x64xi32, #tpu.memory_space<vmem>> -> memref<1x64xi32, #tpu.memory_space<vmem>>
        %dma_start3A_93 = tpu.memref_squeeze %dma_start3A_92 : memref<1x64xi32, #tpu.memory_space<vmem>> -> memref<64xi32, #tpu.memory_space<vmem>>
        %dma_start3A_94 = arith.constant 0 : i32
        %dma_start3A_95 = arith.constant 0 : i32
        %dma_start3A_96 = tpu.memref_slice %arg10[%dma_start3A_94, %dma_start3A_95] : memref<10240x128xf32, #tpu.memory_space<vmem_shared>> -> memref<10240x128xf32, #tpu.memory_space<vmem_shared>>
        tpu.enqueue_indirect_dma source(%arg9 : memref<64x128xf32, #tpu.memory_space<vmem>>) target(%dma_start3A_96 : memref<10240x128xf32, #tpu.memory_space<vmem_shared>>) offsets(%dma_start3A_93 : memref<64xi32, #tpu.memory_space<vmem>>) semaphore(%run_scoped3A : memref<!tpu.dma_semaphore, #tpu.memory_space<semaphore_mem>>) {add = true}
        %dma_wait3A_97 = arith.constant 0 : i32
        %dma_wait3A_98 = tpu.memref_slice %arg7[%add3A_83, %dma_wait3A_97] : memref<160x64xi32, #tpu.memory_space<vmem>> -> memref<1x64xi32, #tpu.memory_space<vmem>>
        %dma_wait3A_99 = tpu.memref_squeeze %dma_wait3A_98 : memref<1x64xi32, #tpu.memory_space<vmem>> -> memref<64xi32, #tpu.memory_space<vmem>>
        %dma_wait3A_100 = arith.constant 0 : i32
        %dma_wait3A_101 = arith.constant 0 : i32
        %dma_wait3A_102 = tpu.memref_slice %arg10[%dma_wait3A_100, %dma_wait3A_101] : memref<10240x128xf32, #tpu.memory_space<vmem_shared>> -> memref<10240x128xf32, #tpu.memory_space<vmem_shared>>
        tpu.wait_indirect_dma semaphore(%run_scoped3A : memref<!tpu.dma_semaphore, #tpu.memory_space<semaphore_mem>>) src(%arg9 : memref<64x128xf32, #tpu.memory_space<vmem>>) dst(%dma_wait3A_102 : memref<10240x128xf32, #tpu.memory_space<vmem_shared>>)
        tpu.yield
      }) : () -> ()
      %add3A_84 = arith.constant 3 : i32
      %add3A_85 = arith.addi %mul3A_66, %add3A_84 : i32
      %lt3A_86 = arith.constant 160 : i32
      %lt3A_87 = arith.cmpi slt, %add3A_85, %lt3A_86 : i32
      %convert_element_type3A_88 = arith.extui %lt3A_87 : i1 to i32
      %cond3A_89 = arith.constant 0 : i32
      %cond3A_90 = arith.cmpi ne, %convert_element_type3A_88, %cond3A_89 : i32
      scf.if %cond3A_90 {
        %add3A_91 = arith.constant 3 : i32
        %add3A_92 = arith.addi %mul3A_66, %add3A_91 : i32
        %mul3A_93 = arith.constant 64 : i32
        %mul3A_94 = arith.muli %add3A_92, %mul3A_93 : i32
        %dma_start3A_95 = tpu.memref_slice %arg6[%mul3A_94] : memref<10240xi32, #tpu.memory_space<vmem>> -> memref<64xi32, #tpu.memory_space<vmem>>
        %dma_start3A_96 = arith.constant 0 : i32
        %dma_start3A_97 = arith.constant 0 : i32
        %dma_start3A_98 = tpu.memref_slice %arg2[%dma_start3A_96, %dma_start3A_97] : memref<10000x128xf32, #tpu.memory_space<hbm>> -> memref<10000x128xf32, #tpu.memory_space<hbm>>
        tpu.enqueue_indirect_dma source(%dma_start3A_98 : memref<10000x128xf32, #tpu.memory_space<hbm>>) target(%arg9 : memref<64x128xf32, #tpu.memory_space<vmem>>) offsets(%dma_start3A_95 : memref<64xi32, #tpu.memory_space<vmem>>) semaphore(%arg12 : memref<!tpu.dma_semaphore, #tpu.memory_space<semaphore_mem>>)
      } else {
      }
    }
    %scan3A_58 = arith.constant 80 : i32
    %barrier3A_59 = arith.constant 0 : index
    tpu.barrier barrier_id(%barrier3A_59)
    %mul3A_60 = arith.constant 640 : i32
    %mul3A_61 = arith.muli %arg1, %mul3A_60 : i32
    %mul3A_62 = arith.constant 640 : i32
    %mul3A_63 = arith.muli %arg1, %mul3A_62 : i32
    "tpu.region"() ({
      %run_scoped3A = tpu.sem_alloc : memref<!tpu.dma_semaphore, #tpu.memory_space<semaphore_mem>>
      %dma_start3A_64 = arith.constant 0 : i32
      %dma_start3A_65 = tpu.memref_slice %arg5[%arg0, %mul3A_63, %dma_start3A_64] : memref<2x10240x128xf32, #tpu.memory_space<hbm>> -> memref<1x640x128xf32, #tpu.memory_space<hbm>>
      %dma_start3A_66 = tpu.memref_squeeze %dma_start3A_65 : memref<1x640x128xf32, #tpu.memory_space<hbm>> -> memref<640x128xf32, #tpu.memory_space<hbm>>
      %dma_start3A_67 = arith.constant 0 : i32
      %dma_start3A_68 = tpu.memref_slice %arg10[%mul3A_61, %dma_start3A_67] : memref<10240x128xf32, #tpu.memory_space<vmem_shared>> -> memref<640x128xf32, #tpu.memory_space<vmem_shared>>
      tpu.enqueue_dma source(%dma_start3A_68 : memref<640x128xf32, #tpu.memory_space<vmem_shared>>) target(%dma_start3A_66 : memref<640x128xf32, #tpu.memory_space<hbm>>) target_semaphore(%run_scoped3A : memref<!tpu.dma_semaphore, #tpu.memory_space<semaphore_mem>>)
      %dma_wait3A = arith.constant 0 : i32
      %dma_wait3A_69 = tpu.memref_slice %arg5[%arg0, %mul3A_63, %dma_wait3A] : memref<2x10240x128xf32, #tpu.memory_space<hbm>> -> memref<1x640x128xf32, #tpu.memory_space<hbm>>
      %dma_wait3A_70 = tpu.memref_squeeze %dma_wait3A_69 : memref<1x640x128xf32, #tpu.memory_space<hbm>> -> memref<640x128xf32, #tpu.memory_space<hbm>>
      %dma_wait3A_71 = arith.constant 0 : i32
      %dma_wait3A_72 = tpu.memref_slice %arg10[%mul3A_61, %dma_wait3A_71] : memref<10240x128xf32, #tpu.memory_space<vmem_shared>> -> memref<640x128xf32, #tpu.memory_space<vmem_shared>>
      tpu.wait_dma2 semaphore(%run_scoped3A : memref<!tpu.dma_semaphore, #tpu.memory_space<semaphore_mem>>) src(%dma_wait3A_72 : memref<640x128xf32, #tpu.memory_space<vmem_shared>>) dst(%dma_wait3A_70 : memref<640x128xf32, #tpu.memory_space<hbm>>)
      tpu.yield
    }) : () -> ()
    return
  }
}

module attributes {stable_mosaic.version = 14 : i64} {
  func.func @_tc_layer_body(%arg0: i32, %arg1: memref<1000x128xf32, #tpu.memory_space<vmem>>, %arg2: memref<1000x128xf32, #tpu.memory_space<vmem>>, %arg3: memref<1000x1xf32, #tpu.memory_space<vmem>>, %arg4: memref<1000x1xf32, #tpu.memory_space<vmem>>, %arg5: memref<1000x128xf32, #tpu.memory_space<vmem>>, %arg6: memref<128x128xf32, #tpu.memory_space<vmem>>, %arg7: memref<128x128xf32, #tpu.memory_space<vmem>>, %arg8: memref<1x128xf32, #tpu.memory_space<vmem>>, %arg9: memref<1x128xf32, #tpu.memory_space<vmem>>, %arg10: memref<1000x128xf32, #tpu.memory_space<vmem>>) attributes {dimension_semantics = [#tpu.dimension_semantics<arbitrary>], iteration_bounds = array<i64: 10>, scalar_prefetch = 0 : i64, scratch_operands = 0 : i64, tpu.core_type = #tpu.core_type<tc>, window_params = [{transform_indices = @transform_0, window_bounds = array<i64: 1000, 128>}, {transform_indices = @transform_1, window_bounds = array<i64: 1000, 128>}, {transform_indices = @transform_2, window_bounds = array<i64: 1000, 1>}, {transform_indices = @transform_3, window_bounds = array<i64: 1000, 1>}, {transform_indices = @transform_4, window_bounds = array<i64: 1000, 128>}, {pipeline_mode = #tpu.pipeline_mode<synchronous>, transform_indices = @transform_5, window_bounds = array<i64: 128, 128>}, {pipeline_mode = #tpu.pipeline_mode<synchronous>, transform_indices = @transform_6, window_bounds = array<i64: 128, 128>}, {pipeline_mode = #tpu.pipeline_mode<synchronous>, transform_indices = @transform_7, window_bounds = array<i64: 1, 128>}, {pipeline_mode = #tpu.pipeline_mode<synchronous>, transform_indices = @transform_8, window_bounds = array<i64: 1, 128>}, {transform_indices = @transform_9, window_bounds = array<i64: 1000, 128>}]} {
    %get3A = arith.constant 0 : index
    %get3A_0 = arith.constant 0 : index
    %get3A_1 = vector.load %arg3[%get3A, %get3A_0] : memref<1000x1xf32, #tpu.memory_space<vmem>>, vector<1000x1xf32>
    %get3A_2 = arith.constant 0 : index
    %get3A_3 = arith.constant 0 : index
    %get3A_4 = vector.load %arg4[%get3A_2, %get3A_3] : memref<1000x1xf32, #tpu.memory_space<vmem>>, vector<1000x1xf32>
    %add3A = arith.addf %get3A_1, %get3A_4 : vector<1000x1xf32>
    %max3A = arith.constant 1.000000e+00 : f32
    %max3A_5 = vector.broadcast %max3A : f32 to vector<1000x1xf32>
    %max3A_6 = arith.maximumf %add3A, %max3A_5 : vector<1000x1xf32>
    %get3A_7 = arith.constant 0 : index
    %get3A_8 = arith.constant 0 : index
    %get3A_9 = vector.load %arg1[%get3A_7, %get3A_8] : memref<1000x128xf32, #tpu.memory_space<vmem>>, vector<1000x128xf32>
    %get3A_10 = arith.constant 0 : index
    %get3A_11 = arith.constant 0 : index
    %get3A_12 = vector.load %arg2[%get3A_10, %get3A_11] : memref<1000x128xf32, #tpu.memory_space<vmem>>, vector<1000x128xf32>
    %add3A_13 = arith.addf %get3A_9, %get3A_12 : vector<1000x128xf32>
    %div3A = vector.broadcast %max3A_6 : vector<1000x1xf32> to vector<1000x128xf32>
    %div3A_14 = arith.divf %add3A_13, %div3A : vector<1000x128xf32>
    %get3A_15 = arith.constant 0 : index
    %get3A_16 = arith.constant 0 : index
    %get3A_17 = vector.load %arg6[%get3A_15, %get3A_16] : memref<128x128xf32, #tpu.memory_space<vmem>>, vector<128x128xf32>
    %dot_general3A = arith.constant dense<0.000000e+00> : vector<1000x128xf32>
    %dot_general3A_18 = tpu.matmul %div3A_14, %get3A_17, %dot_general3A {dimension_numbers = #tpu.dot_dimension_numbers<[1], [0], [0], [1], [0, 0, 1, 1], [], []>, transpose_lhs_hint = false} : vector<1000x128xf32>, vector<128x128xf32>, vector<1000x128xf32> -> vector<1000x128xf32>
    %get3A_19 = arith.constant 0 : index
    %get3A_20 = arith.constant 0 : index
    %get3A_21 = vector.load %arg5[%get3A_19, %get3A_20] : memref<1000x128xf32, #tpu.memory_space<vmem>>, vector<1000x128xf32>
    %get3A_22 = arith.constant 0 : index
    %get3A_23 = arith.constant 0 : index
    %get3A_24 = vector.load %arg7[%get3A_22, %get3A_23] : memref<128x128xf32, #tpu.memory_space<vmem>>, vector<128x128xf32>
    %dot_general3A_25 = arith.constant dense<0.000000e+00> : vector<1000x128xf32>
    %dot_general3A_26 = tpu.matmul %get3A_21, %get3A_24, %dot_general3A_25 {dimension_numbers = #tpu.dot_dimension_numbers<[1], [0], [0], [1], [0, 0, 1, 1], [], []>, transpose_lhs_hint = false} : vector<1000x128xf32>, vector<128x128xf32>, vector<1000x128xf32> -> vector<1000x128xf32>
    %add3A_27 = arith.addf %dot_general3A_18, %dot_general3A_26 : vector<1000x128xf32>
    %get3A_28 = arith.constant 0 : index
    %get3A_29 = arith.constant 0 : index
    %get3A_30 = vector.load %arg8[%get3A_28, %get3A_29] : memref<1x128xf32, #tpu.memory_space<vmem>>, vector<1x128xf32>
    %add3A_31 = vector.broadcast %get3A_30 : vector<1x128xf32> to vector<1000x128xf32>
    %add3A_32 = arith.addf %add3A_27, %add3A_31 : vector<1000x128xf32>
    %get3A_33 = arith.constant 0 : index
    %get3A_34 = arith.constant 0 : index
    %get3A_35 = vector.load %arg9[%get3A_33, %get3A_34] : memref<1x128xf32, #tpu.memory_space<vmem>>, vector<1x128xf32>
    %add3A_36 = vector.broadcast %get3A_35 : vector<1x128xf32> to vector<1000x128xf32>
    %add3A_37 = arith.addf %add3A_32, %add3A_36 : vector<1000x128xf32>
    %mul3A = arith.mulf %add3A_37, %add3A_37 : vector<1000x128xf32>
    %reduce_sum3A = arith.constant dense<0.000000e+00> : vector<1000xf32>
    %reduce_sum3A_38 = vector.multi_reduction <add>, %mul3A, %reduce_sum3A [1] : vector<1000x128xf32> to vector<1000xf32>
    %broadcast_in_dim3A = vector.shape_cast %reduce_sum3A_38 : vector<1000xf32> to vector<1000x1xf32>
    %max3A_39 = arith.constant 1.000000e-24 : f32
    %max3A_40 = vector.broadcast %max3A_39 : f32 to vector<1000x1xf32>
    %max3A_41 = arith.maximumf %broadcast_in_dim3A, %max3A_40 : vector<1000x1xf32>
    %rsqrt3A = math.rsqrt %max3A_41 : vector<1000x1xf32>
    %mul3A_42 = vector.broadcast %rsqrt3A : vector<1000x1xf32> to vector<1000x128xf32>
    %mul3A_43 = arith.mulf %add3A_37, %mul3A_42 : vector<1000x128xf32>
    %max3A_44 = arith.constant 0.000000e+00 : f32
    %max3A_45 = vector.broadcast %max3A_44 : f32 to vector<1000x128xf32>
    %max3A_46 = arith.maximumf %mul3A_43, %max3A_45 : vector<1000x128xf32>
    %swap3A = arith.constant 0 : index
    %swap3A_47 = arith.constant 0 : index
    %swap3A_48 = vector.load %arg10[%swap3A, %swap3A_47] : memref<1000x128xf32, #tpu.memory_space<vmem>>, vector<1000x128xf32>
    tpu.vector_store %arg10[%swap3A, %swap3A_47], %max3A_46 {strides = array<i32>} : memref<1000x128xf32, #tpu.memory_space<vmem>>, vector<1000x128xf32>,
    return
  }
  func.func @transform_0(%arg0: i32) -> (i32, i32) {
    %c0_i32 = arith.constant 0 : i32
    %c0_i32_0 = arith.constant 0 : i32
    return %arg0, %c0_i32 : i32, i32
  }
  func.func @transform_1(%arg0: i32) -> (i32, i32) {
    %c0_i32 = arith.constant 0 : i32
    %c0_i32_0 = arith.constant 0 : i32
    return %arg0, %c0_i32 : i32, i32
  }
  func.func @transform_2(%arg0: i32) -> (i32, i32) {
    %c0_i32 = arith.constant 0 : i32
    %c0_i32_0 = arith.constant 0 : i32
    return %arg0, %c0_i32 : i32, i32
  }
  func.func @transform_3(%arg0: i32) -> (i32, i32) {
    %c0_i32 = arith.constant 0 : i32
    %c0_i32_0 = arith.constant 0 : i32
    return %arg0, %c0_i32 : i32, i32
  }
  func.func @transform_4(%arg0: i32) -> (i32, i32) {
    %c0_i32 = arith.constant 0 : i32
    %c0_i32_0 = arith.constant 0 : i32
    return %arg0, %c0_i32 : i32, i32
  }
  func.func @transform_5(%arg0: i32) -> (i32, i32) {
    %c0_i32 = arith.constant 0 : i32
    %c0_i32_0 = arith.constant 0 : i32
    %c0_i32_1 = arith.constant 0 : i32
    return %c0_i32, %c0_i32_0 : i32, i32
  }
  func.func @transform_6(%arg0: i32) -> (i32, i32) {
    %c0_i32 = arith.constant 0 : i32
    %c0_i32_0 = arith.constant 0 : i32
    %c0_i32_1 = arith.constant 0 : i32
    return %c0_i32, %c0_i32_0 : i32, i32
  }
  func.func @transform_7(%arg0: i32) -> (i32, i32) {
    %c0_i32 = arith.constant 0 : i32
    %c0_i32_0 = arith.constant 0 : i32
    %c0_i32_1 = arith.constant 0 : i32
    return %c0_i32, %c0_i32_0 : i32, i32
  }
  func.func @transform_8(%arg0: i32) -> (i32, i32) {
    %c0_i32 = arith.constant 0 : i32
    %c0_i32_0 = arith.constant 0 : i32
    %c0_i32_1 = arith.constant 0 : i32
    return %c0_i32, %c0_i32_0 : i32, i32
  }
  func.func @transform_9(%arg0: i32) -> (i32, i32) {
    %c0_i32 = arith.constant 0 : i32
    %c0_i32_0 = arith.constant 0 : i32
    return %arg0, %c0_i32 : i32, i32
  }
}

module attributes {stable_mosaic.version = 14 : i64} {
  func.func @_tc1_body(%arg0: i32, %arg1: memref<1000x128xf32, #tpu.memory_space<vmem>>, %arg2: memref<1000x128xf32, #tpu.memory_space<vmem>>, %arg3: memref<1000x1xf32, #tpu.memory_space<vmem>>, %arg4: memref<1000x1xf32, #tpu.memory_space<vmem>>, %arg5: memref<1000x128xf32, #tpu.memory_space<vmem>>, %arg6: memref<128x128xf32, #tpu.memory_space<vmem>>, %arg7: memref<128x128xf32, #tpu.memory_space<vmem>>, %arg8: memref<1x128xf32, #tpu.memory_space<vmem>>, %arg9: memref<1x128xf32, #tpu.memory_space<vmem>>, %arg10: memref<128x16xf32, #tpu.memory_space<vmem>>, %arg11: memref<1000x128xf32, #tpu.memory_space<vmem>>, %arg12: memref<1000x16xf32, #tpu.memory_space<vmem>>) attributes {dimension_semantics = [#tpu.dimension_semantics<arbitrary>], iteration_bounds = array<i64: 10>, scalar_prefetch = 0 : i64, scratch_operands = 0 : i64, tpu.core_type = #tpu.core_type<tc>, window_params = [{transform_indices = @transform_0, window_bounds = array<i64: 1000, 128>}, {transform_indices = @transform_1, window_bounds = array<i64: 1000, 128>}, {transform_indices = @transform_2, window_bounds = array<i64: 1000, 1>}, {transform_indices = @transform_3, window_bounds = array<i64: 1000, 1>}, {transform_indices = @transform_4, window_bounds = array<i64: 1000, 128>}, {pipeline_mode = #tpu.pipeline_mode<synchronous>, transform_indices = @transform_5, window_bounds = array<i64: 128, 128>}, {pipeline_mode = #tpu.pipeline_mode<synchronous>, transform_indices = @transform_6, window_bounds = array<i64: 128, 128>}, {pipeline_mode = #tpu.pipeline_mode<synchronous>, transform_indices = @transform_7, window_bounds = array<i64: 1, 128>}, {pipeline_mode = #tpu.pipeline_mode<synchronous>, transform_indices = @transform_8, window_bounds = array<i64: 1, 128>}, {pipeline_mode = #tpu.pipeline_mode<synchronous>, transform_indices = @transform_9, window_bounds = array<i64: 128, 16>}, {transform_indices = @transform_10, window_bounds = array<i64: 1000, 128>}, {transform_indices = @transform_11, window_bounds = array<i64: 1000, 16>}]} {
    %get3A = arith.constant 0 : index
    %get3A_0 = arith.constant 0 : index
    %get3A_1 = vector.load %arg3[%get3A, %get3A_0] : memref<1000x1xf32, #tpu.memory_space<vmem>>, vector<1000x1xf32>
    %get3A_2 = arith.constant 0 : index
    %get3A_3 = arith.constant 0 : index
    %get3A_4 = vector.load %arg4[%get3A_2, %get3A_3] : memref<1000x1xf32, #tpu.memory_space<vmem>>, vector<1000x1xf32>
    %add3A = arith.addf %get3A_1, %get3A_4 : vector<1000x1xf32>
    %max3A = arith.constant 1.000000e+00 : f32
    %max3A_5 = vector.broadcast %max3A : f32 to vector<1000x1xf32>
    %max3A_6 = arith.maximumf %add3A, %max3A_5 : vector<1000x1xf32>
    %get3A_7 = arith.constant 0 : index
    %get3A_8 = arith.constant 0 : index
    %get3A_9 = vector.load %arg1[%get3A_7, %get3A_8] : memref<1000x128xf32, #tpu.memory_space<vmem>>, vector<1000x128xf32>
    %get3A_10 = arith.constant 0 : index
    %get3A_11 = arith.constant 0 : index
    %get3A_12 = vector.load %arg2[%get3A_10, %get3A_11] : memref<1000x128xf32, #tpu.memory_space<vmem>>, vector<1000x128xf32>
    %add3A_13 = arith.addf %get3A_9, %get3A_12 : vector<1000x128xf32>
    %div3A = vector.broadcast %max3A_6 : vector<1000x1xf32> to vector<1000x128xf32>
    %div3A_14 = arith.divf %add3A_13, %div3A : vector<1000x128xf32>
    %get3A_15 = arith.constant 0 : index
    %get3A_16 = arith.constant 0 : index
    %get3A_17 = vector.load %arg6[%get3A_15, %get3A_16] : memref<128x128xf32, #tpu.memory_space<vmem>>, vector<128x128xf32>
    %dot_general3A = arith.constant dense<0.000000e+00> : vector<1000x128xf32>
    %dot_general3A_18 = tpu.matmul %div3A_14, %get3A_17, %dot_general3A {dimension_numbers = #tpu.dot_dimension_numbers<[1], [0], [0], [1], [0, 0, 1, 1], [], []>, transpose_lhs_hint = false} : vector<1000x128xf32>, vector<128x128xf32>, vector<1000x128xf32> -> vector<1000x128xf32>
    %get3A_19 = arith.constant 0 : index
    %get3A_20 = arith.constant 0 : index
    %get3A_21 = vector.load %arg5[%get3A_19, %get3A_20] : memref<1000x128xf32, #tpu.memory_space<vmem>>, vector<1000x128xf32>
    %get3A_22 = arith.constant 0 : index
    %get3A_23 = arith.constant 0 : index
    %get3A_24 = vector.load %arg7[%get3A_22, %get3A_23] : memref<128x128xf32, #tpu.memory_space<vmem>>, vector<128x128xf32>
    %dot_general3A_25 = arith.constant dense<0.000000e+00> : vector<1000x128xf32>
    %dot_general3A_26 = tpu.matmul %get3A_21, %get3A_24, %dot_general3A_25 {dimension_numbers = #tpu.dot_dimension_numbers<[1], [0], [0], [1], [0, 0, 1, 1], [], []>, transpose_lhs_hint = false} : vector<1000x128xf32>, vector<128x128xf32>, vector<1000x128xf32> -> vector<1000x128xf32>
    %add3A_27 = arith.addf %dot_general3A_18, %dot_general3A_26 : vector<1000x128xf32>
    %get3A_28 = arith.constant 0 : index
    %get3A_29 = arith.constant 0 : index
    %get3A_30 = vector.load %arg8[%get3A_28, %get3A_29] : memref<1x128xf32, #tpu.memory_space<vmem>>, vector<1x128xf32>
    %add3A_31 = vector.broadcast %get3A_30 : vector<1x128xf32> to vector<1000x128xf32>
    %add3A_32 = arith.addf %add3A_27, %add3A_31 : vector<1000x128xf32>
    %get3A_33 = arith.constant 0 : index
    %get3A_34 = arith.constant 0 : index
    %get3A_35 = vector.load %arg9[%get3A_33, %get3A_34] : memref<1x128xf32, #tpu.memory_space<vmem>>, vector<1x128xf32>
    %add3A_36 = vector.broadcast %get3A_35 : vector<1x128xf32> to vector<1000x128xf32>
    %add3A_37 = arith.addf %add3A_32, %add3A_36 : vector<1000x128xf32>
    %mul3A = arith.mulf %add3A_37, %add3A_37 : vector<1000x128xf32>
    %reduce_sum3A = arith.constant dense<0.000000e+00> : vector<1000xf32>
    %reduce_sum3A_38 = vector.multi_reduction <add>, %mul3A, %reduce_sum3A [1] : vector<1000x128xf32> to vector<1000xf32>
    %broadcast_in_dim3A = vector.shape_cast %reduce_sum3A_38 : vector<1000xf32> to vector<1000x1xf32>
    %max3A_39 = arith.constant 1.000000e-24 : f32
    %max3A_40 = vector.broadcast %max3A_39 : f32 to vector<1000x1xf32>
    %max3A_41 = arith.maximumf %broadcast_in_dim3A, %max3A_40 : vector<1000x1xf32>
    %rsqrt3A = math.rsqrt %max3A_41 : vector<1000x1xf32>
    %mul3A_42 = vector.broadcast %rsqrt3A : vector<1000x1xf32> to vector<1000x128xf32>
    %mul3A_43 = arith.mulf %add3A_37, %mul3A_42 : vector<1000x128xf32>
    %max3A_44 = arith.constant 0.000000e+00 : f32
    %max3A_45 = vector.broadcast %max3A_44 : f32 to vector<1000x128xf32>
    %max3A_46 = arith.maximumf %mul3A_43, %max3A_45 : vector<1000x128xf32>
    %swap3A = arith.constant 0 : index
    %swap3A_47 = arith.constant 0 : index
    %swap3A_48 = vector.load %arg11[%swap3A, %swap3A_47] : memref<1000x128xf32, #tpu.memory_space<vmem>>, vector<1000x128xf32>
    tpu.vector_store %arg11[%swap3A, %swap3A_47], %max3A_46 {strides = array<i32>} : memref<1000x128xf32, #tpu.memory_space<vmem>>, vector<1000x128xf32>,
    %get3A_49 = arith.constant 0 : index
    %get3A_50 = arith.constant 0 : index
    %get3A_51 = vector.load %arg10[%get3A_49, %get3A_50] : memref<128x16xf32, #tpu.memory_space<vmem>>, vector<128x16xf32>
    %dot_general3A_52 = arith.constant dense<0.000000e+00> : vector<1000x16xf32>
    %dot_general3A_53 = tpu.matmul %max3A_46, %get3A_51, %dot_general3A_52 {dimension_numbers = #tpu.dot_dimension_numbers<[1], [0], [0], [1], [0, 0, 1, 1], [], []>, transpose_lhs_hint = false} : vector<1000x128xf32>, vector<128x16xf32>, vector<1000x16xf32> -> vector<1000x16xf32>
    %swap3A_54 = arith.constant 0 : index
    %swap3A_55 = arith.constant 0 : index
    %swap3A_56 = vector.load %arg12[%swap3A_54, %swap3A_55] : memref<1000x16xf32, #tpu.memory_space<vmem>>, vector<1000x16xf32>
    tpu.vector_store %arg12[%swap3A_54, %swap3A_55], %dot_general3A_53 {strides = array<i32>} : memref<1000x16xf32, #tpu.memory_space<vmem>>, vector<1000x16xf32>,
    return
  }
  func.func @transform_0(%arg0: i32) -> (i32, i32) {
    %c0_i32 = arith.constant 0 : i32
    %c0_i32_0 = arith.constant 0 : i32
    return %arg0, %c0_i32 : i32, i32
  }
  func.func @transform_1(%arg0: i32) -> (i32, i32) {
    %c0_i32 = arith.constant 0 : i32
    %c0_i32_0 = arith.constant 0 : i32
    return %arg0, %c0_i32 : i32, i32
  }
  func.func @transform_2(%arg0: i32) -> (i32, i32) {
    %c0_i32 = arith.constant 0 : i32
    %c0_i32_0 = arith.constant 0 : i32
    return %arg0, %c0_i32 : i32, i32
  }
  func.func @transform_3(%arg0: i32) -> (i32, i32) {
    %c0_i32 = arith.constant 0 : i32
    %c0_i32_0 = arith.constant 0 : i32
    return %arg0, %c0_i32 : i32, i32
  }
  func.func @transform_4(%arg0: i32) -> (i32, i32) {
    %c0_i32 = arith.constant 0 : i32
    %c0_i32_0 = arith.constant 0 : i32
    return %arg0, %c0_i32 : i32, i32
  }
  func.func @transform_5(%arg0: i32) -> (i32, i32) {
    %c0_i32 = arith.constant 0 : i32
    %c0_i32_0 = arith.constant 0 : i32
    %c0_i32_1 = arith.constant 0 : i32
    return %c0_i32, %c0_i32_0 : i32, i32
  }
  func.func @transform_6(%arg0: i32) -> (i32, i32) {
    %c0_i32 = arith.constant 0 : i32
    %c0_i32_0 = arith.constant 0 : i32
    %c0_i32_1 = arith.constant 0 : i32
    return %c0_i32, %c0_i32_0 : i32, i32
  }
  func.func @transform_7(%arg0: i32) -> (i32, i32) {
    %c0_i32 = arith.constant 0 : i32
    %c0_i32_0 = arith.constant 0 : i32
    %c0_i32_1 = arith.constant 0 : i32
    return %c0_i32, %c0_i32_0 : i32, i32
  }
  func.func @transform_8(%arg0: i32) -> (i32, i32) {
    %c0_i32 = arith.constant 0 : i32
    %c0_i32_0 = arith.constant 0 : i32
    %c0_i32_1 = arith.constant 0 : i32
    return %c0_i32, %c0_i32_0 : i32, i32
  }
  func.func @transform_9(%arg0: i32) -> (i32, i32) {
    %c0_i32 = arith.constant 0 : i32
    %c0_i32_0 = arith.constant 0 : i32
    %c0_i32_1 = arith.constant 0 : i32
    return %c0_i32, %c0_i32_0 : i32, i32
  }
  func.func @transform_10(%arg0: i32) -> (i32, i32) {
    %c0_i32 = arith.constant 0 : i32
    %c0_i32_0 = arith.constant 0 : i32
    return %arg0, %c0_i32 : i32, i32
  }
  func.func @transform_11(%arg0: i32) -> (i32, i32) {
    %c0_i32 = arith.constant 0 : i32
    %c0_i32_0 = arith.constant 0 : i32
    return %arg0, %c0_i32 : i32, i32
  }
}

module attributes {stable_mosaic.version = 14 : i64} {
  func.func @_tcf_body(%arg0: i32, %arg1: memref<1000x1xf32, #tpu.memory_space<vmem>>, %arg2: memref<1000x1xf32, #tpu.memory_space<vmem>>, %arg3: memref<1000x1xf32, #tpu.memory_space<vmem>>, %arg4: memref<1000x1xf32, #tpu.memory_space<vmem>>, %arg5: memref<1000x1xf32, #tpu.memory_space<vmem>>, %arg6: memref<1000x1xf32, #tpu.memory_space<vmem>>, %arg7: memref<1000x128xf32, #tpu.memory_space<vmem>>, %arg8: memref<128x16xf32, #tpu.memory_space<vmem>>, %arg9: memref<1x16xf32, #tpu.memory_space<vmem>>, %arg10: memref<1x16xf32, #tpu.memory_space<vmem>>, %arg11: memref<1000x2xf32, #tpu.memory_space<vmem>>) attributes {dimension_semantics = [#tpu.dimension_semantics<arbitrary>], iteration_bounds = array<i64: 10>, scalar_prefetch = 0 : i64, scratch_operands = 0 : i64, tpu.core_type = #tpu.core_type<tc>, window_params = [{transform_indices = @transform_0, window_bounds = array<i64: 1000, 1>}, {transform_indices = @transform_1, window_bounds = array<i64: 1000, 1>}, {transform_indices = @transform_2, window_bounds = array<i64: 1000, 1>}, {transform_indices = @transform_3, window_bounds = array<i64: 1000, 1>}, {transform_indices = @transform_4, window_bounds = array<i64: 1000, 1>}, {transform_indices = @transform_5, window_bounds = array<i64: 1000, 1>}, {transform_indices = @transform_6, window_bounds = array<i64: 1000, 128>}, {pipeline_mode = #tpu.pipeline_mode<synchronous>, transform_indices = @transform_7, window_bounds = array<i64: 128, 16>}, {pipeline_mode = #tpu.pipeline_mode<synchronous>, transform_indices = @transform_8, window_bounds = array<i64: 1, 16>}, {pipeline_mode = #tpu.pipeline_mode<synchronous>, transform_indices = @transform_9, window_bounds = array<i64: 1, 16>}, {transform_indices = @transform_10, window_bounds = array<i64: 1000, 2>}]} {
    %get3A = arith.constant 0 : index
    %get3A_0 = arith.constant 0 : index
    %get3A_1 = vector.load %arg5[%get3A, %get3A_0] : memref<1000x1xf32, #tpu.memory_space<vmem>>, vector<1000x1xf32>
    %get3A_2 = arith.constant 0 : index
    %get3A_3 = arith.constant 0 : index
    %get3A_4 = vector.load %arg6[%get3A_2, %get3A_3] : memref<1000x1xf32, #tpu.memory_space<vmem>>, vector<1000x1xf32>
    %add3A = arith.addf %get3A_1, %get3A_4 : vector<1000x1xf32>
    %max3A = arith.constant 1.000000e+00 : f32
    %max3A_5 = vector.broadcast %max3A : f32 to vector<1000x1xf32>
    %max3A_6 = arith.maximumf %add3A, %max3A_5 : vector<1000x1xf32>
    %get3A_7 = arith.constant 0 : index
    %get3A_8 = arith.constant 0 : index
    %get3A_9 = vector.load %arg1[%get3A_7, %get3A_8] : memref<1000x1xf32, #tpu.memory_space<vmem>>, vector<1000x1xf32>
    %get3A_10 = arith.constant 0 : index
    %get3A_11 = arith.constant 0 : index
    %get3A_12 = vector.load %arg2[%get3A_10, %get3A_11] : memref<1000x1xf32, #tpu.memory_space<vmem>>, vector<1000x1xf32>
    %add3A_13 = arith.addf %get3A_9, %get3A_12 : vector<1000x1xf32>
    %div3A = arith.divf %add3A_13, %max3A_6 : vector<1000x1xf32>
    %get3A_14 = arith.constant 0 : index
    %get3A_15 = arith.constant 0 : index
    %get3A_16 = vector.load %arg3[%get3A_14, %get3A_15] : memref<1000x1xf32, #tpu.memory_space<vmem>>, vector<1000x1xf32>
    %get3A_17 = arith.constant 0 : index
    %get3A_18 = arith.constant 0 : index
    %get3A_19 = vector.load %arg4[%get3A_17, %get3A_18] : memref<1000x1xf32, #tpu.memory_space<vmem>>, vector<1000x1xf32>
    %add3A_20 = arith.addf %get3A_16, %get3A_19 : vector<1000x1xf32>
    %div3A_21 = arith.divf %add3A_20, %max3A_6 : vector<1000x1xf32>
    %concatenate3A = tpu.concatenate %div3A, %div3A_21 in 1 : vector<1000x1xf32>, vector<1000x1xf32> -> vector<1000x2xf32>
    %get3A_22 = arith.constant 0 : index
    %get3A_23 = arith.constant 0 : index
    %get3A_24 = vector.load %arg7[%get3A_22, %get3A_23] : memref<1000x128xf32, #tpu.memory_space<vmem>>, vector<1000x128xf32>
    %get3A_25 = arith.constant 0 : index
    %get3A_26 = arith.constant 0 : index
    %get3A_27 = vector.load %arg8[%get3A_25, %get3A_26] : memref<128x16xf32, #tpu.memory_space<vmem>>, vector<128x16xf32>
    %dot_general3A = arith.constant dense<0.000000e+00> : vector<1000x16xf32>
    %dot_general3A_28 = tpu.matmul %get3A_24, %get3A_27, %dot_general3A {dimension_numbers = #tpu.dot_dimension_numbers<[1], [0], [0], [1], [0, 0, 1, 1], [], []>, transpose_lhs_hint = false} : vector<1000x128xf32>, vector<128x16xf32>, vector<1000x16xf32> -> vector<1000x16xf32>
    %get3A_29 = arith.constant 0 : index
    %get3A_30 = arith.constant 0 : index
    %get3A_31 = vector.load %arg9[%get3A_29, %get3A_30] : memref<1x16xf32, #tpu.memory_space<vmem>>, vector<1x16xf32>
    %add3A_32 = vector.broadcast %get3A_31 : vector<1x16xf32> to vector<1000x16xf32>
    %add3A_33 = arith.addf %dot_general3A_28, %add3A_32 : vector<1000x16xf32>
    %get3A_34 = arith.constant 0 : index
    %get3A_35 = arith.constant 0 : index
    %get3A_36 = vector.load %arg10[%get3A_34, %get3A_35] : memref<1x16xf32, #tpu.memory_space<vmem>>, vector<1x16xf32>
    %add3A_37 = vector.broadcast %get3A_36 : vector<1x16xf32> to vector<1000x16xf32>
    %add3A_38 = arith.addf %add3A_33, %add3A_37 : vector<1000x16xf32>
    %slice3A = vector.extract_strided_slice %add3A_38 {offsets = [0, 0], sizes = [1000, 2], strides = [1, 1]} : vector<1000x16xf32> to vector<1000x2xf32>
    %add3A_39 = arith.addf %slice3A, %concatenate3A : vector<1000x2xf32>
    %mul3A = arith.mulf %add3A_39, %add3A_39 : vector<1000x2xf32>
    %reduce_sum3A = arith.constant dense<0.000000e+00> : vector<1000xf32>
    %reduce_sum3A_40 = vector.multi_reduction <add>, %mul3A, %reduce_sum3A [1] : vector<1000x2xf32> to vector<1000xf32>
    %broadcast_in_dim3A = vector.shape_cast %reduce_sum3A_40 : vector<1000xf32> to vector<1000x1xf32>
    %max3A_41 = arith.constant 1.000000e-24 : f32
    %max3A_42 = vector.broadcast %max3A_41 : f32 to vector<1000x1xf32>
    %max3A_43 = arith.maximumf %broadcast_in_dim3A, %max3A_42 : vector<1000x1xf32>
    %rsqrt3A = math.rsqrt %max3A_43 : vector<1000x1xf32>
    %mul3A_44 = vector.broadcast %rsqrt3A : vector<1000x1xf32> to vector<1000x2xf32>
    %mul3A_45 = arith.mulf %add3A_39, %mul3A_44 : vector<1000x2xf32>
    %reduce_max3A = arith.constant dense<0xFF800000> : vector<1000xf32>
    %reduce_max3A_46 = vector.multi_reduction <maximumf>, %mul3A_45, %reduce_max3A [1] : vector<1000x2xf32> to vector<1000xf32>
    %broadcast_in_dim3A_47 = vector.shape_cast %reduce_max3A_46 : vector<1000xf32> to vector<1000x1xf32>
    %sub3A = vector.broadcast %broadcast_in_dim3A_47 : vector<1000x1xf32> to vector<1000x2xf32>
    %sub3A_48 = arith.subf %mul3A_45, %sub3A : vector<1000x2xf32>
    %exp3A = math.exp %sub3A_48 : vector<1000x2xf32>
    %reduce_sum3A_49 = arith.constant dense<0.000000e+00> : vector<1000xf32>
    %reduce_sum3A_50 = vector.multi_reduction <add>, %exp3A, %reduce_sum3A_49 [1] : vector<1000x2xf32> to vector<1000xf32>
    %broadcast_in_dim3A_51 = vector.shape_cast %reduce_sum3A_50 : vector<1000xf32> to vector<1000x1xf32>
    %log3A = math.log %broadcast_in_dim3A_51 : vector<1000x1xf32>
    %add3A_52 = arith.addf %broadcast_in_dim3A_47, %log3A : vector<1000x1xf32>
    %sub3A_53 = vector.broadcast %add3A_52 : vector<1000x1xf32> to vector<1000x2xf32>
    %sub3A_54 = arith.subf %mul3A_45, %sub3A_53 : vector<1000x2xf32>
    %swap3A = arith.constant 0 : index
    %swap3A_55 = arith.constant 0 : index
    %swap3A_56 = vector.load %arg11[%swap3A, %swap3A_55] : memref<1000x2xf32, #tpu.memory_space<vmem>>, vector<1000x2xf32>
    tpu.vector_store %arg11[%swap3A, %swap3A_55], %sub3A_54 {strides = array<i32>} : memref<1000x2xf32, #tpu.memory_space<vmem>>, vector<1000x2xf32>,
    return
  }
  func.func @transform_0(%arg0: i32) -> (i32, i32) {
    %c0_i32 = arith.constant 0 : i32
    %c0_i32_0 = arith.constant 0 : i32
    return %arg0, %c0_i32 : i32, i32
  }
  func.func @transform_1(%arg0: i32) -> (i32, i32) {
    %c0_i32 = arith.constant 0 : i32
    %c0_i32_0 = arith.constant 0 : i32
    return %arg0, %c0_i32 : i32, i32
  }
  func.func @transform_2(%arg0: i32) -> (i32, i32) {
    %c0_i32 = arith.constant 0 : i32
    %c0_i32_0 = arith.constant 0 : i32
    return %arg0, %c0_i32 : i32, i32
  }
  func.func @transform_3(%arg0: i32) -> (i32, i32) {
    %c0_i32 = arith.constant 0 : i32
    %c0_i32_0 = arith.constant 0 : i32
    return %arg0, %c0_i32 : i32, i32
  }
  func.func @transform_4(%arg0: i32) -> (i32, i32) {
    %c0_i32 = arith.constant 0 : i32
    %c0_i32_0 = arith.constant 0 : i32
    return %arg0, %c0_i32 : i32, i32
  }
  func.func @transform_5(%arg0: i32) -> (i32, i32) {
    %c0_i32 = arith.constant 0 : i32
    %c0_i32_0 = arith.constant 0 : i32
    return %arg0, %c0_i32 : i32, i32
  }
  func.func @transform_6(%arg0: i32) -> (i32, i32) {
    %c0_i32 = arith.constant 0 : i32
    %c0_i32_0 = arith.constant 0 : i32
    return %arg0, %c0_i32 : i32, i32
  }
  func.func @transform_7(%arg0: i32) -> (i32, i32) {
    %c0_i32 = arith.constant 0 : i32
    %c0_i32_0 = arith.constant 0 : i32
    %c0_i32_1 = arith.constant 0 : i32
    return %c0_i32, %c0_i32_0 : i32, i32
  }
  func.func @transform_8(%arg0: i32) -> (i32, i32) {
    %c0_i32 = arith.constant 0 : i32
    %c0_i32_0 = arith.constant 0 : i32
    %c0_i32_1 = arith.constant 0 : i32
    return %c0_i32, %c0_i32_0 : i32, i32
  }
  func.func @transform_9(%arg0: i32) -> (i32, i32) {
    %c0_i32 = arith.constant 0 : i32
    %c0_i32_0 = arith.constant 0 : i32
    %c0_i32_1 = arith.constant 0 : i32
    return %c0_i32, %c0_i32_0 : i32, i32
  }
  func.func @transform_10(%arg0: i32) -> (i32, i32) {
    %c0_i32 = arith.constant 0 : i32
    %c0_i32_0 = arith.constant 0 : i32
    return %arg0, %c0_i32 : i32, i32
  }
}

</mosaic_0001>

<sc_bundles>
// kernel: kernel.11.cloned.1.call-start
scs
__scs_entry_jumppad:
0x0: {  	(pc) =	sbr.rel $0x88, $3  }
0x1: {  	(tag) =	ssettag $0x0;
	lr =	simm.s32 $0x1  }
0x2: {  	[smem:$0x3F93] =	sst lr;
	_ =	strace $0xD0000000  }
0x3: {  	_ = 	snop  }
0x4: {  	_ = 	snop  }
0x5: {  	_ = 	snop  }
0x6: {  	_ = 	snop  }
0x7: {  	_ = 	snop  }
__scs_overlays_trampoline_lowered:
0x8: {  	[smem:$0x3FA2] =	sst s0  }
0x9: {  	[smem:$0x3FA3] =	sst s1  }
0xa: {  	[smem:$0x3FA4] =	sst s2  }
0xb: {  	[smem:$0x3FA5] =	sst s3  }
0xc: {  	[smem:$0x3FA6] =	sst s4  }
0xd: {  	[smem:$0x3FA7] =	sst s5  }
0xe: {  	[smem:$0x3FA8] =	sst s6  }
0xf: {  	[smem:$0x3FA9] =	sst s7  }
0x10: {  	[smem:$0x3FAA] =	sst s8  }
0x11: {  	[smem:$0x3FAB] =	sst s9;
	s0 =	simm.s32 @!p0 $0x0  }
0x12: {  	s1 =	sld [smem:$0x3F91];
	s0 =	simm.s32 @p0 $0x1  }
0x13: {  	[smem:$0x3FAC] =	sst s0;
	s0 =	simm.s32 @!p1 $0x0  }
0x14: {  	s2 =	sld [smem:$0x3F90];
	s0 =	simm.s32 @p1 $0x1  }
0x15: {  	[smem:$0x3FAD] =	sst s0;
	s0 =	simm.s32 @!p2 $0x0  }
0x16: {  	s3 =	sld [smem:$0x3FDB];
	s0 =	simm.s32 @p2 $0x1  }
0x17: {  	s4 =	simm.s32 $0x1BF5;
	[smem:$0x3FAF] =	sst s0  }
0x18: {  	s0 =	sld [smem:$0x3F92];
	_ =	swait.ge [sflag:s4], $0x0  }
0x19: {  	s7 =	sld [smem:$0x3F93]  }
0x1a: {  	s8 =	sadd.s32 $0xFFFFE003, lr  }
0x1b: {  	s9 =	sadd.s32 $0xFFFFFEF7, lr;
	s5 =	simm.s32 $0xFFFFFFFF;
	p2 =	slt.u32 s8, $0xFFFFF086  }
0x1c: {  	p1 =	slt.u32 s9, $0xF7A;
	s5 =	simm.s32 @!p2 $0x0  }
0x1d: {  	s5 =	simm.s32 @p1 $0x1;
	p0 =	seq.s32 s7, s2  }
0x1e: {  	s7 =	smul.u32 @!p0 $0xF7A, s2;
	p2 =	seq.s32 @!p0 s5, $0x0  }
0x1f: {  	s9 =	smul.u32 $0xF7A, s1;
	s8 =	simm.s32 @!p0 $0x1BF5;
	p2 =	por !p2, p0  }
0x20: {  	[sflag:s8] =	ssyncset.s32 @!p0 $0xFFFFF086;
	s6 =	sadd.s32 @!p0 s3, s7;
	s7 =	simm.s32 @!p0 $0x108  }
0x21: {  	s3 =	sadd.s32 s3, s9;
	s6 =	sadd.s32 @!p0 $0x88, s6;
	s7 =	simm.s32 @p2 $0x1082  }
0x22: {  	[simem:s7], [sflag:s8] =	dma.local @!p0 [hbm:s6], $0xF7A  }
0x23: {  	s9 =	sor.u32 $0xD0000000, s2;
	s6 =	simm.s32 $0x108;
	_ =	swait.ge @!p0 [sflag:s8], $0x0  }
0x24: {  	s3 =	sadd.s32 $0x88, s3;
	s6 =	simm.s32 @!p1 $0x1082;
	[sflag:s4] =	ssyncset.s32 $0xFFFFF086  }
0x25: {  	[simem:s6], [sflag:s4] =	dma.local [hbm:s3], $0xF7A  }
0x26: {  	[smem:$0x3F93] =	sst s1;
	(tag) =	ssettag s2;
	_ =	strace s9  }
0x27: {  	s1 =	sld [smem:$0x3FA3]  }
0x28: {  	s2 =	sld [smem:$0x3FA4]  }
0x29: {  	s4 =	sld [smem:$0x3FA6]  }
0x2a: {  	p0 =	seq.s32 s5, $0x0;
	s5 =	sld [smem:$0x3FA7]  }
0x2b: {  	s6 =	sld [smem:$0x3FA8]  }
0x2c: {  	s7 =	sld [smem:$0x3FA9]  }
0x2d: {  	s3 =	simm.s32 $0x108;
	s8 =	sld [smem:$0x3FAA]  }
0x2e: {  	s3 =	simm.s32 @!p0 $0x1082;
	s9 =	sld [smem:$0x3FAB]  }
0x2f: {  	lr =	sadd.s32 s0, s3;
	s0 =	sld [smem:$0x3FA2]  }
0x30: {  	s3 =	sld [smem:$0x3FA5]  }
0x31: {  	[smem:$0x3FAE] =	sst s10  }
0x32: {  	s10 =	sld [smem:$0x3FAC];
	_ =	sdelay $0x3  }
0x33: {  	p0 =	seq.s32 s10, $0x1;
	s10 =	sld [smem:$0x3FAE];
	_ =	sdelay $0x3  }
0x34: {  	[smem:$0x3FAE] =	sst s10  }
0x35: {  	s10 =	sld [smem:$0x3FAD];
	_ =	sdelay $0x3  }
0x36: {  	p1 =	seq.s32 s10, $0x1;
	s10 =	sld [smem:$0x3FAE];
	_ =	sdelay $0x3  }
0x37: {  	[smem:$0x3FAE] =	sst s10  }
0x38: {  	s10 =	sld [smem:$0x3FAF]  }
0x39: {  	_ = 	snop;
	(pc) =	sbr.ind lr, $3  }
0x3a: {  	_ = 	snop  }
0x3b: {  	_ = 	snop  }
0x3c: {  	p2 =	seq.s32 s10, $0x1;
	s10 =	sld [smem:$0x3FAE]  }
0x3d: {  	_ =	shalt  }
0x3e: {  	_ =	shalt  }
0x3f: {  	_ =	shalt  }
0x40: {  	_ =	shalt  }
0x41: {  	_ =	shalt  }
0x42: {  	_ =	shalt  }
0x43: {  	_ =	shalt  }
0x44: {  	_ =	shalt  }
0x45: {  	_ =	shalt  }
0x46: {  	_ =	shalt  }
0x47: {  	_ =	shalt  }
0x48: {  	_ =	shalt  }
0x49: {  	_ =	shalt  }
0x4a: {  	_ =	shalt  }
0x4b: {  	_ =	shalt  }
0x4c: {  	_ =	shalt  }
0x4d: {  	_ =	shalt  }
0x4e: {  	_ =	shalt  }
0x4f: {  	_ =	shalt  }
0x50: {  	_ =	shalt  }
0x51: {  	_ =	shalt  }
0x52: {  	_ =	shalt  }
0x53: {  	_ =	shalt  }
0x54: {  	_ =	shalt  }
0x55: {  	_ =	shalt  }
0x56: {  	_ =	shalt  }
0x57: {  	_ =	shalt  }
0x58: {  	_ =	shalt  }
0x59: {  	_ =	shalt  }
0x5a: {  	_ =	shalt  }
0x5b: {  	_ =	shalt  }
0x5c: {  	_ =	shalt  }
0x5d: {  	_ =	shalt  }
0x5e: {  	_ =	shalt  }
0x5f: {  	_ =	shalt  }
0x60: {  	_ =	shalt  }
0x61: {  	_ =	shalt  }
0x62: {  	_ =	shalt  }
0x63: {  	_ =	shalt  }
0x64: {  	_ =	shalt  }
0x65: {  	_ =	shalt  }
0x66: {  	_ =	shalt  }
0x67: {  	_ =	shalt  }
0x68: {  	_ =	shalt  }
0x69: {  	_ =	shalt  }
0x6a: {  	_ =	shalt  }
0x6b: {  	_ =	shalt  }
0x6c: {  	_ =	shalt  }
0x6d: {  	_ =	shalt  }
0x6e: {  	_ =	shalt  }
0x6f: {  	_ =	shalt  }
0x70: {  	_ =	shalt  }
0x71: {  	_ =	shalt  }
0x72: {  	_ =	shalt  }
0x73: {  	_ =	shalt  }
0x74: {  	_ =	shalt  }
0x75: {  	_ =	shalt  }
0x76: {  	_ =	shalt  }
0x77: {  	_ =	shalt  }
0x78: {  	_ =	shalt  }
0x79: {  	_ =	shalt  }
0x7a: {  	_ =	shalt  }
0x7b: {  	_ =	shalt  }
0x7c: {  	_ =	shalt  }
0x7d: {  	_ =	shalt  }
0x7e: {  	_ =	shalt  }
0x7f: {  	_ =	shalt  }
0x80: {  	_ =	shalt  }
0x81: {  	_ =	shalt  }
0x82: {  	_ =	shalt  }
0x83: {  	_ =	shalt  }
0x84: {  	_ =	shalt  }
0x85: {  	_ =	shalt  }
0x86: {  	_ =	shalt  }
0x87: {  	_ =	shalt  }
.Lfunc_end0:
.L_simem_size_0:
called_computation.1_lowered:
.L_overlay_start_0:
0x88: {  	s2 =	sld [smem:$0x3FD9]  }
0x89: {  	s3 =	sld [smem:$0x3FFE];
	_ =	sdelay $0x1  }
0x8a: {  	s1 =	srdreg.scid  }
0x8b: {  	s0 =	sand.u32 $0x1, s1  }
0x8c: {  	s16 =	sshll.u32 s0, $0xA;
	s2 =	sadd.s32 s3, s2  }
0x8d: {  	s2 =	sadd.s32 s2, s16  }
0x8e: {  	[smem:$0x3FBA] =	sst s2  }
0x8f: {  	_ = 	snop  }
0x90: {  	(tm) =	ssettm $0x1  }
0x91: {  	s17 =	sld [smem:$0x3FFB];
	_ =	sdelay $0x3  }
0x92: {  	_ =	strace s17  }
0x93: {  	s2 =	sld [smem:$0x3FFC];
	_ =	sdelay $0x3  }
0x94: {  	_ =	strace s2  }
0x95: {  	s2 =	sld [smem:$0x3FFD];
	_ =	sdelay $0x3  }
0x96: {  	_ =	strace s2  }
0x97: {  	_ =	strace $0x8FFFFFFF  }
0x98: {  	s18 =	sld [smem:$0x3FDB];
	_ =	sdelay $0x1  }
0x99: {  	s19 =	simm.s32 $_scs_section_size  }
0x9a: {  	s4 =	simm.s32 $_size__tile_overlayer_lowered;
	s5 =	simm.s32 $_tile_overlayer_lowered  }
0x9b: {  	s22 =	simm.s32 $0x1BFF;
	s21 =	sshll.u32 s5, $0x1;
	s2 =	sadd.s32 s19, s18  }
0x9c: {  	s6 =	simm.s32 $0x0;
	s20 =	sshll.u32 s4, $0x1;
	s4 =	sadd.s32 s21, s2  }
0x9d: {  	[timem:s6], [sflag:s22] =	dma.local [hbm:s4], s20  }
0x9e: {  	_ =	swait.ge [sflag:s22], s20  }
0x9f: {  	s3 =	ssub.s32 $0x0, s20;
	[sflag:s22] =	ssyncset.done $0x0  }
0xa0: {  	[sflag:s22] =	ssyncadd.s32 s3;
	_ =	sdelay $0x1  }
0xa1: {  	s23 =	simm.s32 $0x1B8B  }
0xa2: {  	_ =	swait.ge [sflag:s23], $0x1  }
0xa3: {  	[sflag:s23] =	ssyncset.done $0x0  }
0xa4: {  	s25 =	simm.s32 $0x1B8E;
	s24 =	sld [smem:$0x3FFE];
	[sflag:s23] =	ssyncadd.s32 $0xFFFFFFFF  }
0xa5: {  	s26 =	simm.s32 $execute0_lowered;
	[smem:$0x3FD2] =	sst s25  }
0xa6: {  	s4 =	sshll.u32 s26, $0x1;
	_ =	strace $0x80000049;
	[dreg:$0x1] =	wrdreg $0xFFFFFFFF  }
0xa7: {  	s28 =	simm.s32 $_size_execute0_lowered;
	s2 =	sadd.s32 s2, s4;
	[dreg:$0x0] =	wrdreg $0x0  }
0xa8: {  	s4 =	sshll.u32 s28, $0x1;
	[dreg:$0x2] =	wrdreg s2  }
0xa9: {  	[dreg:$0x3] =	wrdreg s4  }
0xaa: {  	[dreg:$0x4] =	wrdreg $0xC0  }
0xab: {  	_ =	task [dreg:s6], $0x5FFFF  }
0xac: {  	[dreg:$0x1] =	wrdreg $0xFFFFFFFF  }
0xad: {  	[dreg:$0x0] =	wrdreg $0x60  }
0xae: {  	[dreg:$0x2] =	wrdreg s24  }
0xaf: {  	[dreg:$0x3] =	wrdreg $0xB8000  }
0xb0: {  	[dreg:$0x4] =	wrdreg $0x9  }
0xb1: {  	_ =	task.clear_ibuf [dreg:s6], $0x5FFFF;
	_ =	strace $0x90000049  }
0xb2: {  	s29 =	simm.s32 $0x9;
	_ =	strace $0x8000004B  }
0xb3: {  	_ =	swait.ge [sflag:s29], $0x1  }
0xb4: {  	[sflag:s29] =	ssyncadd.s32 $0xFFFFFFFF  }
0xb5: {  	_ =	strace $0x9000004B  }
0xb6: {  	_ =	sfence  }
0xb7: {  	s30 =	sld [smem:$0x0];
	_ =	sdelay $0x2  }
0xb8: {  	s31 =	sshll.u32 s1, $0xD;
	s1 =	sshrl.u32 s1, $0x2  }
0xb9: {  	s3 =	sand.u32 $0x4000, s31;
	s1 =	sadd.s32 s1, s30  }
0xba: {  	s0 =	sor.u32 s3, s0;
	s1 =	sshll.u32 s1, $0x11  }
0xbb: {  	s0 =	sor.u32 s1, s0  }
0xbc: {  	s0 =	sadd.s32 $0x8F2B, s0  }
0xbd: {  	[sflag:s0] =	ssyncadd.remote.s32 $0x1  }
0xbe: {  	_ =	sfence.sel $0xFFFF  }
0xbf: {  	[dreg:$0x0] =	wrdreg $0xFFFFFFFF;
	(pc) =	sbr.abs _section_cstart, $3  }
0xc0: {  	[dreg:$0x1] =	wrdreg $0xFFFFFFFF  }
0xc1: {  	_ =	task.clear_ibuf [dreg:s6], $0x2FFFF;
	_ =	strace $0x9FFFFFFF  }
0xc2: {  	(tm) =	ssettm $0x7FFFFFFF  }
0xc3: {  	_ =	shalt  }
tec
execute0_lowered:
.L_overlay_start_1:
0x0: {  	(tag) =	ssettag $0x1  }
0x1: {  	s0 =	rddreg [dreg:$0x0];
	s1 =	srdreg.scid  }
0x2: {  	s9 =	stileid.u32;
	s2 =	rddreg [dreg:$0x1];
	s21 =	simm.s32 $0x3  }
0x3: {  	s28 =	simm.s32 $0x2;
	s29 =	simm.s32 $0x7700;
	s30 =	simm.s32 $0x7780  }
0x4: {  	s31 =	simm.s32 $0x0;
	s1 =	sand.u32 $0x1, s1;
	s8 =	smul.u32 $0x14000, s9  }
0x5: {  	s3 =	sshll.u32 s9, $0x1;
	s4 =	sshrl.u32 s9, $0x2;
	s22 =	smul.u32 $0x50000, s9  }
0x6: {  	s5 =	sor.u32 s1, s3;
	s3 =	simm.s32 $0x0;
	s4 =	smul.u32 $0x14000, s4  }
0x7: {  	s7 =	smul.u32 $0x140000, s1;
	s1 =	ssub.s32 $0x2, s1;
	s6 =	sshll.u32 s5, $0x7  }
0x8: {  	[smem:$0x7FF] =	sst s3;
	s5 =	smul.u32 $0xA00, s5;
	s25 =	sshrl.u32 s1, $0x1  }
0x9: {  	s26 =	sshrl.u32 s22, $0x2;
	s6 =	sand.u32 $0x380, s6;
	_ =	strace $0x8000004A  }
0xa: {  	s7 =	sadd.s32 s8, s7;
	s1 =	ssub.s32 s1, s25;
	s25 =	simm.s32 $0x9800  }
0xb: {  	s6 =	sor.u32 s4, s6;
	s4 =	sadd.s32 $0x6F400, s0;
	s23 =	sadd.s32 s5, s0  }
0xc: {  	s24 =	sshrl.u32 s7, $0x3;
	s18 =	smax.u32 s1, $0x1;
	s6 =	sshrl.u32 s6, $0x3  }
0xd: {  	s7 =	sadd.s32 $0x3000, s23;
	s23 =	simm.s32 $0x7800;
	s6 =	sadd.s32 s6, s0  }
0xe: {  	s0 =	sadd.s32 s24, s0;
	s24 =	simm.s32 $0x40;
	s5 =	sadd.s32 $0x17000, s6  }
0xf: {  	s6 =	sadd.s32 s26, s2;
	s17 =	sadd.s32 $0x96600, s0;
	s26 =	simm.s32 $0x1  }
0x10: {  	s8 =	sadd.s32 $0x2000, s6;
	s9 =	sadd.s32 $0x4000, s6;
	s10 =	sadd.s32 $0x6000, s6  }
0x11: {  	s11 =	sadd.s32 $0x8000, s6;
	s12 =	sadd.s32 $0xA000, s6;
	s13 =	sadd.s32 $0xC000, s6  }
0x12: {  	v0 =	vimm.f32 $0.0e+00;
	s14 =	sadd.s32 $0xE000, s6;
	s15 =	sadd.s32 $0x10000, s6;
	s16 =	sadd.s32 $0x12000, s6  }
.LBB2_1:
0x13: {  	s0 =	simm.s32 $0x80;
	s1 =	simm.s32 $0x400  }
0x14: {  	[tilespmem:s3], [sflag:$0x3] =	stream.strided.gather [hbm4b:s5+s0], $0x2800, s1, s0, $0x38;
	[tilespmem:$0x1F800] =	vst v63  }
0x15: {  	_ =	swait.ge [sflag:s21], $0x2800  }
0x16: {  	[sflag:s21] =	ssyncset.done $0x0  }
0x17: {  	s19 =	simm.s32 $0x2800;
	[sflag:s21] =	ssyncadd.s32 $0xFFFFD800  }
0x18: {  	[tilespmem:s19], [sflag:$0x3] =	stream.linear.gather [hbm4b:s7+s3], $0x5000, $0x38;
	[tilespmem:$0x1F800] =	vst v63  }
0x19: {  	s20 =	sand.u32 $0x7E00, s3;
	s22 =	sand.u32 $0x70, s3;
	_ =	swait.ge [sflag:s21], $0x5000  }
0x1a: {  	s0 =	simm.s32 $0x40;
	s19 =	sshrl.u32 s20, $0x2;
	[sflag:s21] =	ssyncset.done $0x0  }
0x1b: {  	s1 =	simm.s32 $0x0;
	s19 =	sor.u32 s22, s19;
	[sflag:s21] =	ssyncadd.s32 $0xFFFFB000  }
.LBB2_2:
0x1c: {  	p0 =	sne.s32 s0, $0x7FC0  }
0x1d: {  	[tilespmem:s19+$0x7800] =	vst v0;
	s1 =	sadd.s32 $0x10, s1;
	s19 =	smov.u32 s0;
	s0 =	sadd.s32 $0x40, s0  }
.Ltmp0:
0x1e: {  	(pc) =	sbr.rel @p0 .LBB2_2-.Ltmp0, $4  }
0x1f: {  	_ = 	snop  }
0x20: {  	s19 =	sand.u32 $0x7E00, s19  }
0x21: {  	s20 =	sand.u32 $0x70, s1;
	s19 =	sshrl.u32 s19, $0x2  }
0x22: {  	s19 =	sor.u32 s20, s19  }
0x23: {  	[tilespmem:s19+$0x7800] =	vst v0  }
0x24: {  	[spmem:s6] =	stream.linear.scatter [tilespmem:s23], [sflag:$0x3], $0x2000, $0x38;
	[tilespmem:$0x1F800] =	vst v63  }
0x25: {  	_ =	swait.ge [sflag:s21], $0x2000  }
0x26: {  	[sflag:s21] =	ssyncset.done $0x0  }
0x27: {  	[sflag:s21] =	ssyncadd.s32 $0xFFFFE000  }
0x28: {  	[spmem:s8] =	stream.linear.scatter [tilespmem:s23], [sflag:$0x3], $0x2000, $0x38;
	[tilespmem:$0x1F800] =	vst v63  }
0x29: {  	_ =	swait.ge [sflag:s21], $0x2000  }
0x2a: {  	[sflag:s21] =	ssyncset.done $0x0  }
0x2b: {  	[sflag:s21] =	ssyncadd.s32 $0xFFFFE000  }
0x2c: {  	[spmem:s9] =	stream.linear.scatter [tilespmem:s23], [sflag:$0x3], $0x2000, $0x38;
	[tilespmem:$0x1F800] =	vst v63  }
0x2d: {  	_ =	swait.ge [sflag:s21], $0x2000  }
0x2e: {  	[sflag:s21] =	ssyncset.done $0x0  }
0x2f: {  	[sflag:s21] =	ssyncadd.s32 $0xFFFFE000  }
0x30: {  	[spmem:s10] =	stream.linear.scatter [tilespmem:s23], [sflag:$0x3], $0x2000, $0x38;
	[tilespmem:$0x1F800] =	vst v63  }
0x31: {  	_ =	swait.ge [sflag:s21], $0x2000  }
0x32: {  	[sflag:s21] =	ssyncset.done $0x0  }
0x33: {  	[sflag:s21] =	ssyncadd.s32 $0xFFFFE000  }
0x34: {  	[spmem:s11] =	stream.linear.scatter [tilespmem:s23], [sflag:$0x3], $0x2000, $0x38;
	[tilespmem:$0x1F800] =	vst v63  }
0x35: {  	_ =	swait.ge [sflag:s21], $0x2000  }
0x36: {  	[sflag:s21] =	ssyncset.done $0x0  }
0x37: {  	[sflag:s21] =	ssyncadd.s32 $0xFFFFE000  }
0x38: {  	[spmem:s12] =	stream.linear.scatter [tilespmem:s23], [sflag:$0x3], $0x2000, $0x38;
	[tilespmem:$0x1F800] =	vst v63  }
0x39: {  	_ =	swait.ge [sflag:s21], $0x2000  }
0x3a: {  	[sflag:s21] =	ssyncset.done $0x0  }
0x3b: {  	[sflag:s21] =	ssyncadd.s32 $0xFFFFE000  }
0x3c: {  	[spmem:s13] =	stream.linear.scatter [tilespmem:s23], [sflag:$0x3], $0x2000, $0x38;
	[tilespmem:$0x1F800] =	vst v63  }
0x3d: {  	_ =	swait.ge [sflag:s21], $0x2000  }
0x3e: {  	[sflag:s21] =	ssyncset.done $0x0  }
0x3f: {  	[sflag:s21] =	ssyncadd.s32 $0xFFFFE000  }
0x40: {  	[spmem:s14] =	stream.linear.scatter [tilespmem:s23], [sflag:$0x3], $0x2000, $0x38;
	[tilespmem:$0x1F800] =	vst v63  }
0x41: {  	_ =	swait.ge [sflag:s21], $0x2000  }
0x42: {  	[sflag:s21] =	ssyncset.done $0x0  }
0x43: {  	[sflag:s21] =	ssyncadd.s32 $0xFFFFE000  }
0x44: {  	[spmem:s15] =	stream.linear.scatter [tilespmem:s23], [sflag:$0x3], $0x2000, $0x38;
	[tilespmem:$0x1F800] =	vst v63  }
0x45: {  	_ =	swait.ge [sflag:s21], $0x2000  }
0x46: {  	[sflag:s21] =	ssyncset.done $0x0  }
0x47: {  	[sflag:s21] =	ssyncadd.s32 $0xFFFFE000  }
0x48: {  	[spmem:s16] =	stream.linear.scatter [tilespmem:s23], [sflag:$0x3], $0x2000, $0x38;
	[tilespmem:$0x1F800] =	vst v63  }
0x49: {  	_ =	swait.ge [sflag:s21], $0x2000  }
0x4a: {  	[sflag:s21] =	ssyncset.done $0x0  }
0x4b: {  	s0 =	simm.s32 $0x0;
	[sflag:s21] =	ssyncadd.s32 $0xFFFFE000  }
0x4c: {  	[tilespmem:s23], [sflag:$0x1] =	stream.indirect.gather [hbm4b:s4+s24], $0x80, s0, s24, $0xb8;
	[tilespmem:$0x1F800] =	vst v63  }
0x4d: {  	_ = 	snop  }
0x4e: {  	[tilespmem:s25], [sflag:$0x2] =	stream.indirect.gather [hbm4b:s4+s24], $0x80, s24, s24, $0xb8;
	[tilespmem:$0x1F800] =	vst v63  }
0x4f: {  	[bflag:$0x0] =	sbarrier.arrive $0xFFFF  }
0x50: {  	_ =	swait.ge [sflag:s26], $0x2000  }
0x51: {  	[sflag:s26] =	ssyncset.done $0x0  }
0x52: {  	s19 =	simm.s32 $0x2800;
	[sflag:s26] =	ssyncadd.s32 $0xFFFFE000  }
0x53: {  	[spmem:s2] =	stream.indirect.scatter.add.f32 [tilespmem:s23], [sflag:$0x3], $0x80, s19, s24, $0xb8;
	[tilespmem:$0x1F800] =	vst v63  }
0x54: {  	_ =	swait.ge [sflag:s21], $0x2000  }
0x55: {  	[sflag:s21] =	ssyncset.done $0x0  }
0x56: {  	s20 =	simm.s32 $0x80;
	[sflag:s21] =	ssyncadd.s32 $0xFFFFE000  }
0x57: {  	[tilespmem:s23], [sflag:$0x1] =	stream.indirect.gather [hbm4b:s4+s24], $0x80, s20, s24, $0xb8;
	[tilespmem:$0x1F800] =	vst v63  }
0x58: {  	_ =	swait.ge [sflag:s28], $0x2000  }
0x59: {  	[sflag:s28] =	ssyncset.done $0x0  }
0x5a: {  	s22 =	simm.s32 $0x2880;
	[sflag:s28] =	ssyncadd.s32 $0xFFFFE000  }
0x5b: {  	[spmem:s2] =	stream.indirect.scatter.add.f32 [tilespmem:s25], [sflag:$0x3], $0x80, s22, s24, $0xb8;
	[tilespmem:$0x1F800] =	vst v63  }
0x5c: {  	_ =	swait.ge [sflag:s21], $0x2000  }
0x5d: {  	s1 =	simm.s32 $0xC0;
	[sflag:s21] =	ssyncset.done $0x0  }
0x5e: {  	s0 =	simm.s32 $0x400;
	s19 =	simm.s32 $0x140;
	[sflag:s21] =	ssyncadd.s32 $0xFFFFE000  }
.LBB2_4:
0x5f: {  	[tilespmem:s25], [sflag:$0x2] =	stream.indirect.gather [hbm4b:s4+s24], $0x80, s1, s24, $0xb8;
	[tilespmem:$0x1F800] =	vst v63  }
0x60: {  	s20 =	smov.u32 s0;
	s1 =	smov.u32 s19  }
0x61: {  	p0 =	sne.s32 s0, $0x13800;
	s0 =	sadd.s32 $0x400, s0;
	_ =	swait.ge [sflag:s26], $0x2000  }
0x62: {  	s20 =	sshra.s32 s20, $0x2;
	[sflag:s26] =	ssyncset.done $0x0  }
0x63: {  	s22 =	sadd.s32 $0x2800, s20;
	[sflag:s26] =	ssyncadd.s32 $0xFFFFE000  }
0x64: {  	[spmem:s2] =	stream.indirect.scatter.add.f32 [tilespmem:s23], [sflag:$0x3], $0x80, s22, s24, $0xb8;
	[tilespmem:$0x1F800] =	vst v63  }
0x65: {  	_ =	swait.ge [sflag:s21], $0x2000  }
0x66: {  	[sflag:s21] =	ssyncset.done $0x0  }
0x67: {  	s22 =	sadd.s32 $0xFFFFFFC0, s19;
	[sflag:s21] =	ssyncadd.s32 $0xFFFFE000  }
0x68: {  	[tilespmem:s23], [sflag:$0x1] =	stream.indirect.gather [hbm4b:s4+s24], $0x80, s22, s24, $0xb8;
	[tilespmem:$0x1F800] =	vst v63  }
0x69: {  	_ =	swait.ge [sflag:s28], $0x2000  }
0x6a: {  	[sflag:s28] =	ssyncset.done $0x0  }
.Ltmp1:
0x6b: {  	s20 =	sadd.s32 $0x2880, s20;
	[sflag:s28] =	ssyncadd.s32 $0xFFFFE000;
	(pc) =	sbr.rel @p0 .LBB2_4-.Ltmp1, $4  }
0x6c: {  	[spmem:s2] =	stream.indirect.scatter.add.f32 [tilespmem:s25], [sflag:$0x3], $0x80, s20, s24, $0xb8;
	[tilespmem:$0x1F800] =	vst v63  }
0x6d: {  	_ =	swait.ge [sflag:s21], $0x2000  }
0x6e: {  	[sflag:s21] =	ssyncset.done $0x0  }
0x6f: {  	s19 =	sadd.s32 $0x80, s19;
	[sflag:s21] =	ssyncadd.s32 $0xFFFFE000  }
0x70: {  	[tilespmem:s25], [sflag:$0x2] =	stream.indirect.gather [hbm4b:s4+s24], $0x80, s1, s24, $0xb8;
	[tilespmem:$0x1F800] =	vst v63  }
0x71: {  	_ =	swait.ge [sflag:s26], $0x2000  }
0x72: {  	[sflag:s26] =	ssyncset.done $0x0  }
0x73: {  	[sflag:s26] =	ssyncadd.s32 $0xFFFFE000  }
0x74: {  	[spmem:s2] =	stream.indirect.scatter.add.f32 [tilespmem:s23], [sflag:$0x3], $0x80, s29, s24, $0xb8;
	[tilespmem:$0x1F800] =	vst v63  }
0x75: {  	_ =	swait.ge [sflag:s21], $0x2000  }
0x76: {  	[sflag:s21] =	ssyncset.done $0x0  }
0x77: {  	[sflag:s21] =	ssyncadd.s32 $0xFFFFE000  }
0x78: {  	_ =	swait.ge [sflag:s28], $0x2000  }
0x79: {  	[sflag:s28] =	ssyncset.done $0x0  }
0x7a: {  	[sflag:s28] =	ssyncadd.s32 $0xFFFFE000  }
0x7b: {  	[spmem:s2] =	stream.indirect.scatter.add.f32 [tilespmem:s25], [sflag:$0x3], $0x80, s30, s24, $0xb8;
	[tilespmem:$0x1F800] =	vst v63  }
0x7c: {  	s0 =	stileid.u32;
	_ =	swait.ge [sflag:s21], $0x2000  }
0x7d: {  	s22 =	sshrl.u32 s6, $0x3;
	s31 =	sadd.s32 $0x1, s31;
	[sflag:s21] =	ssyncset.done $0x0  }
0x7e: {  	s0 =	sshll.u32 s0, $0x6;
	p0 =	sne.s32 s31, s18;
	[sflag:s21] =	ssyncadd.s32 $0xFFFFE000  }
.Ltmp2:
0x7f: {  	s0 =	sor.u32 $0x1C03, s0;
	[bflag:$0x0] =	sbarrier.arrive $0xFFFF;
	(pc) =	sbr.rel @p0 .LBB2_1-.Ltmp2, $4  }
0x80: {  	[hbm:s17], [sflag:s0] =	dma.local [spmem:s22], $0x2800  }
0x81: {  	_ =	swait.ge [sflag:s21], $0x2800  }
0x82: {  	[sflag:s21] =	ssyncset.done $0x0  }
0x83: {  	[sflag:s21] =	ssyncadd.s32 $0xFFFFD800  }
0x84: {  	_ =	sfence.sel $0x180000  }
0x85: {  	[bflag:$0x0] =	sbarrier.arrive $0xFFFF  }
0x86: {  	_ =	strace $0x9000004A  }
0x87: {  	s0 =	stileid.u32;
	[bflag:$0x2] =	sbarrier.arrive $0xFFFF  }
0x88: {  	p0 =	sne.s32 s0, $0x0;
	s0 =	rddreg [dreg:$0x2]  }
0x89: {  	s0 =	sadd.s32 @!p0 $0x100000, s0  }
0x8a: {  	[sflag:s0] =	ssyncadd.tile.s32 @!p0 $0x1;
	_ =	shalt  }
.Lfunc_end2:
_tile_overlayer_lowered:
.L_overlay_start_2:
0x8b: {  	(tag) =	ssettag $0x2  }
0x8c: {  	s0 =	rddreg [dreg:$0x0];
	s2 =	stileid.u32  }
0x8d: {  	s1 =	rddreg [dreg:$0x1];
	p0 =	sne.s32 s2, $0x0  }
0x8e: {  	s3 =	rddreg [dreg:$0x2];
	[bflag:$0x3] =	sbarrier.arrive $0xFFFF;
	s2 =	simm.s32 @!p0 $0x1C03  }
0x8f: {  	[timem:s3], [sflag:s2] =	dma.local @!p0 [hbm:s0], s1  }
0x90: {  	s0 =	simm.s32 @!p0 $0x3  }
0x91: {  	_ =	swait.ge @!p0 [sflag:s0], s1  }
0x92: {  	s1 =	ssub.s32 @!p0 $0x0, s1;
	[sflag:s0] =	ssyncset.done @!p0 $0x0  }
0x93: {  	[sflag:s0] =	ssyncadd.s32 @!p0 s1  }
0x94: {  	[bflag:$0x3] =	sbarrier.arrive $0xFFFF  }
0x95: {  	_ =	shalt  }

// kernel: kernel.14.cloned.1.call-start
scs
__scs_entry_jumppad:
0x0: {  	(pc) =	sbr.rel $0x88, $3  }
0x1: {  	(tag) =	ssettag $0x0;
	lr =	simm.s32 $0x1  }
0x2: {  	[smem:$0x3F93] =	sst lr;
	_ =	strace $0xD0000000  }
0x3: {  	_ = 	snop  }
0x4: {  	_ = 	snop  }
0x5: {  	_ = 	snop  }
0x6: {  	_ = 	snop  }
0x7: {  	_ = 	snop  }
__scs_overlays_trampoline_lowered:
0x8: {  	[smem:$0x3FA2] =	sst s0  }
0x9: {  	[smem:$0x3FA3] =	sst s1  }
0xa: {  	[smem:$0x3FA4] =	sst s2  }
0xb: {  	[smem:$0x3FA5] =	sst s3  }
0xc: {  	[smem:$0x3FA6] =	sst s4  }
0xd: {  	[smem:$0x3FA7] =	sst s5  }
0xe: {  	[smem:$0x3FA8] =	sst s6  }
0xf: {  	[smem:$0x3FA9] =	sst s7  }
0x10: {  	[smem:$0x3FAA] =	sst s8  }
0x11: {  	[smem:$0x3FAB] =	sst s9;
	s0 =	simm.s32 @!p0 $0x0  }
0x12: {  	s1 =	sld [smem:$0x3F91];
	s0 =	simm.s32 @p0 $0x1  }
0x13: {  	[smem:$0x3FAC] =	sst s0;
	s0 =	simm.s32 @!p1 $0x0  }
0x14: {  	s2 =	sld [smem:$0x3F90];
	s0 =	simm.s32 @p1 $0x1  }
0x15: {  	[smem:$0x3FAD] =	sst s0;
	s0 =	simm.s32 @!p2 $0x0  }
0x16: {  	s3 =	sld [smem:$0x3FDB];
	s0 =	simm.s32 @p2 $0x1  }
0x17: {  	s4 =	simm.s32 $0x1BF5;
	[smem:$0x3FAF] =	sst s0  }
0x18: {  	s0 =	sld [smem:$0x3F92];
	_ =	swait.ge [sflag:s4], $0x0  }
0x19: {  	s7 =	sld [smem:$0x3F93]  }
0x1a: {  	s8 =	sadd.s32 $0xFFFFE003, lr  }
0x1b: {  	s9 =	sadd.s32 $0xFFFFFEF7, lr;
	s5 =	simm.s32 $0xFFFFFFFF;
	p2 =	slt.u32 s8, $0xFFFFF086  }
0x1c: {  	p1 =	slt.u32 s9, $0xF7A;
	s5 =	simm.s32 @!p2 $0x0  }
0x1d: {  	s5 =	simm.s32 @p1 $0x1;
	p0 =	seq.s32 s7, s2  }
0x1e: {  	s7 =	smul.u32 @!p0 $0xF7A, s2;
	p2 =	seq.s32 @!p0 s5, $0x0  }
0x1f: {  	s9 =	smul.u32 $0xF7A, s1;
	s8 =	simm.s32 @!p0 $0x1BF5;
	p2 =	por !p2, p0  }
0x20: {  	[sflag:s8] =	ssyncset.s32 @!p0 $0xFFFFF086;
	s6 =	sadd.s32 @!p0 s3, s7;
	s7 =	simm.s32 @!p0 $0x108  }
0x21: {  	s3 =	sadd.s32 s3, s9;
	s6 =	sadd.s32 @!p0 $0x88, s6;
	s7 =	simm.s32 @p2 $0x1082  }
0x22: {  	[simem:s7], [sflag:s8] =	dma.local @!p0 [hbm:s6], $0xF7A  }
0x23: {  	s9 =	sor.u32 $0xD0000000, s2;
	s6 =	simm.s32 $0x108;
	_ =	swait.ge @!p0 [sflag:s8], $0x0  }
0x24: {  	s3 =	sadd.s32 $0x88, s3;
	s6 =	simm.s32 @!p1 $0x1082;
	[sflag:s4] =	ssyncset.s32 $0xFFFFF086  }
0x25: {  	[simem:s6], [sflag:s4] =	dma.local [hbm:s3], $0xF7A  }
0x26: {  	[smem:$0x3F93] =	sst s1;
	(tag) =	ssettag s2;
	_ =	strace s9  }
0x27: {  	s1 =	sld [smem:$0x3FA3]  }
0x28: {  	s2 =	sld [smem:$0x3FA4]  }
0x29: {  	s4 =	sld [smem:$0x3FA6]  }
0x2a: {  	p0 =	seq.s32 s5, $0x0;
	s5 =	sld [smem:$0x3FA7]  }
0x2b: {  	s6 =	sld [smem:$0x3FA8]  }
0x2c: {  	s7 =	sld [smem:$0x3FA9]  }
0x2d: {  	s3 =	simm.s32 $0x108;
	s8 =	sld [smem:$0x3FAA]  }
0x2e: {  	s3 =	simm.s32 @!p0 $0x1082;
	s9 =	sld [smem:$0x3FAB]  }
0x2f: {  	lr =	sadd.s32 s0, s3;
	s0 =	sld [smem:$0x3FA2]  }
0x30: {  	s3 =	sld [smem:$0x3FA5]  }
0x31: {  	[smem:$0x3FAE] =	sst s10  }
0x32: {  	s10 =	sld [smem:$0x3FAC];
	_ =	sdelay $0x3  }
0x33: {  	p0 =	seq.s32 s10, $0x1;
	s10 =	sld [smem:$0x3FAE];
	_ =	sdelay $0x3  }
0x34: {  	[smem:$0x3FAE] =	sst s10  }
0x35: {  	s10 =	sld [smem:$0x3FAD];
	_ =	sdelay $0x3  }
0x36: {  	p1 =	seq.s32 s10, $0x1;
	s10 =	sld [smem:$0x3FAE];
	_ =	sdelay $0x3  }
0x37: {  	[smem:$0x3FAE] =	sst s10  }
0x38: {  	s10 =	sld [smem:$0x3FAF]  }
0x39: {  	_ = 	snop;
	(pc) =	sbr.ind lr, $3  }
0x3a: {  	_ = 	snop  }
0x3b: {  	_ = 	snop  }
0x3c: {  	p2 =	seq.s32 s10, $0x1;
	s10 =	sld [smem:$0x3FAE]  }
0x3d: {  	_ =	shalt  }
0x3e: {  	_ =	shalt  }
0x3f: {  	_ =	shalt  }
0x40: {  	_ =	shalt  }
0x41: {  	_ =	shalt  }
0x42: {  	_ =	shalt  }
0x43: {  	_ =	shalt  }
0x44: {  	_ =	shalt  }
0x45: {  	_ =	shalt  }
0x46: {  	_ =	shalt  }
0x47: {  	_ =	shalt  }
0x48: {  	_ =	shalt  }
0x49: {  	_ =	shalt  }
0x4a: {  	_ =	shalt  }
0x4b: {  	_ =	shalt  }
0x4c: {  	_ =	shalt  }
0x4d: {  	_ =	shalt  }
0x4e: {  	_ =	shalt  }
0x4f: {  	_ =	shalt  }
0x50: {  	_ =	shalt  }
0x51: {  	_ =	shalt  }
0x52: {  	_ =	shalt  }
0x53: {  	_ =	shalt  }
0x54: {  	_ =	shalt  }
0x55: {  	_ =	shalt  }
0x56: {  	_ =	shalt  }
0x57: {  	_ =	shalt  }
0x58: {  	_ =	shalt  }
0x59: {  	_ =	shalt  }
0x5a: {  	_ =	shalt  }
0x5b: {  	_ =	shalt  }
0x5c: {  	_ =	shalt  }
0x5d: {  	_ =	shalt  }
0x5e: {  	_ =	shalt  }
0x5f: {  	_ =	shalt  }
0x60: {  	_ =	shalt  }
0x61: {  	_ =	shalt  }
0x62: {  	_ =	shalt  }
0x63: {  	_ =	shalt  }
0x64: {  	_ =	shalt  }
0x65: {  	_ =	shalt  }
0x66: {  	_ =	shalt  }
0x67: {  	_ =	shalt  }
0x68: {  	_ =	shalt  }
0x69: {  	_ =	shalt  }
0x6a: {  	_ =	shalt  }
0x6b: {  	_ =	shalt  }
0x6c: {  	_ =	shalt  }
0x6d: {  	_ =	shalt  }
0x6e: {  	_ =	shalt  }
0x6f: {  	_ =	shalt  }
0x70: {  	_ =	shalt  }
0x71: {  	_ =	shalt  }
0x72: {  	_ =	shalt  }
0x73: {  	_ =	shalt  }
0x74: {  	_ =	shalt  }
0x75: {  	_ =	shalt  }
0x76: {  	_ =	shalt  }
0x77: {  	_ =	shalt  }
0x78: {  	_ =	shalt  }
0x79: {  	_ =	shalt  }
0x7a: {  	_ =	shalt  }
0x7b: {  	_ =	shalt  }
0x7c: {  	_ =	shalt  }
0x7d: {  	_ =	shalt  }
0x7e: {  	_ =	shalt  }
0x7f: {  	_ =	shalt  }
0x80: {  	_ =	shalt  }
0x81: {  	_ =	shalt  }
0x82: {  	_ =	shalt  }
0x83: {  	_ =	shalt  }
0x84: {  	_ =	shalt  }
0x85: {  	_ =	shalt  }
0x86: {  	_ =	shalt  }
0x87: {  	_ =	shalt  }
.Lfunc_end0:
.L_simem_size_0:
called_computation.2_lowered:
.L_overlay_start_0:
0x88: {  	s2 =	sld [smem:$0x3FD9]  }
0x89: {  	s3 =	sld [smem:$0x3FFE];
	_ =	sdelay $0x1  }
0x8a: {  	s1 =	srdreg.scid  }
0x8b: {  	s0 =	sand.u32 $0x1, s1  }
0x8c: {  	s17 =	sshll.u32 s0, $0xA;
	s2 =	sadd.s32 s3, s2  }
0x8d: {  	s2 =	sadd.s32 s2, s17  }
0x8e: {  	[smem:$0x3FBA] =	sst s2  }
0x8f: {  	_ = 	snop  }
0x90: {  	s2 =	sld [smem:$0x3FD0];
	(tm) =	ssettm $0x1  }
0x91: {  	s18 =	sld [smem:$0x3FFB];
	_ =	sdelay $0x3  }
0x92: {  	_ =	strace s18  }
0x93: {  	s3 =	sld [smem:$0x3FFC];
	_ =	sdelay $0x3  }
0x94: {  	_ =	strace s3  }
0x95: {  	s3 =	sld [smem:$0x3FFD];
	_ =	sdelay $0x3  }
0x96: {  	_ =	strace s3  }
0x97: {  	_ =	strace $0x8FFFFFFF  }
0x98: {  	s19 =	sld [smem:$0x3FDB];
	_ =	sdelay $0x1  }
0x99: {  	s4 =	simm.s32 $_scs_section_size  }
0x9a: {  	s5 =	simm.s32 $_size__tile_overlayer_lowered;
	s6 =	simm.s32 $_tile_overlayer_lowered  }
0x9b: {  	s22 =	simm.s32 $0x1BFF;
	s21 =	sshll.u32 s6, $0x1;
	s3 =	sadd.s32 s4, s19  }
0x9c: {  	s7 =	simm.s32 $0x0;
	s20 =	sshll.u32 s5, $0x1;
	s5 =	sadd.s32 s21, s3  }
0x9d: {  	[timem:s7], [sflag:s22] =	dma.local [hbm:s5], s20  }
0x9e: {  	_ =	swait.ge [sflag:s22], s20  }
0x9f: {  	s4 =	ssub.s32 $0x0, s20;
	[sflag:s22] =	ssyncset.done $0x0  }
0xa0: {  	[sflag:s22] =	ssyncadd.s32 s4;
	_ =	sdelay $0x1  }
0xa1: {  	s23 =	simm.s32 $0x1B8B  }
0xa2: {  	_ =	swait.ge [sflag:s23], $0x1  }
0xa3: {  	[sflag:s23] =	ssyncset.done $0x0  }
0xa4: {  	s25 =	simm.s32 $0x1B8E;
	s24 =	sld [smem:$0x3FFE];
	[sflag:s23] =	ssyncadd.s32 $0xFFFFFFFF  }
0xa5: {  	s26 =	simm.s32 $execute0_lowered;
	[smem:$0x3FD2] =	sst s25  }
0xa6: {  	s5 =	sshll.u32 s26, $0x1;
	_ =	strace $0x8000004C;
	[dreg:$0x1] =	wrdreg $0xFFFFFFFF  }
0xa7: {  	s28 =	simm.s32 $_size_execute0_lowered;
	s3 =	sadd.s32 s3, s5;
	[dreg:$0x0] =	wrdreg $0x0  }
0xa8: {  	s5 =	sshll.u32 s28, $0x1;
	[dreg:$0x2] =	wrdreg s3  }
0xa9: {  	[dreg:$0x3] =	wrdreg s5  }
0xaa: {  	[dreg:$0x4] =	wrdreg $0xC0  }
0xab: {  	_ =	task [dreg:s7], $0x5FFFF  }
0xac: {  	[dreg:$0x1] =	wrdreg $0xFFFFFFFF  }
0xad: {  	[dreg:$0x0] =	wrdreg $0x60  }
0xae: {  	[dreg:$0x2] =	wrdreg s24  }
0xaf: {  	[dreg:$0x3] =	wrdreg s2  }
0xb0: {  	[dreg:$0x4] =	wrdreg $0x54800  }
0xb1: {  	[dreg:$0x5] =	wrdreg $0x57000  }
0xb2: {  	[dreg:$0x6] =	wrdreg $0x9  }
0xb3: {  	_ =	task.clear_ibuf [dreg:s7], $0x7FFFF;
	_ =	strace $0x9000004C  }
0xb4: {  	s29 =	simm.s32 $0x9;
	_ =	strace $0x8000004E  }
0xb5: {  	_ =	swait.ge [sflag:s29], $0x1  }
0xb6: {  	[sflag:s29] =	ssyncadd.s32 $0xFFFFFFFF  }
0xb7: {  	_ =	strace $0x9000004E  }
0xb8: {  	_ =	sfence  }
0xb9: {  	s30 =	sld [smem:$0x0];
	_ =	sdelay $0x2  }
0xba: {  	s31 =	sshll.u32 s1, $0xD;
	s1 =	sshrl.u32 s1, $0x2  }
0xbb: {  	s3 =	sand.u32 $0x4000, s31;
	s1 =	sadd.s32 s1, s30  }
0xbc: {  	s0 =	sor.u32 s3, s0;
	s1 =	sshll.u32 s1, $0x11  }
0xbd: {  	s0 =	sor.u32 s1, s0  }
0xbe: {  	s0 =	sadd.s32 $0x8F2B, s0  }
0xbf: {  	[sflag:s0] =	ssyncadd.remote.s32 $0x1  }
0xc0: {  	_ =	sfence.sel $0xFFFF  }
0xc1: {  	[dreg:$0x0] =	wrdreg $0xFFFFFFFF;
	(pc) =	sbr.abs _section_cstart, $3  }
0xc2: {  	[dreg:$0x1] =	wrdreg $0xFFFFFFFF  }
0xc3: {  	_ =	task.clear_ibuf [dreg:s7], $0x2FFFF;
	_ =	strace $0x9FFFFFFF  }
0xc4: {  	(tm) =	ssettm $0x7FFFFFFF  }
0xc5: {  	_ =	shalt  }
tec
execute0_lowered:
.L_overlay_start_1:
0x0: {  	(tag) =	ssettag $0x1  }
0x1: {  	s0 =	rddreg [dreg:$0x0]  }
0x2: {  	s2 =	srdreg.scid;
	s1 =	rddreg [dreg:$0x1]  }
0x3: {  	s11 =	stileid.u32;
	s3 =	rddreg [dreg:$0x2];
	s14 =	simm.s32 $0x80  }
0x4: {  	s16 =	simm.s32 $0x5;
	s18 =	simm.s32 $0x5000;
	s19 =	simm.s32 $0x5100  }
0x5: {  	s20 =	simm.s32 $0x5080;
	s21 =	simm.s32 $0x5180;
	s22 =	simm.s32 $0x5200  }
0x6: {  	s23 =	simm.s32 $0x1;
	s24 =	simm.s32 $0x3;
	s28 =	simm.s32 $0x4F00  }
0x7: {  	s29 =	simm.s32 $0x4F80;
	s30 =	simm.s32 $0x20;
	s31 =	simm.s32 $0x10  }
0x8: {  	s2 =	sand.u32 $0x1, s2;
	s4 =	sshll.u32 s11, $0x1;
	s9 =	smul.u32 $0x500, s11  }
0x9: {  	s5 =	sshrl.u32 s11, $0x2;
	s11 =	smul.u32 $0x280, s11;
	s6 =	sor.u32 s2, s4  }
0xa: {  	s4 =	rddreg [dreg:$0x3];
	s7 =	smul.u32 $0x14000, s5;
	s5 =	simm.s32 $0x0  }
0xb: {  	s10 =	sshll.u32 s2, $0x7;
	s2 =	ssub.s32 $0x2, s2;
	s8 =	sshll.u32 s6, $0x7  }
0xc: {  	[smem:$0x7FF] =	sst s5;
	s25 =	smul.u32 $0x500, s6;
	s6 =	sadd.s32 $0x3000, s0  }
0xd: {  	s9 =	sor.u32 s10, s9;
	s26 =	sshrl.u32 s2, $0x1;
	s10 =	sadd.s32 s11, s4  }
0xe: {  	s8 =	sand.u32 $0x380, s8;
	_ =	strace $0x8000004D;
	s9 =	sshrl.u32 s9, $0x3  }
0xf: {  	s2 =	ssub.s32 s2, s26;
	s26 =	simm.s32 $0x4;
	s7 =	sor.u32 s7, s8  }
0x10: {  	s8 =	sadd.s32 s25, s0;
	s13 =	smax.u32 s2, $0x1;
	s25 =	simm.s32 $0x2  }
0x11: {  	s2 =	simm.s32 $0x0;
	s7 =	sshrl.u32 s7, $0x3;
	s8 =	sadd.s32 $0xE6600, s8  }
0x12: {  	s7 =	sadd.s32 s7, s0;
	s0 =	sadd.s32 s9, s0;
	s9 =	sadd.s32 s11, s3  }
0x13: {  	v0 =	vimm.f32 $0.0e+00;
	s7 =	sadd.s32 $0x17000, s7;
	s11 =	sadd.s32 $0x3600, s0;
	s12 =	sadd.s32 $0x4000, s0  }
.LBB2_1:
0x14: {  	s0 =	simm.s32 $0x400  }
0x15: {  	[tilespmem:s5], [sflag:$0x5] =	stream.strided.gather [hbm4b:s7+s14], $0x2800, s0, s14, $0x38;
	[tilespmem:$0x5980] =	vst v63  }
0x16: {  	_ =	swait.ge [sflag:s16], $0x2800  }
0x17: {  	[sflag:s16] =	ssyncset.done $0x0  }
0x18: {  	s15 =	simm.s32 $0x2800;
	[sflag:s16] =	ssyncadd.s32 $0xFFFFD800  }
0x19: {  	[tilespmem:s15], [sflag:$0x5] =	stream.linear.gather [hbm4b:s8+s5], $0x2800, $0x38;
	[tilespmem:$0x5980] =	vst v63  }
0x1a: {  	_ =	swait.ge [sflag:s16], $0x2800  }
0x1b: {  	[sflag:s16] =	ssyncset.done $0x0  }
0x1c: {  	[sflag:s16] =	ssyncadd.s32 $0xFFFFD800  }
0x1d: {  	[tilespmem:s18], [sflag:$0x1] =	stream.indirect.gather [hbm4b:s6+s14], $0x1, s5, s14, $0xb8;
	[tilespmem:$0x5980] =	vst v63  }
0x1e: {  	_ = 	snop  }
0x1f: {  	[tilespmem:s19], [sflag:$0x3] =	stream.indirect.gather [hbm4b:s1+s14], $0x1, s5, s14, $0xb8;
	[tilespmem:$0x5980] =	vst v63  }
0x20: {  	_ = 	snop  }
0x21: {  	[tilespmem:s20], [sflag:$0x2] =	stream.indirect.gather [hbm4b:s6+s14], $0x1, s14, s14, $0xb8;
	[tilespmem:$0x5980] =	vst v63  }
0x22: {  	_ = 	snop  }
0x23: {  	[tilespmem:s21], [sflag:$0x4] =	stream.indirect.gather [hbm4b:s1+s14], $0x1, s14, s14, $0xb8;
	[tilespmem:$0x5980] =	vst v63  }
0x24: {  	[tilespmem:$0x5200] =	vst v0  }
0x25: {  	[tilespmem:$0x5210] =	vst v0  }
0x26: {  	[tilespmem:$0x5220] =	vst v0  }
0x27: {  	[tilespmem:$0x5230] =	vst v0  }
0x28: {  	[tilespmem:$0x5240] =	vst v0  }
0x29: {  	[tilespmem:$0x5250] =	vst v0  }
0x2a: {  	[tilespmem:$0x5260] =	vst v0  }
0x2b: {  	[tilespmem:$0x5270] =	vst v0  }
0x2c: {  	[tilespmem:$0x5280] =	vst v0  }
0x2d: {  	[tilespmem:$0x5290] =	vst v0  }
0x2e: {  	[tilespmem:$0x52A0] =	vst v0  }
0x2f: {  	[tilespmem:$0x52B0] =	vst v0  }
0x30: {  	[tilespmem:$0x52C0] =	vst v0  }
0x31: {  	[tilespmem:$0x52D0] =	vst v0  }
0x32: {  	[tilespmem:$0x52E0] =	vst v0  }
0x33: {  	[tilespmem:$0x52F0] =	vst v0  }
0x34: {  	[tilespmem:$0x5300] =	vst v0  }
0x35: {  	[tilespmem:$0x5310] =	vst v0  }
0x36: {  	[tilespmem:$0x5320] =	vst v0  }
0x37: {  	[tilespmem:$0x5330] =	vst v0  }
0x38: {  	[tilespmem:$0x5340] =	vst v0  }
0x39: {  	[tilespmem:$0x5350] =	vst v0  }
0x3a: {  	[tilespmem:$0x5360] =	vst v0  }
0x3b: {  	[tilespmem:$0x5370] =	vst v0  }
0x3c: {  	[tilespmem:$0x5380] =	vst v0  }
0x3d: {  	[tilespmem:$0x5390] =	vst v0  }
0x3e: {  	[tilespmem:$0x53A0] =	vst v0  }
0x3f: {  	[tilespmem:$0x53B0] =	vst v0  }
0x40: {  	[tilespmem:$0x53C0] =	vst v0  }
0x41: {  	[tilespmem:$0x53D0] =	vst v0  }
0x42: {  	[tilespmem:$0x53E0] =	vst v0  }
0x43: {  	[tilespmem:$0x53F0] =	vst v0  }
0x44: {  	[tilespmem:$0x5400] =	vst v0  }
0x45: {  	[tilespmem:$0x5410] =	vst v0  }
0x46: {  	[tilespmem:$0x5420] =	vst v0  }
0x47: {  	[tilespmem:$0x5430] =	vst v0  }
0x48: {  	[tilespmem:$0x5440] =	vst v0  }
0x49: {  	[tilespmem:$0x5450] =	vst v0  }
0x4a: {  	[tilespmem:$0x5460] =	vst v0  }
0x4b: {  	[tilespmem:$0x5470] =	vst v0  }
0x4c: {  	[spmem:s9] =	stream.linear.scatter [tilespmem:s22], [sflag:$0x5], $0x280, $0x38;
	[tilespmem:$0x5980] =	vst v63  }
0x4d: {  	_ =	swait.ge [sflag:s16], $0x280  }
0x4e: {  	[sflag:s16] =	ssyncset.done $0x0  }
0x4f: {  	[sflag:s16] =	ssyncadd.s32 $0xFFFFFD80  }
0x50: {  	[spmem:s10] =	stream.linear.scatter [tilespmem:s22], [sflag:$0x5], $0x280, $0x38;
	[tilespmem:$0x5980] =	vst v63  }
0x51: {  	_ =	swait.ge [sflag:s16], $0x280  }
0x52: {  	[sflag:s16] =	ssyncset.done $0x0  }
0x53: {  	[sflag:s16] =	ssyncadd.s32 $0xFFFFFD80  }
0x54: {  	[bflag:$0x0] =	sbarrier.arrive $0xFFFF  }
0x55: {  	_ =	swait.ge [sflag:s23], $0x80  }
0x56: {  	[sflag:s23] =	ssyncset.done $0x0  }
0x57: {  	[sflag:s23] =	ssyncadd.s32 $0xFFFFFF80  }
0x58: {  	_ =	swait.ge [sflag:s24], $0x80  }
0x59: {  	[sflag:s24] =	ssyncset.done $0x0  }
0x5a: {  	s17 =	simm.s32 $0x2800;
	[sflag:s24] =	ssyncadd.s32 $0xFFFFFF80  }
0x5b: {  	[spmem:s3] =	stream.indirect.scatter.add.f32 [tilespmem:s18], [sflag:$0x5], $0x1, s17, s14, $0xb8;
	[tilespmem:$0x5980] =	vst v63  }
0x5c: {  	_ =	swait.ge [sflag:s16], $0x80  }
0x5d: {  	[sflag:s16] =	ssyncset.done $0x0  }
0x5e: {  	[sflag:s16] =	ssyncadd.s32 $0xFFFFFF80  }
0x5f: {  	[spmem:s4] =	stream.indirect.scatter.add.f32 [tilespmem:s19], [sflag:$0x5], $0x1, s17, s14, $0xb8;
	[tilespmem:$0x5980] =	vst v63  }
0x60: {  	_ =	swait.ge [sflag:s16], $0x80  }
0x61: {  	[sflag:s16] =	ssyncset.done $0x0  }
0x62: {  	s15 =	simm.s32 $0x100;
	[sflag:s16] =	ssyncadd.s32 $0xFFFFFF80  }
0x63: {  	[tilespmem:s18], [sflag:$0x1] =	stream.indirect.gather [hbm4b:s6+s14], $0x1, s15, s14, $0xb8;
	[tilespmem:$0x5980] =	vst v63  }
0x64: {  	_ = 	snop  }
0x65: {  	[tilespmem:s19], [sflag:$0x3] =	stream.indirect.gather [hbm4b:s1+s14], $0x1, s15, s14, $0xb8;
	[tilespmem:$0x5980] =	vst v63  }
0x66: {  	_ =	swait.ge [sflag:s25], $0x80  }
0x67: {  	[sflag:s25] =	ssyncset.done $0x0  }
0x68: {  	[sflag:s25] =	ssyncadd.s32 $0xFFFFFF80  }
0x69: {  	_ =	swait.ge [sflag:s26], $0x80  }
0x6a: {  	[sflag:s26] =	ssyncset.done $0x0  }
0x6b: {  	s17 =	simm.s32 $0x2880;
	[sflag:s26] =	ssyncadd.s32 $0xFFFFFF80  }
0x6c: {  	[spmem:s3] =	stream.indirect.scatter.add.f32 [tilespmem:s20], [sflag:$0x5], $0x1, s17, s14, $0xb8;
	[tilespmem:$0x5980] =	vst v63  }
0x6d: {  	_ =	swait.ge [sflag:s16], $0x80  }
0x6e: {  	[sflag:s16] =	ssyncset.done $0x0  }
0x6f: {  	[sflag:s16] =	ssyncadd.s32 $0xFFFFFF80  }
0x70: {  	[spmem:s4] =	stream.indirect.scatter.add.f32 [tilespmem:s21], [sflag:$0x5], $0x1, s17, s14, $0xb8;
	[tilespmem:$0x5980] =	vst v63  }
0x71: {  	_ =	swait.ge [sflag:s16], $0x80  }
0x72: {  	[sflag:s16] =	ssyncset.done $0x0  }
0x73: {  	s0 =	simm.s32 $0x400;
	s15 =	simm.s32 $0x180;
	[sflag:s16] =	ssyncadd.s32 $0xFFFFFF80  }
0x74: {  	[tilespmem:s20], [sflag:$0x2] =	stream.indirect.gather [hbm4b:s6+s14], $0x1, s15, s14, $0xb8;
	[tilespmem:$0x5980] =	vst v63  }
.LBB2_2:
0x75: {  	[tilespmem:s21], [sflag:$0x4] =	stream.indirect.gather [hbm4b:s1+s14], $0x1, s15, s14, $0xb8;
	[tilespmem:$0x5980] =	vst v63  }
0x76: {  	s15 =	smov.u32 s0  }
0x77: {  	p0 =	sne.s32 s0, $0x9800;
	s0 =	sadd.s32 $0x400, s0;
	_ =	swait.ge [sflag:s23], $0x80  }
0x78: {  	[sflag:s23] =	ssyncset.done $0x0  }
0x79: {  	[sflag:s23] =	ssyncadd.s32 $0xFFFFFF80  }
0x7a: {  	_ =	swait.ge [sflag:s24], $0x80  }
0x7b: {  	s15 =	sshra.s32 s15, $0x2;
	[sflag:s24] =	ssyncset.done $0x0  }
0x7c: {  	s17 =	sadd.s32 $0x2800, s15;
	[sflag:s24] =	ssyncadd.s32 $0xFFFFFF80  }
0x7d: {  	[spmem:s3] =	stream.indirect.scatter.add.f32 [tilespmem:s18], [sflag:$0x5], $0x1, s17, s14, $0xb8;
	[tilespmem:$0x5980] =	vst v63  }
0x7e: {  	_ =	swait.ge [sflag:s16], $0x80  }
0x7f: {  	[sflag:s16] =	ssyncset.done $0x0  }
0x80: {  	[sflag:s16] =	ssyncadd.s32 $0xFFFFFF80  }
0x81: {  	[spmem:s4] =	stream.indirect.scatter.add.f32 [tilespmem:s19], [sflag:$0x5], $0x1, s17, s14, $0xb8;
	[tilespmem:$0x5980] =	vst v63  }
0x82: {  	_ =	swait.ge [sflag:s16], $0x80  }
0x83: {  	[sflag:s16] =	ssyncset.done $0x0  }
0x84: {  	s17 =	sadd.s32 $0x100, s15;
	[sflag:s16] =	ssyncadd.s32 $0xFFFFFF80  }
0x85: {  	[tilespmem:s18], [sflag:$0x1] =	stream.indirect.gather [hbm4b:s6+s14], $0x1, s17, s14, $0xb8;
	[tilespmem:$0x5980] =	vst v63  }
0x86: {  	_ = 	snop  }
0x87: {  	[tilespmem:s19], [sflag:$0x3] =	stream.indirect.gather [hbm4b:s1+s14], $0x1, s17, s14, $0xb8;
	[tilespmem:$0x5980] =	vst v63  }
0x88: {  	_ =	swait.ge [sflag:s25], $0x80  }
0x89: {  	[sflag:s25] =	ssyncset.done $0x0  }
0x8a: {  	[sflag:s25] =	ssyncadd.s32 $0xFFFFFF80  }
0x8b: {  	_ =	swait.ge [sflag:s26], $0x80  }
0x8c: {  	[sflag:s26] =	ssyncset.done $0x0  }
0x8d: {  	s17 =	sadd.s32 $0x2880, s15;
	[sflag:s26] =	ssyncadd.s32 $0xFFFFFF80  }
0x8e: {  	[spmem:s3] =	stream.indirect.scatter.add.f32 [tilespmem:s20], [sflag:$0x5], $0x1, s17, s14, $0xb8;
	[tilespmem:$0x5980] =	vst v63  }
0x8f: {  	_ =	swait.ge [sflag:s16], $0x80  }
0x90: {  	[sflag:s16] =	ssyncset.done $0x0  }
0x91: {  	[sflag:s16] =	ssyncadd.s32 $0xFFFFFF80  }
0x92: {  	[spmem:s4] =	stream.indirect.scatter.add.f32 [tilespmem:s21], [sflag:$0x5], $0x1, s17, s14, $0xb8;
	[tilespmem:$0x5980] =	vst v63  }
.Ltmp0:
0x93: {  	_ = 	snop;
	(pc) =	sbr.rel @p0 .LBB2_2-.Ltmp0, $4  }
0x94: {  	_ =	swait.ge [sflag:s16], $0x80  }
0x95: {  	[sflag:s16] =	ssyncset.done $0x0  }
0x96: {  	s15 =	sadd.s32 $0x180, s15;
	[sflag:s16] =	ssyncadd.s32 $0xFFFFFF80  }
0x97: {  	[tilespmem:s20], [sflag:$0x2] =	stream.indirect.gather [hbm4b:s6+s14], $0x1, s15, s14, $0xb8;
	[tilespmem:$0x5980] =	vst v63  }
0x98: {  	[tilespmem:s21], [sflag:$0x4] =	stream.indirect.gather [hbm4b:s1+s14], $0x1, s15, s14, $0xb8;
	[tilespmem:$0x5980] =	vst v63  }
0x99: {  	_ =	swait.ge [sflag:s23], $0x80  }
0x9a: {  	[sflag:s23] =	ssyncset.done $0x0  }
0x9b: {  	[sflag:s23] =	ssyncadd.s32 $0xFFFFFF80  }
0x9c: {  	_ =	swait.ge [sflag:s24], $0x80  }
0x9d: {  	[sflag:s24] =	ssyncset.done $0x0  }
0x9e: {  	[sflag:s24] =	ssyncadd.s32 $0xFFFFFF80  }
0x9f: {  	[spmem:s3] =	stream.indirect.scatter.add.f32 [tilespmem:s18], [sflag:$0x5], $0x1, s28, s14, $0xb8;
	[tilespmem:$0x5980] =	vst v63  }
0xa0: {  	_ =	swait.ge [sflag:s16], $0x80  }
0xa1: {  	[sflag:s16] =	ssyncset.done $0x0  }
0xa2: {  	[sflag:s16] =	ssyncadd.s32 $0xFFFFFF80  }
0xa3: {  	[spmem:s4] =	stream.indirect.scatter.add.f32 [tilespmem:s19], [sflag:$0x5], $0x1, s28, s14, $0xb8;
	[tilespmem:$0x5980] =	vst v63  }
0xa4: {  	_ =	swait.ge [sflag:s16], $0x80  }
0xa5: {  	[sflag:s16] =	ssyncset.done $0x0  }
0xa6: {  	[sflag:s16] =	ssyncadd.s32 $0xFFFFFF80  }
0xa7: {  	_ =	swait.ge [sflag:s25], $0x80  }
0xa8: {  	[sflag:s25] =	ssyncset.done $0x0  }
0xa9: {  	[sflag:s25] =	ssyncadd.s32 $0xFFFFFF80  }
0xaa: {  	_ =	swait.ge [sflag:s26], $0x80  }
0xab: {  	[sflag:s26] =	ssyncset.done $0x0  }
0xac: {  	[sflag:s26] =	ssyncadd.s32 $0xFFFFFF80  }
0xad: {  	[spmem:s3] =	stream.indirect.scatter.add.f32 [tilespmem:s20], [sflag:$0x5], $0x1, s29, s14, $0xb8;
	[tilespmem:$0x5980] =	vst v63  }
0xae: {  	_ =	swait.ge [sflag:s16], $0x80  }
0xaf: {  	[sflag:s16] =	ssyncset.done $0x0  }
0xb0: {  	[sflag:s16] =	ssyncadd.s32 $0xFFFFFF80  }
0xb1: {  	[spmem:s4] =	stream.indirect.scatter.add.f32 [tilespmem:s21], [sflag:$0x5], $0x1, s29, s14, $0xb8;
	[tilespmem:$0x5980] =	vst v63  }
0xb2: {  	_ =	swait.ge [sflag:s16], $0x80  }
0xb3: {  	s0 =	stileid.u32;
	[sflag:s16] =	ssyncset.done $0x0  }
0xb4: {  	s0 =	sshll.u32 s0, $0x6;
	[sflag:s16] =	ssyncadd.s32 $0xFFFFFF80  }
0xb5: {  	s17 =	sshrl.u32 s9, $0x3;
	s0 =	sor.u32 $0x1C05, s0;
	[bflag:$0x0] =	sbarrier.arrive $0xFFFF  }
0xb6: {  	[hbm:s11@s30], [sflag:s0] =	dma.strided [spmem:s17@s31], $0x50, s23, $0x10   }
0xb7: {  	s2 =	sadd.s32 $0x1, s2;
	_ =	swait.ge [sflag:s16], $0x50  }
0xb8: {  	p0 =	sne.s32 s2, s13;
	[sflag:s16] =	ssyncset.done $0x0  }
.Ltmp1:
0xb9: {  	s17 =	sshrl.u32 s10, $0x3;
	[sflag:s16] =	ssyncadd.s32 $0xFFFFFFB0;
	(pc) =	sbr.rel @p0 .LBB2_1-.Ltmp1, $4  }
0xba: {  	[hbm:s12@s30], [sflag:s0] =	dma.strided [spmem:s17@s31], $0x50, s23, $0x10   }
0xbb: {  	_ =	swait.ge [sflag:s16], $0x50  }
0xbc: {  	[sflag:s16] =	ssyncset.done $0x0  }
0xbd: {  	[sflag:s16] =	ssyncadd.s32 $0xFFFFFFB0  }
0xbe: {  	_ =	sfence.sel $0x180000  }
0xbf: {  	[bflag:$0x0] =	sbarrier.arrive $0xFFFF  }
0xc0: {  	_ =	strace $0x9000004D  }
0xc1: {  	s0 =	stileid.u32;
	[bflag:$0x2] =	sbarrier.arrive $0xFFFF  }
0xc2: {  	p0 =	sne.s32 s0, $0x0;
	s0 =	rddreg [dreg:$0x4]  }
0xc3: {  	s0 =	sadd.s32 @!p0 $0x100000, s0  }
0xc4: {  	[sflag:s0] =	ssyncadd.tile.s32 @!p0 $0x1;
	_ =	shalt  }
.Lfunc_end2:
_tile_overlayer_lowered:
.L_overlay_start_2:
0xc5: {  	(tag) =	ssettag $0x2  }
0xc6: {  	s0 =	rddreg [dreg:$0x0];
	s2 =	stileid.u32  }
0xc7: {  	s1 =	rddreg [dreg:$0x1];
	p0 =	sne.s32 s2, $0x0  }
0xc8: {  	s3 =	rddreg [dreg:$0x2];
	[bflag:$0x3] =	sbarrier.arrive $0xFFFF;
	s2 =	simm.s32 @!p0 $0x1C05  }
0xc9: {  	[timem:s3], [sflag:s2] =	dma.local @!p0 [hbm:s0], s1  }
0xca: {  	s0 =	simm.s32 @!p0 $0x5  }
0xcb: {  	_ =	swait.ge @!p0 [sflag:s0], s1  }
0xcc: {  	s1 =	ssub.s32 @!p0 $0x0, s1;
	[sflag:s0] =	ssyncset.done @!p0 $0x0  }
0xcd: {  	[sflag:s0] =	ssyncadd.s32 @!p0 s1  }
0xce: {  	[bflag:$0x3] =	sbarrier.arrive $0xFFFF  }
0xcf: {  	_ =	shalt  }

// kernel: kernel.8.cloned.1.call-start
scs
__scs_entry_jumppad:
0x0: {  	(pc) =	sbr.rel $0x88, $3  }
0x1: {  	(tag) =	ssettag $0x0;
	lr =	simm.s32 $0x1  }
0x2: {  	[smem:$0x3F93] =	sst lr;
	_ =	strace $0xD0000000  }
0x3: {  	_ = 	snop  }
0x4: {  	_ = 	snop  }
0x5: {  	_ = 	snop  }
0x6: {  	_ = 	snop  }
0x7: {  	_ = 	snop  }
__scs_overlays_trampoline_lowered:
0x8: {  	[smem:$0x3FA2] =	sst s0  }
0x9: {  	[smem:$0x3FA3] =	sst s1  }
0xa: {  	[smem:$0x3FA4] =	sst s2  }
0xb: {  	[smem:$0x3FA5] =	sst s3  }
0xc: {  	[smem:$0x3FA6] =	sst s4  }
0xd: {  	[smem:$0x3FA7] =	sst s5  }
0xe: {  	[smem:$0x3FA8] =	sst s6  }
0xf: {  	[smem:$0x3FA9] =	sst s7  }
0x10: {  	[smem:$0x3FAA] =	sst s8  }
0x11: {  	[smem:$0x3FAB] =	sst s9;
	s0 =	simm.s32 @!p0 $0x0  }
0x12: {  	s1 =	sld [smem:$0x3F91];
	s0 =	simm.s32 @p0 $0x1  }
0x13: {  	[smem:$0x3FAC] =	sst s0;
	s0 =	simm.s32 @!p1 $0x0  }
0x14: {  	s2 =	sld [smem:$0x3F90];
	s0 =	simm.s32 @p1 $0x1  }
0x15: {  	[smem:$0x3FAD] =	sst s0;
	s0 =	simm.s32 @!p2 $0x0  }
0x16: {  	s3 =	sld [smem:$0x3FDB];
	s0 =	simm.s32 @p2 $0x1  }
0x17: {  	s4 =	simm.s32 $0x1BF5;
	[smem:$0x3FAF] =	sst s0  }
0x18: {  	s0 =	sld [smem:$0x3F92];
	_ =	swait.ge [sflag:s4], $0x0  }
0x19: {  	s7 =	sld [smem:$0x3F93]  }
0x1a: {  	s8 =	sadd.s32 $0xFFFFE003, lr  }
0x1b: {  	s9 =	sadd.s32 $0xFFFFFEF7, lr;
	s5 =	simm.s32 $0xFFFFFFFF;
	p2 =	slt.u32 s8, $0xFFFFF086  }
0x1c: {  	p1 =	slt.u32 s9, $0xF7A;
	s5 =	simm.s32 @!p2 $0x0  }
0x1d: {  	s5 =	simm.s32 @p1 $0x1;
	p0 =	seq.s32 s7, s2  }
0x1e: {  	s7 =	smul.u32 @!p0 $0xF7A, s2;
	p2 =	seq.s32 @!p0 s5, $0x0  }
0x1f: {  	s9 =	smul.u32 $0xF7A, s1;
	s8 =	simm.s32 @!p0 $0x1BF5;
	p2 =	por !p2, p0  }
0x20: {  	[sflag:s8] =	ssyncset.s32 @!p0 $0xFFFFF086;
	s6 =	sadd.s32 @!p0 s3, s7;
	s7 =	simm.s32 @!p0 $0x108  }
0x21: {  	s3 =	sadd.s32 s3, s9;
	s6 =	sadd.s32 @!p0 $0x88, s6;
	s7 =	simm.s32 @p2 $0x1082  }
0x22: {  	[simem:s7], [sflag:s8] =	dma.local @!p0 [hbm:s6], $0xF7A  }
0x23: {  	s9 =	sor.u32 $0xD0000000, s2;
	s6 =	simm.s32 $0x108;
	_ =	swait.ge @!p0 [sflag:s8], $0x0  }
0x24: {  	s3 =	sadd.s32 $0x88, s3;
	s6 =	simm.s32 @!p1 $0x1082;
	[sflag:s4] =	ssyncset.s32 $0xFFFFF086  }
0x25: {  	[simem:s6], [sflag:s4] =	dma.local [hbm:s3], $0xF7A  }
0x26: {  	[smem:$0x3F93] =	sst s1;
	(tag) =	ssettag s2;
	_ =	strace s9  }
0x27: {  	s1 =	sld [smem:$0x3FA3]  }
0x28: {  	s2 =	sld [smem:$0x3FA4]  }
0x29: {  	s4 =	sld [smem:$0x3FA6]  }
0x2a: {  	p0 =	seq.s32 s5, $0x0;
	s5 =	sld [smem:$0x3FA7]  }
0x2b: {  	s6 =	sld [smem:$0x3FA8]  }
0x2c: {  	s7 =	sld [smem:$0x3FA9]  }
0x2d: {  	s3 =	simm.s32 $0x108;
	s8 =	sld [smem:$0x3FAA]  }
0x2e: {  	s3 =	simm.s32 @!p0 $0x1082;
	s9 =	sld [smem:$0x3FAB]  }
0x2f: {  	lr =	sadd.s32 s0, s3;
	s0 =	sld [smem:$0x3FA2]  }
0x30: {  	s3 =	sld [smem:$0x3FA5]  }
0x31: {  	[smem:$0x3FAE] =	sst s10  }
0x32: {  	s10 =	sld [smem:$0x3FAC];
	_ =	sdelay $0x3  }
0x33: {  	p0 =	seq.s32 s10, $0x1;
	s10 =	sld [smem:$0x3FAE];
	_ =	sdelay $0x3  }
0x34: {  	[smem:$0x3FAE] =	sst s10  }
0x35: {  	s10 =	sld [smem:$0x3FAD];
	_ =	sdelay $0x3  }
0x36: {  	p1 =	seq.s32 s10, $0x1;
	s10 =	sld [smem:$0x3FAE];
	_ =	sdelay $0x3  }
0x37: {  	[smem:$0x3FAE] =	sst s10  }
0x38: {  	s10 =	sld [smem:$0x3FAF]  }
0x39: {  	_ = 	snop;
	(pc) =	sbr.ind lr, $3  }
0x3a: {  	_ = 	snop  }
0x3b: {  	_ = 	snop  }
0x3c: {  	p2 =	seq.s32 s10, $0x1;
	s10 =	sld [smem:$0x3FAE]  }
0x3d: {  	_ =	shalt  }
0x3e: {  	_ =	shalt  }
0x3f: {  	_ =	shalt  }
0x40: {  	_ =	shalt  }
0x41: {  	_ =	shalt  }
0x42: {  	_ =	shalt  }
0x43: {  	_ =	shalt  }
0x44: {  	_ =	shalt  }
0x45: {  	_ =	shalt  }
0x46: {  	_ =	shalt  }
0x47: {  	_ =	shalt  }
0x48: {  	_ =	shalt  }
0x49: {  	_ =	shalt  }
0x4a: {  	_ =	shalt  }
0x4b: {  	_ =	shalt  }
0x4c: {  	_ =	shalt  }
0x4d: {  	_ =	shalt  }
0x4e: {  	_ =	shalt  }
0x4f: {  	_ =	shalt  }
0x50: {  	_ =	shalt  }
0x51: {  	_ =	shalt  }
0x52: {  	_ =	shalt  }
0x53: {  	_ =	shalt  }
0x54: {  	_ =	shalt  }
0x55: {  	_ =	shalt  }
0x56: {  	_ =	shalt  }
0x57: {  	_ =	shalt  }
0x58: {  	_ =	shalt  }
0x59: {  	_ =	shalt  }
0x5a: {  	_ =	shalt  }
0x5b: {  	_ =	shalt  }
0x5c: {  	_ =	shalt  }
0x5d: {  	_ =	shalt  }
0x5e: {  	_ =	shalt  }
0x5f: {  	_ =	shalt  }
0x60: {  	_ =	shalt  }
0x61: {  	_ =	shalt  }
0x62: {  	_ =	shalt  }
0x63: {  	_ =	shalt  }
0x64: {  	_ =	shalt  }
0x65: {  	_ =	shalt  }
0x66: {  	_ =	shalt  }
0x67: {  	_ =	shalt  }
0x68: {  	_ =	shalt  }
0x69: {  	_ =	shalt  }
0x6a: {  	_ =	shalt  }
0x6b: {  	_ =	shalt  }
0x6c: {  	_ =	shalt  }
0x6d: {  	_ =	shalt  }
0x6e: {  	_ =	shalt  }
0x6f: {  	_ =	shalt  }
0x70: {  	_ =	shalt  }
0x71: {  	_ =	shalt  }
0x72: {  	_ =	shalt  }
0x73: {  	_ =	shalt  }
0x74: {  	_ =	shalt  }
0x75: {  	_ =	shalt  }
0x76: {  	_ =	shalt  }
0x77: {  	_ =	shalt  }
0x78: {  	_ =	shalt  }
0x79: {  	_ =	shalt  }
0x7a: {  	_ =	shalt  }
0x7b: {  	_ =	shalt  }
0x7c: {  	_ =	shalt  }
0x7d: {  	_ =	shalt  }
0x7e: {  	_ =	shalt  }
0x7f: {  	_ =	shalt  }
0x80: {  	_ =	shalt  }
0x81: {  	_ =	shalt  }
0x82: {  	_ =	shalt  }
0x83: {  	_ =	shalt  }
0x84: {  	_ =	shalt  }
0x85: {  	_ =	shalt  }
0x86: {  	_ =	shalt  }
0x87: {  	_ =	shalt  }
.Lfunc_end0:
.L_simem_size_0:
called_computation_lowered:
.L_overlay_start_0:
0x88: {  	s2 =	sld [smem:$0x3FD9]  }
0x89: {  	s3 =	sld [smem:$0x3FFE];
	_ =	sdelay $0x1  }
0x8a: {  	s1 =	srdreg.scid  }
0x8b: {  	s0 =	sand.u32 $0x1, s1  }
0x8c: {  	s17 =	sshll.u32 s0, $0xA;
	s2 =	sadd.s32 s3, s2  }
0x8d: {  	s2 =	sadd.s32 s2, s17  }
0x8e: {  	[smem:$0x3FBA] =	sst s2  }
0x8f: {  	_ = 	snop  }
0x90: {  	s2 =	sld [smem:$0x3FC9];
	(tm) =	ssettm $0x1  }
0x91: {  	s18 =	sld [smem:$0x3FFB];
	_ =	sdelay $0x3  }
0x92: {  	_ =	strace s18  }
0x93: {  	s3 =	sld [smem:$0x3FFC];
	_ =	sdelay $0x3  }
0x94: {  	_ =	strace s3  }
0x95: {  	s3 =	sld [smem:$0x3FFD];
	_ =	sdelay $0x3  }
0x96: {  	_ =	strace s3  }
0x97: {  	_ =	strace $0x8FFFFFFF  }
0x98: {  	s19 =	sld [smem:$0x3FDB];
	_ =	sdelay $0x1  }
0x99: {  	s4 =	simm.s32 $_scs_section_size  }
0x9a: {  	s5 =	simm.s32 $_size__tile_overlayer_lowered;
	s6 =	simm.s32 $_tile_overlayer_lowered  }
0x9b: {  	s22 =	simm.s32 $0x1BFF;
	s21 =	sshll.u32 s6, $0x1;
	s3 =	sadd.s32 s4, s19  }
0x9c: {  	s7 =	simm.s32 $0x0;
	s20 =	sshll.u32 s5, $0x1;
	s5 =	sadd.s32 s21, s3  }
0x9d: {  	[timem:s7], [sflag:s22] =	dma.local [hbm:s5], s20  }
0x9e: {  	_ =	swait.ge [sflag:s22], s20  }
0x9f: {  	s4 =	ssub.s32 $0x0, s20;
	[sflag:s22] =	ssyncset.done $0x0  }
0xa0: {  	[sflag:s22] =	ssyncadd.s32 s4;
	_ =	sdelay $0x1  }
0xa1: {  	s23 =	simm.s32 $0x1B8B  }
0xa2: {  	_ =	swait.ge [sflag:s23], $0x1  }
0xa3: {  	[sflag:s23] =	ssyncset.done $0x0  }
0xa4: {  	s25 =	simm.s32 $0x1B8E;
	s24 =	sld [smem:$0x3FFE];
	[sflag:s23] =	ssyncadd.s32 $0xFFFFFFFF  }
0xa5: {  	s26 =	simm.s32 $execute0_lowered;
	[smem:$0x3FD2] =	sst s25  }
0xa6: {  	s5 =	sshll.u32 s26, $0x1;
	_ =	strace $0x80000046;
	[dreg:$0x1] =	wrdreg $0xFFFFFFFF  }
0xa7: {  	s28 =	simm.s32 $_size_execute0_lowered;
	s3 =	sadd.s32 s3, s5;
	[dreg:$0x0] =	wrdreg $0x0  }
0xa8: {  	s5 =	sshll.u32 s28, $0x1;
	[dreg:$0x2] =	wrdreg s3  }
0xa9: {  	[dreg:$0x3] =	wrdreg s5  }
0xaa: {  	[dreg:$0x4] =	wrdreg $0xC0  }
0xab: {  	_ =	task [dreg:s7], $0x5FFFF  }
0xac: {  	[dreg:$0x1] =	wrdreg $0xFFFFFFFF  }
0xad: {  	[dreg:$0x0] =	wrdreg $0x60  }
0xae: {  	[dreg:$0x2] =	wrdreg s2  }
0xaf: {  	[dreg:$0x3] =	wrdreg s24  }
0xb0: {  	[dreg:$0x4] =	wrdreg $0xB8000  }
0xb1: {  	[dreg:$0x5] =	wrdreg $0x1FB000  }
0xb2: {  	[dreg:$0x6] =	wrdreg $0x9  }
0xb3: {  	_ =	task.clear_ibuf [dreg:s7], $0x7FFFF;
	_ =	strace $0x90000046  }
0xb4: {  	s29 =	simm.s32 $0x9;
	_ =	strace $0x80000048  }
0xb5: {  	_ =	swait.ge [sflag:s29], $0x1  }
0xb6: {  	[sflag:s29] =	ssyncadd.s32 $0xFFFFFFFF  }
0xb7: {  	_ =	strace $0x90000048  }
0xb8: {  	_ =	sfence  }
0xb9: {  	s30 =	sld [smem:$0x0];
	_ =	sdelay $0x2  }
0xba: {  	s31 =	sshll.u32 s1, $0xD;
	s1 =	sshrl.u32 s1, $0x2  }
0xbb: {  	s3 =	sand.u32 $0x4000, s31;
	s1 =	sadd.s32 s1, s30  }
0xbc: {  	s0 =	sor.u32 s3, s0;
	s1 =	sshll.u32 s1, $0x11  }
0xbd: {  	s0 =	sor.u32 s1, s0  }
0xbe: {  	s0 =	sadd.s32 $0x8F2B, s0  }
0xbf: {  	[sflag:s0] =	ssyncadd.remote.s32 $0x1  }
0xc0: {  	_ =	sfence.sel $0xFFFF  }
0xc1: {  	[dreg:$0x0] =	wrdreg $0xFFFFFFFF;
	(pc) =	sbr.abs _section_cstart, $3  }
0xc2: {  	[dreg:$0x1] =	wrdreg $0xFFFFFFFF  }
0xc3: {  	_ =	task.clear_ibuf [dreg:s7], $0x2FFFF;
	_ =	strace $0x9FFFFFFF  }
0xc4: {  	(tm) =	ssettm $0x7FFFFFFF  }
0xc5: {  	_ =	shalt  }
tec
execute0_lowered:
.L_overlay_start_1:
0x0: {  	(tag) =	ssettag $0x1  }
0x1: {  	s1 =	rddreg [dreg:$0x0]  }
0x2: {  	s0 =	srdreg.scid;
	s12 =	stileid.u32  }
0x3: {  	s2 =	rddreg [dreg:$0x1];
	s9 =	smul.u32 $0x14000, s12  }
0x4: {  	s3 =	rddreg [dreg:$0x2];
	s29 =	simm.s32 $0x40;
	s16 =	smul.u32 $0x500, s12  }
0x5: {  	s30 =	simm.s32 $0x9800;
	s31 =	simm.s32 $0x1;
	s11 =	smul.u32 $0x50000, s12  }
0x6: {  	s28 =	simm.s32 $0x0;
	s6 =	sshrl.u32 s12, $0x2;
	s26 =	smul.u32 $0xA00, s12  }
0x7: {  	s0 =	sand.u32 $0x1, s0;
	s4 =	sshll.u32 s12, $0x1;
	s6 =	smul.u32 $0x14000, s6  }
0x8: {  	s5 =	sor.u32 s0, s4;
	s4 =	rddreg [dreg:$0x3];
	s14 =	smul.u32 $0x140000, s0  }
0x9: {  	s17 =	sshll.u32 s0, $0x7;
	s0 =	ssub.s32 $0x2, s0;
	s7 =	sshll.u32 s5, $0x7  }
0xa: {  	s8 =	smul.u32 $0xA00, s5;
	s5 =	simm.s32 $0x0;
	s18 =	sor.u32 s17, s16  }
0xb: {  	s20 =	sshrl.u32 s0, $0x1;
	s21 =	sshrl.u32 s11, $0x2;
	s7 =	sand.u32 $0x380, s7  }
0xc: {  	[smem:$0x7FF] =	sst s5;
	s15 =	sadd.s32 s9, s14;
	s0 =	ssub.s32 s0, s20  }
0xd: {  	s6 =	sor.u32 s6, s7;
	_ =	strace $0x80000047;
	s8 =	sadd.s32 s8, s2  }
0xe: {  	s7 =	sshrl.u32 s26, $0x2;
	s26 =	simm.s32 $0x7800;
	s6 =	sshrl.u32 s6, $0x3  }
0xf: {  	s23 =	sadd.s32 $0x3000, s8;
	s10 =	sadd.s32 s6, s2;
	s6 =	sshrl.u32 s15, $0x3  }
0x10: {  	[dreg:$0x6] =	wrdreg s23;
	s23 =	simm.s32 $0x7700;
	s19 =	sadd.s32 s6, s2  }
0x11: {  	s6 =	sshrl.u32 s18, $0x3;
	s22 =	sadd.s32 $0x17000, s10;
	s18 =	sadd.s32 s7, s4  }
0x12: {  	s2 =	sadd.s32 s6, s2;
	s6 =	sadd.s32 s21, s3;
	[dreg:$0x5] =	wrdreg s22  }
0x13: {  	s19 =	sadd.s32 $0x21000, s19;
	s21 =	smax.u32 s0, $0x1;
	s22 =	simm.s32 $0x2  }
0x14: {  	s24 =	sadd.s32 $0x2000, s6;
	s25 =	sadd.s32 $0x4000, s6;
	s11 =	sadd.s32 $0x6000, s6  }
0x15: {  	s12 =	sadd.s32 $0x8000, s6;
	s13 =	sadd.s32 $0xA000, s6;
	s14 =	sadd.s32 $0xC000, s6  }
0x16: {  	s15 =	sadd.s32 $0xE000, s6;
	s16 =	sadd.s32 $0x10000, s6;
	s17 =	sadd.s32 $0x12000, s6  }
0x17: {  	s20 =	sadd.s32 $0x71000, s2;
	s2 =	simm.s32 $0x1F800;
	[dreg:$0x7] =	wrdreg s24  }
0x18: {  	v0 =	vimm.f32 $0.0e+00;
	v1 =	vimm.f32 $1.000000000e+00;
	[dreg:$0x8] =	wrdreg s25;
	s24 =	simm.s32 $0x3;
	s25 =	simm.s32 $0x7780  }
.LBB2_1:
0x19: {  	s0 =	rddreg [dreg:$0x5];
	s7 =	simm.s32 $0x80;
	s8 =	simm.s32 $0x400  }
0x1a: {  	[tilespmem:s5], [sflag:$0x3] =	stream.strided.gather [hbm4b:s0+s7], $0x2800, s8, s7, $0x38;
	[tilespmem:$0x1FD80] =	vst v63  }
0x1b: {  	_ =	swait.ge [sflag:s24], $0x2800  }
0x1c: {  	[sflag:s24] =	ssyncset.done $0x0  }
0x1d: {  	s10 =	simm.s32 $0x2800;
	s9 =	rddreg [dreg:$0x6];
	[sflag:s24] =	ssyncadd.s32 $0xFFFFD800  }
0x1e: {  	[tilespmem:s10], [sflag:$0x3] =	stream.linear.gather [hbm4b:s9+s5], $0x5000, $0x38;
	[tilespmem:$0x1FD80] =	vst v63  }
0x1f: {  	s8 =	sand.u32 $0x7E00, s5;
	s0 =	simm.s32 $0x40;
	_ =	swait.ge [sflag:s24], $0x5000  }
0x20: {  	s9 =	sand.u32 $0x70, s5;
	s10 =	sshrl.u32 s8, $0x2;
	[sflag:s24] =	ssyncset.done $0x0  }
0x21: {  	s7 =	simm.s32 $0x0;
	s8 =	sor.u32 s9, s10;
	[sflag:s24] =	ssyncadd.s32 $0xFFFFB000  }
.LBB2_2:
0x22: {  	p0 =	sne.s32 s0, $0x7FC0  }
0x23: {  	[tilespmem:s8+$0x7800] =	vst v0;
	s7 =	sadd.s32 $0x10, s7;
	s8 =	smov.u32 s0;
	s0 =	sadd.s32 $0x40, s0  }
.Ltmp0:
0x24: {  	(pc) =	sbr.rel @p0 .LBB2_2-.Ltmp0, $4  }
0x25: {  	_ = 	snop  }
0x26: {  	s8 =	sand.u32 $0x7E00, s8  }
0x27: {  	s9 =	sand.u32 $0x70, s7;
	s8 =	sshrl.u32 s8, $0x2  }
0x28: {  	s8 =	sor.u32 s9, s8  }
0x29: {  	[tilespmem:s8+$0x7800] =	vst v0  }
0x2a: {  	[spmem:s6] =	stream.linear.scatter [tilespmem:s26], [sflag:$0x3], $0x2000, $0x38;
	[tilespmem:$0x1FD80] =	vst v63  }
0x2b: {  	_ =	swait.ge [sflag:s24], $0x2000  }
0x2c: {  	[sflag:s24] =	ssyncset.done $0x0  }
0x2d: {  	s0 =	rddreg [dreg:$0x7];
	[sflag:s24] =	ssyncadd.s32 $0xFFFFE000  }
0x2e: {  	[spmem:s0] =	stream.linear.scatter [tilespmem:s26], [sflag:$0x3], $0x2000, $0x38;
	[tilespmem:$0x1FD80] =	vst v63  }
0x2f: {  	_ =	swait.ge [sflag:s24], $0x2000  }
0x30: {  	[sflag:s24] =	ssyncset.done $0x0  }
0x31: {  	s9 =	rddreg [dreg:$0x8];
	[sflag:s24] =	ssyncadd.s32 $0xFFFFE000  }
0x32: {  	[spmem:s9] =	stream.linear.scatter [tilespmem:s26], [sflag:$0x3], $0x2000, $0x38;
	[tilespmem:$0x1FD80] =	vst v63  }
0x33: {  	_ =	swait.ge [sflag:s24], $0x2000  }
0x34: {  	[sflag:s24] =	ssyncset.done $0x0  }
0x35: {  	[sflag:s24] =	ssyncadd.s32 $0xFFFFE000  }
0x36: {  	[spmem:s11] =	stream.linear.scatter [tilespmem:s26], [sflag:$0x3], $0x2000, $0x38;
	[tilespmem:$0x1FD80] =	vst v63  }
0x37: {  	_ =	swait.ge [sflag:s24], $0x2000  }
0x38: {  	[sflag:s24] =	ssyncset.done $0x0  }
0x39: {  	[sflag:s24] =	ssyncadd.s32 $0xFFFFE000  }
0x3a: {  	[spmem:s12] =	stream.linear.scatter [tilespmem:s26], [sflag:$0x3], $0x2000, $0x38;
	[tilespmem:$0x1FD80] =	vst v63  }
0x3b: {  	_ =	swait.ge [sflag:s24], $0x2000  }
0x3c: {  	[sflag:s24] =	ssyncset.done $0x0  }
0x3d: {  	[sflag:s24] =	ssyncadd.s32 $0xFFFFE000  }
0x3e: {  	[spmem:s13] =	stream.linear.scatter [tilespmem:s26], [sflag:$0x3], $0x2000, $0x38;
	[tilespmem:$0x1FD80] =	vst v63  }
0x3f: {  	_ =	swait.ge [sflag:s24], $0x2000  }
0x40: {  	[sflag:s24] =	ssyncset.done $0x0  }
0x41: {  	[sflag:s24] =	ssyncadd.s32 $0xFFFFE000  }
0x42: {  	[spmem:s14] =	stream.linear.scatter [tilespmem:s26], [sflag:$0x3], $0x2000, $0x38;
	[tilespmem:$0x1FD80] =	vst v63  }
0x43: {  	_ =	swait.ge [sflag:s24], $0x2000  }
0x44: {  	[sflag:s24] =	ssyncset.done $0x0  }
0x45: {  	[sflag:s24] =	ssyncadd.s32 $0xFFFFE000  }
0x46: {  	[spmem:s15] =	stream.linear.scatter [tilespmem:s26], [sflag:$0x3], $0x2000, $0x38;
	[tilespmem:$0x1FD80] =	vst v63  }
0x47: {  	_ =	swait.ge [sflag:s24], $0x2000  }
0x48: {  	[sflag:s24] =	ssyncset.done $0x0  }
0x49: {  	[sflag:s24] =	ssyncadd.s32 $0xFFFFE000  }
0x4a: {  	[spmem:s16] =	stream.linear.scatter [tilespmem:s26], [sflag:$0x3], $0x2000, $0x38;
	[tilespmem:$0x1FD80] =	vst v63  }
0x4b: {  	_ =	swait.ge [sflag:s24], $0x2000  }
0x4c: {  	[sflag:s24] =	ssyncset.done $0x0  }
0x4d: {  	[sflag:s24] =	ssyncadd.s32 $0xFFFFE000  }
0x4e: {  	[spmem:s17] =	stream.linear.scatter [tilespmem:s26], [sflag:$0x3], $0x2000, $0x38;
	[tilespmem:$0x1FD80] =	vst v63  }
0x4f: {  	_ =	swait.ge [sflag:s24], $0x2000  }
0x50: {  	[sflag:s24] =	ssyncset.done $0x0  }
0x51: {  	[sflag:s24] =	ssyncadd.s32 $0xFFFFE000  }
0x52: {  	[tilespmem:$0x1F800] =	vst v1  }
0x53: {  	[tilespmem:$0x1F810] =	vst v1  }
0x54: {  	[tilespmem:$0x1F820] =	vst v1  }
0x55: {  	[tilespmem:$0x1F830] =	vst v1  }
0x56: {  	[tilespmem:$0x1F880] =	vst v0  }
0x57: {  	[tilespmem:$0x1F890] =	vst v0  }
0x58: {  	[tilespmem:$0x1F8A0] =	vst v0  }
0x59: {  	[tilespmem:$0x1F8B0] =	vst v0  }
0x5a: {  	[tilespmem:$0x1F8C0] =	vst v0  }
0x5b: {  	[tilespmem:$0x1F8D0] =	vst v0  }
0x5c: {  	[tilespmem:$0x1F8E0] =	vst v0  }
0x5d: {  	[tilespmem:$0x1F8F0] =	vst v0  }
0x5e: {  	[tilespmem:$0x1F900] =	vst v0  }
0x5f: {  	[tilespmem:$0x1F910] =	vst v0  }
0x60: {  	[tilespmem:$0x1F920] =	vst v0  }
0x61: {  	[tilespmem:$0x1F930] =	vst v0  }
0x62: {  	[tilespmem:$0x1F940] =	vst v0  }
0x63: {  	[tilespmem:$0x1F950] =	vst v0  }
0x64: {  	[tilespmem:$0x1F960] =	vst v0  }
0x65: {  	[tilespmem:$0x1F970] =	vst v0  }
0x66: {  	[tilespmem:$0x1F980] =	vst v0  }
0x67: {  	[tilespmem:$0x1F990] =	vst v0  }
0x68: {  	[tilespmem:$0x1F9A0] =	vst v0  }
0x69: {  	[tilespmem:$0x1F9B0] =	vst v0  }
0x6a: {  	[tilespmem:$0x1F9C0] =	vst v0  }
0x6b: {  	[tilespmem:$0x1F9D0] =	vst v0  }
0x6c: {  	[tilespmem:$0x1F9E0] =	vst v0  }
0x6d: {  	[tilespmem:$0x1F9F0] =	vst v0  }
0x6e: {  	[tilespmem:$0x1FA00] =	vst v0  }
0x6f: {  	[tilespmem:$0x1FA10] =	vst v0  }
0x70: {  	[tilespmem:$0x1FA20] =	vst v0  }
0x71: {  	[tilespmem:$0x1FA30] =	vst v0  }
0x72: {  	[tilespmem:$0x1FA40] =	vst v0  }
0x73: {  	[tilespmem:$0x1FA50] =	vst v0  }
0x74: {  	[tilespmem:$0x1FA60] =	vst v0  }
0x75: {  	[tilespmem:$0x1FA70] =	vst v0  }
0x76: {  	[tilespmem:$0x1FA80] =	vst v0  }
0x77: {  	[tilespmem:$0x1FA90] =	vst v0  }
0x78: {  	[tilespmem:$0x1FAA0] =	vst v0  }
0x79: {  	[tilespmem:$0x1FAB0] =	vst v0  }
0x7a: {  	[tilespmem:$0x1FAC0] =	vst v0  }
0x7b: {  	[tilespmem:$0x1FAD0] =	vst v0  }
0x7c: {  	[tilespmem:$0x1FAE0] =	vst v0  }
0x7d: {  	s10 =	simm.s32 $0x1F880;
	[tilespmem:$0x1FAF0] =	vst v0  }
0x7e: {  	[spmem:s18] =	stream.linear.scatter [tilespmem:s10], [sflag:$0x3], $0x280, $0x38;
	[tilespmem:$0x1FD80] =	vst v63  }
0x7f: {  	_ =	swait.ge [sflag:s24], $0x280  }
0x80: {  	[sflag:s24] =	ssyncset.done $0x0  }
0x81: {  	s7 =	simm.s32 $0x0;
	[sflag:s24] =	ssyncadd.s32 $0xFFFFFD80  }
0x82: {  	[tilespmem:s26], [sflag:$0x1] =	stream.indirect.gather [hbm4b:s1+s29], $0x80, s7, s29, $0xb8;
	[tilespmem:$0x1FD80] =	vst v63  }
0x83: {  	_ = 	snop  }
0x84: {  	[tilespmem:s30], [sflag:$0x2] =	stream.indirect.gather [hbm4b:s1+s29], $0x80, s29, s29, $0xb8;
	[tilespmem:$0x1FD80] =	vst v63  }
0x85: {  	[bflag:$0x0] =	sbarrier.arrive $0xFFFF  }
0x86: {  	_ =	swait.ge [sflag:s31], $0x2000  }
0x87: {  	[sflag:s31] =	ssyncset.done $0x0  }
0x88: {  	s8 =	simm.s32 $0x2800;
	[sflag:s31] =	ssyncadd.s32 $0xFFFFE000  }
0x89: {  	[spmem:s3] =	stream.indirect.scatter.add.f32 [tilespmem:s26], [sflag:$0x3], $0x80, s8, s29, $0xb8;
	[tilespmem:$0x1FD80] =	vst v63  }
0x8a: {  	_ =	swait.ge [sflag:s24], $0x2000  }
0x8b: {  	[sflag:s24] =	ssyncset.done $0x0  }
0x8c: {  	[sflag:s24] =	ssyncadd.s32 $0xFFFFE000  }
0x8d: {  	[spmem:s4] =	stream.indirect.scatter.add.f32 [tilespmem:s2], [sflag:$0x3], $0x1, s8, s29, $0xb8;
	[tilespmem:$0x1FD80] =	vst v63  }
0x8e: {  	_ =	swait.ge [sflag:s24], $0x40  }
0x8f: {  	[sflag:s24] =	ssyncset.done $0x0  }
0x90: {  	s9 =	simm.s32 $0x80;
	[sflag:s24] =	ssyncadd.s32 $0xFFFFFFC0  }
0x91: {  	[tilespmem:s26], [sflag:$0x1] =	stream.indirect.gather [hbm4b:s1+s29], $0x80, s9, s29, $0xb8;
	[tilespmem:$0x1FD80] =	vst v63  }
0x92: {  	_ =	swait.ge [sflag:s22], $0x2000  }
0x93: {  	[sflag:s22] =	ssyncset.done $0x0  }
0x94: {  	s10 =	simm.s32 $0x2880;
	[sflag:s22] =	ssyncadd.s32 $0xFFFFE000  }
0x95: {  	[spmem:s3] =	stream.indirect.scatter.add.f32 [tilespmem:s30], [sflag:$0x3], $0x80, s10, s29, $0xb8;
	[tilespmem:$0x1FD80] =	vst v63  }
0x96: {  	_ =	swait.ge [sflag:s24], $0x2000  }
0x97: {  	[sflag:s24] =	ssyncset.done $0x0  }
0x98: {  	[sflag:s24] =	ssyncadd.s32 $0xFFFFE000  }
0x99: {  	[spmem:s4] =	stream.indirect.scatter.add.f32 [tilespmem:s2], [sflag:$0x3], $0x1, s10, s29, $0xb8;
	[tilespmem:$0x1FD80] =	vst v63  }
0x9a: {  	_ =	swait.ge [sflag:s24], $0x40  }
0x9b: {  	s0 =	simm.s32 $0xC0;
	[sflag:s24] =	ssyncset.done $0x0  }
0x9c: {  	s7 =	simm.s32 $0x400;
	s8 =	simm.s32 $0x140;
	[sflag:s24] =	ssyncadd.s32 $0xFFFFFFC0  }
.LBB2_4:
0x9d: {  	[tilespmem:s30], [sflag:$0x2] =	stream.indirect.gather [hbm4b:s1+s29], $0x80, s0, s29, $0xb8;
	[tilespmem:$0x1FD80] =	vst v63  }
0x9e: {  	s9 =	smov.u32 s7;
	s0 =	smov.u32 s8  }
0x9f: {  	p0 =	sne.s32 s7, $0x13800;
	s7 =	sadd.s32 $0x400, s7;
	_ =	swait.ge [sflag:s31], $0x2000  }
0xa0: {  	s9 =	sshra.s32 s9, $0x2;
	[sflag:s31] =	ssyncset.done $0x0  }
0xa1: {  	s10 =	sadd.s32 $0x2800, s9;
	[sflag:s31] =	ssyncadd.s32 $0xFFFFE000  }
0xa2: {  	[spmem:s3] =	stream.indirect.scatter.add.f32 [tilespmem:s26], [sflag:$0x3], $0x80, s10, s29, $0xb8;
	[tilespmem:$0x1FD80] =	vst v63  }
0xa3: {  	_ =	swait.ge [sflag:s24], $0x2000  }
0xa4: {  	[sflag:s24] =	ssyncset.done $0x0  }
0xa5: {  	[sflag:s24] =	ssyncadd.s32 $0xFFFFE000  }
0xa6: {  	[spmem:s4] =	stream.indirect.scatter.add.f32 [tilespmem:s2], [sflag:$0x3], $0x1, s10, s29, $0xb8;
	[tilespmem:$0x1FD80] =	vst v63  }
0xa7: {  	_ =	swait.ge [sflag:s24], $0x40  }
0xa8: {  	[sflag:s24] =	ssyncset.done $0x0  }
0xa9: {  	s10 =	sadd.s32 $0xFFFFFFC0, s8;
	[sflag:s24] =	ssyncadd.s32 $0xFFFFFFC0  }
0xaa: {  	[tilespmem:s26], [sflag:$0x1] =	stream.indirect.gather [hbm4b:s1+s29], $0x80, s10, s29, $0xb8;
	[tilespmem:$0x1FD80] =	vst v63  }
0xab: {  	_ =	swait.ge [sflag:s22], $0x2000  }
0xac: {  	[sflag:s22] =	ssyncset.done $0x0  }
0xad: {  	s9 =	sadd.s32 $0x2880, s9;
	[sflag:s22] =	ssyncadd.s32 $0xFFFFE000  }
0xae: {  	[spmem:s3] =	stream.indirect.scatter.add.f32 [tilespmem:s30], [sflag:$0x3], $0x80, s9, s29, $0xb8;
	[tilespmem:$0x1FD80] =	vst v63  }
0xaf: {  	_ =	swait.ge [sflag:s24], $0x2000  }
0xb0: {  	[sflag:s24] =	ssyncset.done $0x0  }
.Ltmp1:
0xb1: {  	[sflag:s24] =	ssyncadd.s32 $0xFFFFE000;
	(pc) =	sbr.rel @p0 .LBB2_4-.Ltmp1, $4  }
0xb2: {  	[spmem:s4] =	stream.indirect.scatter.add.f32 [tilespmem:s2], [sflag:$0x3], $0x1, s9, s29, $0xb8;
	[tilespmem:$0x1FD80] =	vst v63  }
0xb3: {  	_ =	swait.ge [sflag:s24], $0x40  }
0xb4: {  	[sflag:s24] =	ssyncset.done $0x0  }
0xb5: {  	s8 =	sadd.s32 $0x80, s8;
	[sflag:s24] =	ssyncadd.s32 $0xFFFFFFC0  }
0xb6: {  	[tilespmem:s30], [sflag:$0x2] =	stream.indirect.gather [hbm4b:s1+s29], $0x80, s0, s29, $0xb8;
	[tilespmem:$0x1FD80] =	vst v63  }
0xb7: {  	_ =	swait.ge [sflag:s31], $0x2000  }
0xb8: {  	[sflag:s31] =	ssyncset.done $0x0  }
0xb9: {  	[sflag:s31] =	ssyncadd.s32 $0xFFFFE000  }
0xba: {  	[spmem:s3] =	stream.indirect.scatter.add.f32 [tilespmem:s26], [sflag:$0x3], $0x80, s23, s29, $0xb8;
	[tilespmem:$0x1FD80] =	vst v63  }
0xbb: {  	_ =	swait.ge [sflag:s24], $0x2000  }
0xbc: {  	[sflag:s24] =	ssyncset.done $0x0  }
0xbd: {  	[sflag:s24] =	ssyncadd.s32 $0xFFFFE000  }
0xbe: {  	[spmem:s4] =	stream.indirect.scatter.add.f32 [tilespmem:s2], [sflag:$0x3], $0x1, s23, s29, $0xb8;
	[tilespmem:$0x1FD80] =	vst v63  }
0xbf: {  	_ =	swait.ge [sflag:s24], $0x40  }
0xc0: {  	[sflag:s24] =	ssyncset.done $0x0  }
0xc1: {  	[sflag:s24] =	ssyncadd.s32 $0xFFFFFFC0  }
0xc2: {  	_ =	swait.ge [sflag:s22], $0x2000  }
0xc3: {  	[sflag:s22] =	ssyncset.done $0x0  }
0xc4: {  	[sflag:s22] =	ssyncadd.s32 $0xFFFFE000  }
0xc5: {  	[spmem:s3] =	stream.indirect.scatter.add.f32 [tilespmem:s30], [sflag:$0x3], $0x80, s25, s29, $0xb8;
	[tilespmem:$0x1FD80] =	vst v63  }
0xc6: {  	_ =	swait.ge [sflag:s24], $0x2000  }
0xc7: {  	[sflag:s24] =	ssyncset.done $0x0  }
0xc8: {  	[sflag:s24] =	ssyncadd.s32 $0xFFFFE000  }
0xc9: {  	[spmem:s4] =	stream.indirect.scatter.add.f32 [tilespmem:s2], [sflag:$0x3], $0x1, s25, s29, $0xb8;
	[tilespmem:$0x1FD80] =	vst v63  }
0xca: {  	_ =	swait.ge [sflag:s24], $0x40  }
0xcb: {  	s9 =	stileid.u32;
	[sflag:s24] =	ssyncset.done $0x0  }
0xcc: {  	s0 =	sshll.u32 s9, $0x6;
	[sflag:s24] =	ssyncadd.s32 $0xFFFFFFC0  }
0xcd: {  	s7 =	sshrl.u32 s6, $0x3;
	s0 =	sor.u32 $0x1C03, s0;
	[bflag:$0x0] =	sbarrier.arrive $0xFFFF  }
0xce: {  	[hbm:s19], [sflag:s0] =	dma.local [spmem:s7], $0x2800  }
0xcf: {  	s10 =	sshrl.u32 s18, $0x3;
	s28 =	sadd.s32 $0x1, s28;
	_ =	swait.ge [sflag:s24], $0x2800  }
0xd0: {  	s8 =	simm.s32 $0x20;
	p0 =	sne.s32 s28, s21;
	[sflag:s24] =	ssyncset.done $0x0  }
.Ltmp2:
0xd1: {  	s9 =	simm.s32 $0x10;
	[sflag:s24] =	ssyncadd.s32 $0xFFFFD800;
	(pc) =	sbr.rel @p0 .LBB2_1-.Ltmp2, $4  }
0xd2: {  	[hbm:s20@s8], [sflag:s0] =	dma.strided [spmem:s10@s9], $0x50, s31, $0x10   }
0xd3: {  	_ =	swait.ge [sflag:s24], $0x50  }
0xd4: {  	[sflag:s24] =	ssyncset.done $0x0  }
0xd5: {  	[sflag:s24] =	ssyncadd.s32 $0xFFFFFFB0  }
0xd6: {  	_ =	sfence.sel $0x180000  }
0xd7: {  	[bflag:$0x0] =	sbarrier.arrive $0xFFFF  }
0xd8: {  	_ =	strace $0x90000047  }
0xd9: {  	s0 =	stileid.u32;
	[bflag:$0x2] =	sbarrier.arrive $0xFFFF  }
0xda: {  	p0 =	sne.s32 s0, $0x0;
	s0 =	rddreg [dreg:$0x4]  }
0xdb: {  	s0 =	sadd.s32 @!p0 $0x100000, s0  }
0xdc: {  	[sflag:s0] =	ssyncadd.tile.s32 @!p0 $0x1;
	_ =	shalt  }
.Lfunc_end2:
_tile_overlayer_lowered:
.L_overlay_start_2:
0xdd: {  	(tag) =	ssettag $0x2  }
0xde: {  	s0 =	rddreg [dreg:$0x0];
	s2 =	stileid.u32  }
0xdf: {  	s1 =	rddreg [dreg:$0x1];
	p0 =	sne.s32 s2, $0x0  }
0xe0: {  	s3 =	rddreg [dreg:$0x2];
	[bflag:$0x3] =	sbarrier.arrive $0xFFFF;
	s2 =	simm.s32 @!p0 $0x1C03  }
0xe1: {  	[timem:s3], [sflag:s2] =	dma.local @!p0 [hbm:s0], s1  }
0xe2: {  	s0 =	simm.s32 @!p0 $0x3  }
0xe3: {  	_ =	swait.ge @!p0 [sflag:s0], s1  }
0xe4: {  	s1 =	ssub.s32 @!p0 $0x0, s1;
	[sflag:s0] =	ssyncset.done @!p0 $0x0  }
0xe5: {  	[sflag:s0] =	ssyncadd.s32 @!p0 s1  }
0xe6: {  	[bflag:$0x3] =	sbarrier.arrive $0xFFFF  }
0xe7: {  	_ =	shalt  }

</sc_bundles>
